<compile_context>
chip_gen: v7x
topology: tpu7x:2x2x1
jax: 0.10.2.dev20260603
libtpu: 0.0.44.dev20260713+nightly
codegen_flags: <defaults>
</compile_context>

<pallas_src>
import functools

import jax
import jax.numpy as jnp
from jax import lax
from jax.experimental import pallas as pl
from jax.experimental.pallas import tpu as pltpu
from jax.experimental.pallas import tpu_sc as plsc

N_ATOMS = 3_200_000
N_MOL = 50_000
STD = 1.2
MEAN = -0.5

LANES = 16
NC = 2
NS = 16
NW = NC * NS
PER_W = N_ATOMS // NW
CHUNK = 10_000
NCHUNK = PER_W // CHUNK
STRIDE = CHUNK // LANES
UNROLL = 25

ACC_N = ((N_MOL + 255) // 256) * 256
SLICE = ACC_N // NS
SLICE_V = SLICE // LANES
NWAVE = 8


def _sc_body(e_hbm, i_hbm, part_hbm, acc, eb0, ib0, eb1, ib1,
             mb0, mb1, rbuf, shared, se0, si0, se1, si1, sm0, sm1):
    c = lax.axis_index("c")
    s = lax.axis_index("s")
    wid = s * NC + c
    base = wid * PER_W

    bufs = ((eb0, ib0, se0, si0), (eb1, ib1, se1, si1))

    def start(ch, which):
        eb, ib, se, si = bufs[which]
        off = base + ch * CHUNK
        pltpu.async_copy(e_hbm.at[pl.ds(off, CHUNK)], eb, se)
        pltpu.async_copy(i_hbm.at[pl.ds(off, CHUNK)], ib, si)

    def wait(which):
        eb, ib, se, si = bufs[which]
        pltpu.make_async_copy(e_hbm.at[pl.ds(0, CHUNK)], eb, se).wait()
        pltpu.make_async_copy(i_hbm.at[pl.ds(0, CHUNK)], ib, si).wait()

    start(0, 0)
    start(1, 1)

    zero = jnp.zeros((LANES,), jnp.float32)

    @plsc.parallel_loop(0, ACC_N // LANES, step=1, unroll=16)
    def _(i):
        acc[pl.ds(i * LANES, LANES)] = zero

    base_ix = lax.iota(jnp.int32, LANES) * STRIDE

    def compute(which):
        eb, ib, _, _ = bufs[which]

        @plsc.parallel_loop(0, STRIDE, step=1, unroll=UNROLL)
        def _(i):
            iv = base_ix + i
            e = plsc.load_gather(eb, [iv])
            ix = plsc.load_gather(ib, [iv])
            plsc.addupdate_scatter(acc, [ix], e * STD + MEAN)

    def pair(p, _):
        ch0 = p * 2
        wait(0)
        compute(0)

        @pl.when(ch0 + 2 < NCHUNK)
        def _():
            start(ch0 + 2, 0)

        wait(1)
        compute(1)

        @pl.when(ch0 + 3 < NCHUNK)
        def _():
            start(ch0 + 3, 1)

        return 0

    lax.fori_loop(0, NCHUNK // 2, pair, 0)

    moff = s * SLICE
    mbufs = ((mb0, sm0), (mb1, sm1))

    def mstart(t):
        mb, sm = mbufs[t % 2]
        return pltpu.async_copy(shared.at[pl.ds(t * ACC_N + moff, SLICE)], mb, sm)

    for wave in range(NS // NWAVE):
        lo_t, hi_t = wave * NWAVE, (wave + 1) * NWAVE

        @pl.when(jnp.logical_and(s >= lo_t, s < hi_t))
        def _():
            pltpu.sync_copy(acc, shared.at[pl.ds((s - lo_t) * ACC_N, ACC_N)])

        plsc.subcore_barrier()

        if wave == 0:
            pltpu.sync_copy(shared.at[pl.ds(moff, SLICE)], rbuf)
            first = 1
        else:
            first = 0
        mpend = {first % 2: mstart(first)}
        for t in range(first, NWAVE):
            mpend[t % 2].wait()
            mb, _ = mbufs[t % 2]
            if t + 1 < NWAVE:
                mpend[(t + 1) % 2] = mstart(t + 1)

            @plsc.parallel_loop(0, SLICE_V, step=1, unroll=14)
            def _(i):
                o = i * LANES
                rbuf[pl.ds(o, LANES)] = rbuf[pl.ds(o, LANES)] + mb[pl.ds(o, LANES)]

        if wave == 0:
            plsc.subcore_barrier()

    pltpu.sync_copy(rbuf, part_hbm.at[pl.ds(c * ACC_N + moff, SLICE)])


_sc_call = functools.partial(
    pl.kernel,
    out_type=jax.ShapeDtypeStruct((NC * ACC_N,), jnp.float32),
    mesh=plsc.VectorSubcoreMesh(
        core_axis_name="c", subcore_axis_name="s", num_cores=NC, num_subcores=NS
    ),
    scratch_types=[
        pltpu.VMEM((ACC_N,), jnp.float32),
        pltpu.VMEM((CHUNK,), jnp.float32),
        pltpu.VMEM((CHUNK,), jnp.int32),
        pltpu.VMEM((CHUNK,), jnp.float32),
        pltpu.VMEM((CHUNK,), jnp.int32),
        pltpu.VMEM((SLICE,), jnp.float32),
        pltpu.VMEM((SLICE,), jnp.float32),
        pltpu.VMEM((SLICE,), jnp.float32),
        pltpu.MemorySpace.VMEM_SHARED((NWAVE * ACC_N,), jnp.float32),
        pltpu.SemaphoreType.DMA,
        pltpu.SemaphoreType.DMA,
        pltpu.SemaphoreType.DMA,
        pltpu.SemaphoreType.DMA,
        pltpu.SemaphoreType.DMA,
        pltpu.SemaphoreType.DMA,
    ],
    compiler_params=pltpu.CompilerParams(needs_layout_passes=False),
)(_sc_body)


def _merge_body(p_ref, o_ref):
    o_ref[...] = p_ref[pl.ds(0, N_MOL)] + p_ref[pl.ds(ACC_N, N_MOL)]


_merge_call = pl.pallas_call(
    _merge_body,
    out_shape=jax.ShapeDtypeStruct((N_MOL,), jnp.float32),
)


_CP_BLK = 128_000


def _copy_body(e_ref, o_ref):
    o_ref[...] = e_ref[...]


_copy_call = pl.pallas_call(
    _copy_body,
    grid=(N_ATOMS // _CP_BLK,),
    in_specs=[pl.BlockSpec((_CP_BLK,), lambda i: (i,))],
    out_specs=pl.BlockSpec((_CP_BLK,), lambda i: (i,)),
    out_shape=jax.ShapeDtypeStruct((N_ATOMS,), jnp.float32),
)


def kernel(per_atom_energy, atomic_subsystem_indices):
    e = per_atom_energy.reshape(N_ATOMS)
    idx = atomic_subsystem_indices.astype(jnp.int32)
    partials = _sc_call(e, idx)
    per_molecule = _merge_call(partials)
    e_out = _copy_call(e)
    return (per_molecule, e_out.reshape(N_ATOMS, 1))

# --- scband reference (transcript-rebuilt; emitter-appended) ---
"""Pipeline reference for scband-post-processing-7241314861371 (READ-ONLY COPY).

The authoritative reference and input builder live on the scoring server;
editing this copy changes nothing except your own understanding.
"""

import jax, jax.numpy as jnp
import numpy as np

N_ATOMS = 3200000
N_MOLECULES = 50000
E_MEAN = -0.5
E_STDDEV = 1.2

def setup_inputs(seed: int = 0) -> dict:
    key = jax.random.key(seed)
    k1, k2 = jax.random.split(key)
    per_atom_energy = jax.random.normal(k1, (N_ATOMS, 1), dtype=jnp.float32)
    atomic_subsystem_indices = jnp.sort(
        jax.random.randint(k2, (N_ATOMS,), 0, N_MOLECULES, dtype=jnp.int64)
    )
    return {
        "per_atom_energy": per_atom_energy,
        "atomic_subsystem_indices": atomic_subsystem_indices,
    }

def reference(per_atom_energy, atomic_subsystem_indices):
    # PerAtomEnergy chain: (1) undo normalization using dataset statistics,
    # (2) from-atom-to-molecule reduction (scatter-add / segment_sum),
    # (3) keep detached per-atom property.
    scaled = per_atom_energy * E_STDDEV + E_MEAN  # [N_ATOMS, 1]
    per_molecule_energy = jax.ops.segment_sum(
        scaled[:, 0], atomic_subsystem_indices, num_segments=N_MOLECULES
    )  # [N_MOLECULES]
    # processed_data = {'per_molecule_energy': ..., 'per_atom_energy': detached input}
    per_atom_energy_detached = jax.lax.stop_gradient(per_atom_energy)
    return (per_molecule_energy, per_atom_energy_detached)

if __name__ == "__main__":
    import jax
    _d = setup_inputs()
    print(jax.jit(kernel)(*tuple(_d.values())))

</pallas_src>

<mosaic_0001>
#map = affine_map<(d0, d1) -> (0)>
module attributes {stable_mosaic.version = 14 : i64} {
  func.func @_sc_body(%arg0: i32, %arg1: i32, %arg2: memref<3200000xf32, #tpu.memory_space<hbm>>, %arg3: memref<3200000xi32, #tpu.memory_space<hbm>>, %arg4: memref<100352xf32, #tpu.memory_space<hbm>>, %arg5: memref<50176xf32, #tpu.memory_space<vmem>>, %arg6: memref<10000xf32, #tpu.memory_space<vmem>>, %arg7: memref<10000xi32, #tpu.memory_space<vmem>>, %arg8: memref<10000xf32, #tpu.memory_space<vmem>>, %arg9: memref<10000xi32, #tpu.memory_space<vmem>>, %arg10: memref<3136xf32, #tpu.memory_space<vmem>>, %arg11: memref<3136xf32, #tpu.memory_space<vmem>>, %arg12: memref<3136xf32, #tpu.memory_space<vmem>>, %arg13: memref<401408xf32, #tpu.memory_space<vmem_shared>>, %arg14: memref<!tpu.dma_semaphore, #tpu.memory_space<semaphore_mem>>, %arg15: memref<!tpu.dma_semaphore, #tpu.memory_space<semaphore_mem>>, %arg16: memref<!tpu.dma_semaphore, #tpu.memory_space<semaphore_mem>>, %arg17: memref<!tpu.dma_semaphore, #tpu.memory_space<semaphore_mem>>, %arg18: memref<!tpu.dma_semaphore, #tpu.memory_space<semaphore_mem>>, %arg19: memref<!tpu.dma_semaphore, #tpu.memory_space<semaphore_mem>>) attributes {dimension_semantics = [#tpu.dimension_semantics<core_parallel>, #tpu.dimension_semantics<subcore_parallel>], iteration_bounds = array<i64: 2, 16>, scalar_prefetch = 0 : i64, scratch_operands = 15 : i64, tpu.core_type = #tpu.core_type<sc_vector_subcore>, window_params = [{transform_indices = #map}, {transform_indices = #map}, {transform_indices = #map}]} {
    %mul3A = arith.constant 2 : i32
    %mul3A_0 = arith.muli %arg1, %mul3A : i32
    %add3A = arith.addi %mul3A_0, %arg0 : i32
    %mul3A_1 = arith.constant 100000 : i32
    %mul3A_2 = arith.muli %add3A, %mul3A_1 : i32
    %add3A_3 = arith.constant 0 : i32
    %add3A_4 = arith.addi %mul3A_2, %add3A_3 : i32
    %dma_start3A = tpu.memref_slice %arg2[%add3A_4] : memref<3200000xf32, #tpu.memory_space<hbm>> -> memref<10000xf32, #tpu.memory_space<hbm>>
    %dma_start3A_5 = tpu.memref_slice %arg2[%add3A_4] : memref<3200000xf32, #tpu.memory_space<hbm>> -> memref<10000xf32, #tpu.memory_space<hbm>>
    tpu.enqueue_dma source(%dma_start3A_5 : memref<10000xf32, #tpu.memory_space<hbm>>) target(%arg6 : memref<10000xf32, #tpu.memory_space<vmem>>) target_semaphore(%arg14 : memref<!tpu.dma_semaphore, #tpu.memory_space<semaphore_mem>>)
    %dma_start3A_6 = tpu.memref_slice %arg3[%add3A_4] : memref<3200000xi32, #tpu.memory_space<hbm>> -> memref<10000xi32, #tpu.memory_space<hbm>>
    %dma_start3A_7 = tpu.memref_slice %arg3[%add3A_4] : memref<3200000xi32, #tpu.memory_space<hbm>> -> memref<10000xi32, #tpu.memory_space<hbm>>
    tpu.enqueue_dma source(%dma_start3A_7 : memref<10000xi32, #tpu.memory_space<hbm>>) target(%arg7 : memref<10000xi32, #tpu.memory_space<vmem>>) target_semaphore(%arg15 : memref<!tpu.dma_semaphore, #tpu.memory_space<semaphore_mem>>)
    %add3A_8 = arith.constant 10000 : i32
    %add3A_9 = arith.addi %mul3A_2, %add3A_8 : i32
    %dma_start3A_10 = tpu.memref_slice %arg2[%add3A_9] : memref<3200000xf32, #tpu.memory_space<hbm>> -> memref<10000xf32, #tpu.memory_space<hbm>>
    %dma_start3A_11 = tpu.memref_slice %arg2[%add3A_9] : memref<3200000xf32, #tpu.memory_space<hbm>> -> memref<10000xf32, #tpu.memory_space<hbm>>
    tpu.enqueue_dma source(%dma_start3A_11 : memref<10000xf32, #tpu.memory_space<hbm>>) target(%arg8 : memref<10000xf32, #tpu.memory_space<vmem>>) target_semaphore(%arg16 : memref<!tpu.dma_semaphore, #tpu.memory_space<semaphore_mem>>)
    %dma_start3A_12 = tpu.memref_slice %arg3[%add3A_9] : memref<3200000xi32, #tpu.memory_space<hbm>> -> memref<10000xi32, #tpu.memory_space<hbm>>
    %dma_start3A_13 = tpu.memref_slice %arg3[%add3A_9] : memref<3200000xi32, #tpu.memory_space<hbm>> -> memref<10000xi32, #tpu.memory_space<hbm>>
    tpu.enqueue_dma source(%dma_start3A_13 : memref<10000xi32, #tpu.memory_space<hbm>>) target(%arg9 : memref<10000xi32, #tpu.memory_space<vmem>>) target_semaphore(%arg17 : memref<!tpu.dma_semaphore, #tpu.memory_space<semaphore_mem>>)
    %broadcast_in_dim3A = arith.constant 0.000000e+00 : f32
    %broadcast_in_dim3A_14 = vector.broadcast %broadcast_in_dim3A : f32 to vector<16xf32>
    %parallel_loop3A = arith.constant 0 : i32
    %parallel_loop3A_15 = arith.constant 3136 : i32
    %parallel_loop3A_16 = arith.constant 1 : i32
    scf.for %parallel_loop3A_178 = %parallel_loop3A to %parallel_loop3A_15 step %parallel_loop3A_16  : i32 {
      %parallel_loop3A_179 = arith.constant 16 : i32
      %parallel_loop3A_180 = arith.muli %parallel_loop3A_178, %parallel_loop3A_179 : i32
      %parallel_loop3A_181 = arith.index_cast %parallel_loop3A_180 : i32 to index
      %parallel_loop3A_182 = tpu.vector_load %arg5[%parallel_loop3A_181] {strides = array<i32>} : memref<50176xf32, #tpu.memory_space<vmem>>, vector<16xf32>,
      tpu.vector_store %arg5[%parallel_loop3A_181], %broadcast_in_dim3A_14 {strides = array<i32>} : memref<50176xf32, #tpu.memory_space<vmem>>, vector<16xf32>,
    } {sc.loop_unroll_factor = 16 : i64, sc.parallel_access}
    %iota3A = tpu.iota {dimensions = array<i32: 0>} : vector<16xi32>
    %mul3A_17 = arith.constant 625 : i32
    %mul3A_18 = vector.broadcast %mul3A_17 : i32 to vector<16xi32>
    %mul3A_19 = arith.muli %iota3A, %mul3A_18 : vector<16xi32>
    %scan3A = arith.constant 0 : i32
    %scan3A_20 = arith.constant 0 : i32
    %scan3A_21 = arith.constant 5 : i32
    %scan3A_22 = arith.addi %scan3A_20, %scan3A_21 : i32
    %scan3A_23 = arith.constant 1 : i32
    %scan3A_24 = scf.for %scan3A_178 = %scan3A_20 to %scan3A_22 step %scan3A_23 iter_args(%scan3A_179 = %scan3A) -> (i32)  : i32 {
      %mul3A_180 = arith.constant 2 : i32
      %mul3A_181 = arith.muli %scan3A_178, %mul3A_180 : i32
      %dma_wait3A_182 = arith.constant 0 : i32
      %dma_wait3A_183 = tpu.memref_slice %arg2[%dma_wait3A_182] : memref<3200000xf32, #tpu.memory_space<hbm>> -> memref<10000xf32, #tpu.memory_space<hbm>>
      %dma_wait3A_184 = arith.constant 0 : i32
      %dma_wait3A_185 = tpu.memref_slice %arg2[%dma_wait3A_184] : memref<3200000xf32, #tpu.memory_space<hbm>> -> memref<10000xf32, #tpu.memory_space<hbm>>
      tpu.wait_dma2 semaphore(%arg14 : memref<!tpu.dma_semaphore, #tpu.memory_space<semaphore_mem>>) src(%dma_wait3A_185 : memref<10000xf32, #tpu.memory_space<hbm>>) dst(%arg6 : memref<10000xf32, #tpu.memory_space<vmem>>)
      %dma_wait3A_186 = arith.constant 0 : i32
      %dma_wait3A_187 = tpu.memref_slice %arg3[%dma_wait3A_186] : memref<3200000xi32, #tpu.memory_space<hbm>> -> memref<10000xi32, #tpu.memory_space<hbm>>
      %dma_wait3A_188 = arith.constant 0 : i32
      %dma_wait3A_189 = tpu.memref_slice %arg3[%dma_wait3A_188] : memref<3200000xi32, #tpu.memory_space<hbm>> -> memref<10000xi32, #tpu.memory_space<hbm>>
      tpu.wait_dma2 semaphore(%arg15 : memref<!tpu.dma_semaphore, #tpu.memory_space<semaphore_mem>>) src(%dma_wait3A_189 : memref<10000xi32, #tpu.memory_space<hbm>>) dst(%arg7 : memref<10000xi32, #tpu.memory_space<vmem>>)
      %parallel_loop3A_190 = arith.constant 0 : i32
      %parallel_loop3A_191 = arith.constant 625 : i32
      %parallel_loop3A_192 = arith.constant 1 : i32
      scf.for %parallel_loop3A_219 = %parallel_loop3A_190 to %parallel_loop3A_191 step %parallel_loop3A_192  : i32 {
        %parallel_loop3A_220 = vector.broadcast %parallel_loop3A_219 : i32 to vector<16xi32>
        %parallel_loop3A_221 = arith.addi %mul3A_19, %parallel_loop3A_220 : vector<16xi32>
        %parallel_loop3A_222 = tpu.vector_load_idx %arg6[%parallel_loop3A_221] : memref<10000xf32, #tpu.memory_space<vmem>>[vector<16xi32>], vector<16xf32>,
        %parallel_loop3A_223 = tpu.vector_load_idx %arg7[%parallel_loop3A_221] : memref<10000xi32, #tpu.memory_space<vmem>>[vector<16xi32>], vector<16xi32>,
        %parallel_loop3A_224 = arith.constant 1.200000e+00 : f32
        %parallel_loop3A_225 = vector.broadcast %parallel_loop3A_224 : f32 to vector<16xf32>
        %parallel_loop3A_226 = arith.mulf %parallel_loop3A_222, %parallel_loop3A_225 : vector<16xf32>
        %parallel_loop3A_227 = arith.constant -5.000000e-01 : f32
        %parallel_loop3A_228 = vector.broadcast %parallel_loop3A_227 : f32 to vector<16xf32>
        %parallel_loop3A_229 = arith.addf %parallel_loop3A_226, %parallel_loop3A_228 : vector<16xf32>
        tpu.vector_store_idx %arg5[%parallel_loop3A_223], %parallel_loop3A_229 {add = true} : memref<50176xf32, #tpu.memory_space<vmem>>[vector<16xi32>], vector<16xf32>,
      } {sc.loop_unroll_factor = 25 : i64, sc.parallel_access}
      %add3A_193 = arith.constant 2 : i32
      %add3A_194 = arith.addi %mul3A_181, %add3A_193 : i32
      %lt3A_195 = arith.constant 10 : i32
      %lt3A_196 = arith.cmpi slt, %add3A_194, %lt3A_195 : i32
      %convert_element_type3A_197 = arith.extui %lt3A_196 : i1 to i32
      %cond3A_198 = arith.constant 0 : i32
      %cond3A_199 = arith.cmpi ne, %convert_element_type3A_197, %cond3A_198 : i32
      scf.if %cond3A_199 {
        %add3A_219 = arith.constant 2 : i32
        %add3A_220 = arith.addi %mul3A_181, %add3A_219 : i32
        %mul3A_221 = arith.constant 10000 : i32
        %mul3A_222 = arith.muli %add3A_220, %mul3A_221 : i32
        %add3A_223 = arith.addi %mul3A_2, %mul3A_222 : i32
        %dma_start3A_224 = tpu.memref_slice %arg2[%add3A_223] : memref<3200000xf32, #tpu.memory_space<hbm>> -> memref<10000xf32, #tpu.memory_space<hbm>>
        %dma_start3A_225 = tpu.memref_slice %arg2[%add3A_223] : memref<3200000xf32, #tpu.memory_space<hbm>> -> memref<10000xf32, #tpu.memory_space<hbm>>
        tpu.enqueue_dma source(%dma_start3A_225 : memref<10000xf32, #tpu.memory_space<hbm>>) target(%arg6 : memref<10000xf32, #tpu.memory_space<vmem>>) target_semaphore(%arg14 : memref<!tpu.dma_semaphore, #tpu.memory_space<semaphore_mem>>)
        %dma_start3A_226 = tpu.memref_slice %arg3[%add3A_223] : memref<3200000xi32, #tpu.memory_space<hbm>> -> memref<10000xi32, #tpu.memory_space<hbm>>
        %dma_start3A_227 = tpu.memref_slice %arg3[%add3A_223] : memref<3200000xi32, #tpu.memory_space<hbm>> -> memref<10000xi32, #tpu.memory_space<hbm>>
        tpu.enqueue_dma source(%dma_start3A_227 : memref<10000xi32, #tpu.memory_space<hbm>>) target(%arg7 : memref<10000xi32, #tpu.memory_space<vmem>>) target_semaphore(%arg15 : memref<!tpu.dma_semaphore, #tpu.memory_space<semaphore_mem>>)
      } else {
      }
      %dma_wait3A_200 = arith.constant 0 : i32
      %dma_wait3A_201 = tpu.memref_slice %arg2[%dma_wait3A_200] : memref<3200000xf32, #tpu.memory_space<hbm>> -> memref<10000xf32, #tpu.memory_space<hbm>>
      %dma_wait3A_202 = arith.constant 0 : i32
      %dma_wait3A_203 = tpu.memref_slice %arg2[%dma_wait3A_202] : memref<3200000xf32, #tpu.memory_space<hbm>> -> memref<10000xf32, #tpu.memory_space<hbm>>
      tpu.wait_dma2 semaphore(%arg16 : memref<!tpu.dma_semaphore, #tpu.memory_space<semaphore_mem>>) src(%dma_wait3A_203 : memref<10000xf32, #tpu.memory_space<hbm>>) dst(%arg8 : memref<10000xf32, #tpu.memory_space<vmem>>)
      %dma_wait3A_204 = arith.constant 0 : i32
      %dma_wait3A_205 = tpu.memref_slice %arg3[%dma_wait3A_204] : memref<3200000xi32, #tpu.memory_space<hbm>> -> memref<10000xi32, #tpu.memory_space<hbm>>
      %dma_wait3A_206 = arith.constant 0 : i32
      %dma_wait3A_207 = tpu.memref_slice %arg3[%dma_wait3A_206] : memref<3200000xi32, #tpu.memory_space<hbm>> -> memref<10000xi32, #tpu.memory_space<hbm>>
      tpu.wait_dma2 semaphore(%arg17 : memref<!tpu.dma_semaphore, #tpu.memory_space<semaphore_mem>>) src(%dma_wait3A_207 : memref<10000xi32, #tpu.memory_space<hbm>>) dst(%arg9 : memref<10000xi32, #tpu.memory_space<vmem>>)
      %parallel_loop3A_208 = arith.constant 0 : i32
      %parallel_loop3A_209 = arith.constant 625 : i32
      %parallel_loop3A_210 = arith.constant 1 : i32
      scf.for %parallel_loop3A_219 = %parallel_loop3A_208 to %parallel_loop3A_209 step %parallel_loop3A_210  : i32 {
        %parallel_loop3A_220 = vector.broadcast %parallel_loop3A_219 : i32 to vector<16xi32>
        %parallel_loop3A_221 = arith.addi %mul3A_19, %parallel_loop3A_220 : vector<16xi32>
        %parallel_loop3A_222 = tpu.vector_load_idx %arg8[%parallel_loop3A_221] : memref<10000xf32, #tpu.memory_space<vmem>>[vector<16xi32>], vector<16xf32>,
        %parallel_loop3A_223 = tpu.vector_load_idx %arg9[%parallel_loop3A_221] : memref<10000xi32, #tpu.memory_space<vmem>>[vector<16xi32>], vector<16xi32>,
        %parallel_loop3A_224 = arith.constant 1.200000e+00 : f32
        %parallel_loop3A_225 = vector.broadcast %parallel_loop3A_224 : f32 to vector<16xf32>
        %parallel_loop3A_226 = arith.mulf %parallel_loop3A_222, %parallel_loop3A_225 : vector<16xf32>
        %parallel_loop3A_227 = arith.constant -5.000000e-01 : f32
        %parallel_loop3A_228 = vector.broadcast %parallel_loop3A_227 : f32 to vector<16xf32>
        %parallel_loop3A_229 = arith.addf %parallel_loop3A_226, %parallel_loop3A_228 : vector<16xf32>
        tpu.vector_store_idx %arg5[%parallel_loop3A_223], %parallel_loop3A_229 {add = true} : memref<50176xf32, #tpu.memory_space<vmem>>[vector<16xi32>], vector<16xf32>,
      } {sc.loop_unroll_factor = 25 : i64, sc.parallel_access}
      %add3A_211 = arith.constant 3 : i32
      %add3A_212 = arith.addi %mul3A_181, %add3A_211 : i32
      %lt3A_213 = arith.constant 10 : i32
      %lt3A_214 = arith.cmpi slt, %add3A_212, %lt3A_213 : i32
      %convert_element_type3A_215 = arith.extui %lt3A_214 : i1 to i32
      %cond3A_216 = arith.constant 0 : i32
      %cond3A_217 = arith.cmpi ne, %convert_element_type3A_215, %cond3A_216 : i32
      scf.if %cond3A_217 {
        %add3A_219 = arith.constant 3 : i32
        %add3A_220 = arith.addi %mul3A_181, %add3A_219 : i32
        %mul3A_221 = arith.constant 10000 : i32
        %mul3A_222 = arith.muli %add3A_220, %mul3A_221 : i32
        %add3A_223 = arith.addi %mul3A_2, %mul3A_222 : i32
        %dma_start3A_224 = tpu.memref_slice %arg2[%add3A_223] : memref<3200000xf32, #tpu.memory_space<hbm>> -> memref<10000xf32, #tpu.memory_space<hbm>>
        %dma_start3A_225 = tpu.memref_slice %arg2[%add3A_223] : memref<3200000xf32, #tpu.memory_space<hbm>> -> memref<10000xf32, #tpu.memory_space<hbm>>
        tpu.enqueue_dma source(%dma_start3A_225 : memref<10000xf32, #tpu.memory_space<hbm>>) target(%arg8 : memref<10000xf32, #tpu.memory_space<vmem>>) target_semaphore(%arg16 : memref<!tpu.dma_semaphore, #tpu.memory_space<semaphore_mem>>)
        %dma_start3A_226 = tpu.memref_slice %arg3[%add3A_223] : memref<3200000xi32, #tpu.memory_space<hbm>> -> memref<10000xi32, #tpu.memory_space<hbm>>
        %dma_start3A_227 = tpu.memref_slice %arg3[%add3A_223] : memref<3200000xi32, #tpu.memory_space<hbm>> -> memref<10000xi32, #tpu.memory_space<hbm>>
        tpu.enqueue_dma source(%dma_start3A_227 : memref<10000xi32, #tpu.memory_space<hbm>>) target(%arg9 : memref<10000xi32, #tpu.memory_space<vmem>>) target_semaphore(%arg17 : memref<!tpu.dma_semaphore, #tpu.memory_space<semaphore_mem>>)
      } else {
      }
      %scan3A_218 = arith.constant 0 : i32
      scf.yield %scan3A_218 : i32
    }
    %scan3A_25 = arith.constant 5 : i32
    %mul3A_26 = arith.constant 3136 : i32
    %mul3A_27 = arith.muli %arg1, %mul3A_26 : i32
    %ge3A = arith.constant 0 : i32
    %ge3A_28 = arith.cmpi sge, %arg1, %ge3A : i32
    %lt3A = arith.constant 8 : i32
    %lt3A_29 = arith.cmpi slt, %arg1, %lt3A : i32
    %and3A = arith.andi %ge3A_28, %lt3A_29 : i1
    %convert_element_type3A = arith.extui %and3A : i1 to i32
    %cond3A = arith.constant 0 : i32
    %cond3A_30 = arith.cmpi ne, %convert_element_type3A, %cond3A : i32
    scf.if %cond3A_30 {
      %sub3A = arith.constant 0 : i32
      %sub3A_178 = arith.subi %arg1, %sub3A : i32
      %mul3A_179 = arith.constant 50176 : i32
      %mul3A_180 = arith.muli %sub3A_178, %mul3A_179 : i32
      "tpu.region"() ({
        %run_scoped3A = tpu.sem_alloc : memref<!tpu.dma_semaphore, #tpu.memory_space<semaphore_mem>>
        %dma_start3A_181 = tpu.memref_slice %arg13[%mul3A_180] : memref<401408xf32, #tpu.memory_space<vmem_shared>> -> memref<50176xf32, #tpu.memory_space<vmem_shared>>
        %dma_start3A_182 = tpu.memref_slice %arg13[%mul3A_180] : memref<401408xf32, #tpu.memory_space<vmem_shared>> -> memref<50176xf32, #tpu.memory_space<vmem_shared>>
        tpu.enqueue_dma source(%arg5 : memref<50176xf32, #tpu.memory_space<vmem>>) target(%dma_start3A_182 : memref<50176xf32, #tpu.memory_space<vmem_shared>>) target_semaphore(%run_scoped3A : memref<!tpu.dma_semaphore, #tpu.memory_space<semaphore_mem>>)
        %dma_wait3A_183 = tpu.memref_slice %arg13[%mul3A_180] : memref<401408xf32, #tpu.memory_space<vmem_shared>> -> memref<50176xf32, #tpu.memory_space<vmem_shared>>
        %dma_wait3A_184 = tpu.memref_slice %arg13[%mul3A_180] : memref<401408xf32, #tpu.memory_space<vmem_shared>> -> memref<50176xf32, #tpu.memory_space<vmem_shared>>
        tpu.wait_dma2 semaphore(%run_scoped3A : memref<!tpu.dma_semaphore, #tpu.memory_space<semaphore_mem>>) src(%arg5 : memref<50176xf32, #tpu.memory_space<vmem>>) dst(%dma_wait3A_184 : memref<50176xf32, #tpu.memory_space<vmem_shared>>)
        tpu.yield
      }) : () -> ()
    } else {
    }
    %barrier3A = arith.constant 0 : index
    tpu.barrier barrier_id(%barrier3A)
    "tpu.region"() ({
      %run_scoped3A = tpu.sem_alloc : memref<!tpu.dma_semaphore, #tpu.memory_space<semaphore_mem>>
      %dma_start3A_178 = tpu.memref_slice %arg13[%mul3A_27] : memref<401408xf32, #tpu.memory_space<vmem_shared>> -> memref<3136xf32, #tpu.memory_space<vmem_shared>>
      %dma_start3A_179 = tpu.memref_slice %arg13[%mul3A_27] : memref<401408xf32, #tpu.memory_space<vmem_shared>> -> memref<3136xf32, #tpu.memory_space<vmem_shared>>
      tpu.enqueue_dma source(%dma_start3A_179 : memref<3136xf32, #tpu.memory_space<vmem_shared>>) target(%arg12 : memref<3136xf32, #tpu.memory_space<vmem>>) target_semaphore(%run_scoped3A : memref<!tpu.dma_semaphore, #tpu.memory_space<semaphore_mem>>)
      %dma_wait3A_180 = tpu.memref_slice %arg13[%mul3A_27] : memref<401408xf32, #tpu.memory_space<vmem_shared>> -> memref<3136xf32, #tpu.memory_space<vmem_shared>>
      %dma_wait3A_181 = tpu.memref_slice %arg13[%mul3A_27] : memref<401408xf32, #tpu.memory_space<vmem_shared>> -> memref<3136xf32, #tpu.memory_space<vmem_shared>>
      tpu.wait_dma2 semaphore(%run_scoped3A : memref<!tpu.dma_semaphore, #tpu.memory_space<semaphore_mem>>) src(%dma_wait3A_181 : memref<3136xf32, #tpu.memory_space<vmem_shared>>) dst(%arg12 : memref<3136xf32, #tpu.memory_space<vmem>>)
      tpu.yield
    }) : () -> ()
    %add3A_31 = arith.constant 50176 : i32
    %add3A_32 = arith.addi %add3A_31, %mul3A_27 : i32
    %dma_start3A_33 = tpu.memref_slice %arg13[%add3A_32] : memref<401408xf32, #tpu.memory_space<vmem_shared>> -> memref<3136xf32, #tpu.memory_space<vmem_shared>>
    %dma_start3A_34 = tpu.memref_slice %arg13[%add3A_32] : memref<401408xf32, #tpu.memory_space<vmem_shared>> -> memref<3136xf32, #tpu.memory_space<vmem_shared>>
    tpu.enqueue_dma source(%dma_start3A_34 : memref<3136xf32, #tpu.memory_space<vmem_shared>>) target(%arg11 : memref<3136xf32, #tpu.memory_space<vmem>>) target_semaphore(%arg19 : memref<!tpu.dma_semaphore, #tpu.memory_space<semaphore_mem>>)
    %dma_wait3A = tpu.memref_slice %arg13[%add3A_32] : memref<401408xf32, #tpu.memory_space<vmem_shared>> -> memref<3136xf32, #tpu.memory_space<vmem_shared>>
    %dma_wait3A_35 = tpu.memref_slice %arg13[%add3A_32] : memref<401408xf32, #tpu.memory_space<vmem_shared>> -> memref<3136xf32, #tpu.memory_space<vmem_shared>>
    tpu.wait_dma2 semaphore(%arg19 : memref<!tpu.dma_semaphore, #tpu.memory_space<semaphore_mem>>) src(%dma_wait3A_35 : memref<3136xf32, #tpu.memory_space<vmem_shared>>) dst(%arg11 : memref<3136xf32, #tpu.memory_space<vmem>>)
    %add3A_36 = arith.constant 100352 : i32
    %add3A_37 = arith.addi %add3A_36, %mul3A_27 : i32
    %dma_start3A_38 = tpu.memref_slice %arg13[%add3A_37] : memref<401408xf32, #tpu.memory_space<vmem_shared>> -> memref<3136xf32, #tpu.memory_space<vmem_shared>>
    %dma_start3A_39 = tpu.memref_slice %arg13[%add3A_37] : memref<401408xf32, #tpu.memory_space<vmem_shared>> -> memref<3136xf32, #tpu.memory_space<vmem_shared>>
    tpu.enqueue_dma source(%dma_start3A_39 : memref<3136xf32, #tpu.memory_space<vmem_shared>>) target(%arg10 : memref<3136xf32, #tpu.memory_space<vmem>>) target_semaphore(%arg18 : memref<!tpu.dma_semaphore, #tpu.memory_space<semaphore_mem>>)
    %parallel_loop3A_40 = arith.constant 0 : i32
    %parallel_loop3A_41 = arith.constant 196 : i32
    %parallel_loop3A_42 = arith.constant 1 : i32
    scf.for %parallel_loop3A_178 = %parallel_loop3A_40 to %parallel_loop3A_41 step %parallel_loop3A_42  : i32 {
      %parallel_loop3A_179 = arith.constant 16 : i32
      %parallel_loop3A_180 = arith.muli %parallel_loop3A_178, %parallel_loop3A_179 : i32
      %parallel_loop3A_181 = arith.index_cast %parallel_loop3A_180 : i32 to index
      %parallel_loop3A_182 = tpu.vector_load %arg12[%parallel_loop3A_181] {strides = array<i32>} : memref<3136xf32, #tpu.memory_space<vmem>>, vector<16xf32>,
      %parallel_loop3A_183 = arith.index_cast %parallel_loop3A_180 : i32 to index
      %parallel_loop3A_184 = tpu.vector_load %arg11[%parallel_loop3A_183] {strides = array<i32>} : memref<3136xf32, #tpu.memory_space<vmem>>, vector<16xf32>,
      %parallel_loop3A_185 = arith.addf %parallel_loop3A_182, %parallel_loop3A_184 : vector<16xf32>
      %parallel_loop3A_186 = arith.index_cast %parallel_loop3A_180 : i32 to index
      %parallel_loop3A_187 = tpu.vector_load %arg12[%parallel_loop3A_186] {strides = array<i32>} : memref<3136xf32, #tpu.memory_space<vmem>>, vector<16xf32>,
      tpu.vector_store %arg12[%parallel_loop3A_186], %parallel_loop3A_185 {strides = array<i32>} : memref<3136xf32, #tpu.memory_space<vmem>>, vector<16xf32>,
    } {sc.loop_unroll_factor = 14 : i64, sc.parallel_access}
    %dma_wait3A_43 = tpu.memref_slice %arg13[%add3A_37] : memref<401408xf32, #tpu.memory_space<vmem_shared>> -> memref<3136xf32, #tpu.memory_space<vmem_shared>>
    %dma_wait3A_44 = tpu.memref_slice %arg13[%add3A_37] : memref<401408xf32, #tpu.memory_space<vmem_shared>> -> memref<3136xf32, #tpu.memory_space<vmem_shared>>
    tpu.wait_dma2 semaphore(%arg18 : memref<!tpu.dma_semaphore, #tpu.memory_space<semaphore_mem>>) src(%dma_wait3A_44 : memref<3136xf32, #tpu.memory_space<vmem_shared>>) dst(%arg10 : memref<3136xf32, #tpu.memory_space<vmem>>)
    %add3A_45 = arith.constant 150528 : i32
    %add3A_46 = arith.addi %add3A_45, %mul3A_27 : i32
    %dma_start3A_47 = tpu.memref_slice %arg13[%add3A_46] : memref<401408xf32, #tpu.memory_space<vmem_shared>> -> memref<3136xf32, #tpu.memory_space<vmem_shared>>
    %dma_start3A_48 = tpu.memref_slice %arg13[%add3A_46] : memref<401408xf32, #tpu.memory_space<vmem_shared>> -> memref<3136xf32, #tpu.memory_space<vmem_shared>>
    tpu.enqueue_dma source(%dma_start3A_48 : memref<3136xf32, #tpu.memory_space<vmem_shared>>) target(%arg11 : memref<3136xf32, #tpu.memory_space<vmem>>) target_semaphore(%arg19 : memref<!tpu.dma_semaphore, #tpu.memory_space<semaphore_mem>>)
    %parallel_loop3A_49 = arith.constant 0 : i32
    %parallel_loop3A_50 = arith.constant 196 : i32
    %parallel_loop3A_51 = arith.constant 1 : i32
    scf.for %parallel_loop3A_178 = %parallel_loop3A_49 to %parallel_loop3A_50 step %parallel_loop3A_51  : i32 {
      %parallel_loop3A_179 = arith.constant 16 : i32
      %parallel_loop3A_180 = arith.muli %parallel_loop3A_178, %parallel_loop3A_179 : i32
      %parallel_loop3A_181 = arith.index_cast %parallel_loop3A_180 : i32 to index
      %parallel_loop3A_182 = tpu.vector_load %arg12[%parallel_loop3A_181] {strides = array<i32>} : memref<3136xf32, #tpu.memory_space<vmem>>, vector<16xf32>,
      %parallel_loop3A_183 = arith.index_cast %parallel_loop3A_180 : i32 to index
      %parallel_loop3A_184 = tpu.vector_load %arg10[%parallel_loop3A_183] {strides = array<i32>} : memref<3136xf32, #tpu.memory_space<vmem>>, vector<16xf32>,
      %parallel_loop3A_185 = arith.addf %parallel_loop3A_182, %parallel_loop3A_184 : vector<16xf32>
      %parallel_loop3A_186 = arith.index_cast %parallel_loop3A_180 : i32 to index
      %parallel_loop3A_187 = tpu.vector_load %arg12[%parallel_loop3A_186] {strides = array<i32>} : memref<3136xf32, #tpu.memory_space<vmem>>, vector<16xf32>,
      tpu.vector_store %arg12[%parallel_loop3A_186], %parallel_loop3A_185 {strides = array<i32>} : memref<3136xf32, #tpu.memory_space<vmem>>, vector<16xf32>,
    } {sc.loop_unroll_factor = 14 : i64, sc.parallel_access}
    %dma_wait3A_52 = tpu.memref_slice %arg13[%add3A_46] : memref<401408xf32, #tpu.memory_space<vmem_shared>> -> memref<3136xf32, #tpu.memory_space<vmem_shared>>
    %dma_wait3A_53 = tpu.memref_slice %arg13[%add3A_46] : memref<401408xf32, #tpu.memory_space<vmem_shared>> -> memref<3136xf32, #tpu.memory_space<vmem_shared>>
    tpu.wait_dma2 semaphore(%arg19 : memref<!tpu.dma_semaphore, #tpu.memory_space<semaphore_mem>>) src(%dma_wait3A_53 : memref<3136xf32, #tpu.memory_space<vmem_shared>>) dst(%arg11 : memref<3136xf32, #tpu.memory_space<vmem>>)
    %add3A_54 = arith.constant 200704 : i32
    %add3A_55 = arith.addi %add3A_54, %mul3A_27 : i32
    %dma_start3A_56 = tpu.memref_slice %arg13[%add3A_55] : memref<401408xf32, #tpu.memory_space<vmem_shared>> -> memref<3136xf32, #tpu.memory_space<vmem_shared>>
    %dma_start3A_57 = tpu.memref_slice %arg13[%add3A_55] : memref<401408xf32, #tpu.memory_space<vmem_shared>> -> memref<3136xf32, #tpu.memory_space<vmem_shared>>
    tpu.enqueue_dma source(%dma_start3A_57 : memref<3136xf32, #tpu.memory_space<vmem_shared>>) target(%arg10 : memref<3136xf32, #tpu.memory_space<vmem>>) target_semaphore(%arg18 : memref<!tpu.dma_semaphore, #tpu.memory_space<semaphore_mem>>)
    %parallel_loop3A_58 = arith.constant 0 : i32
    %parallel_loop3A_59 = arith.constant 196 : i32
    %parallel_loop3A_60 = arith.constant 1 : i32
    scf.for %parallel_loop3A_178 = %parallel_loop3A_58 to %parallel_loop3A_59 step %parallel_loop3A_60  : i32 {
      %parallel_loop3A_179 = arith.constant 16 : i32
      %parallel_loop3A_180 = arith.muli %parallel_loop3A_178, %parallel_loop3A_179 : i32
      %parallel_loop3A_181 = arith.index_cast %parallel_loop3A_180 : i32 to index
      %parallel_loop3A_182 = tpu.vector_load %arg12[%parallel_loop3A_181] {strides = array<i32>} : memref<3136xf32, #tpu.memory_space<vmem>>, vector<16xf32>,
      %parallel_loop3A_183 = arith.index_cast %parallel_loop3A_180 : i32 to index
      %parallel_loop3A_184 = tpu.vector_load %arg11[%parallel_loop3A_183] {strides = array<i32>} : memref<3136xf32, #tpu.memory_space<vmem>>, vector<16xf32>,
      %parallel_loop3A_185 = arith.addf %parallel_loop3A_182, %parallel_loop3A_184 : vector<16xf32>
      %parallel_loop3A_186 = arith.index_cast %parallel_loop3A_180 : i32 to index
      %parallel_loop3A_187 = tpu.vector_load %arg12[%parallel_loop3A_186] {strides = array<i32>} : memref<3136xf32, #tpu.memory_space<vmem>>, vector<16xf32>,
      tpu.vector_store %arg12[%parallel_loop3A_186], %parallel_loop3A_185 {strides = array<i32>} : memref<3136xf32, #tpu.memory_space<vmem>>, vector<16xf32>,
    } {sc.loop_unroll_factor = 14 : i64, sc.parallel_access}
    %dma_wait3A_61 = tpu.memref_slice %arg13[%add3A_55] : memref<401408xf32, #tpu.memory_space<vmem_shared>> -> memref<3136xf32, #tpu.memory_space<vmem_shared>>
    %dma_wait3A_62 = tpu.memref_slice %arg13[%add3A_55] : memref<401408xf32, #tpu.memory_space<vmem_shared>> -> memref<3136xf32, #tpu.memory_space<vmem_shared>>
    tpu.wait_dma2 semaphore(%arg18 : memref<!tpu.dma_semaphore, #tpu.memory_space<semaphore_mem>>) src(%dma_wait3A_62 : memref<3136xf32, #tpu.memory_space<vmem_shared>>) dst(%arg10 : memref<3136xf32, #tpu.memory_space<vmem>>)
    %add3A_63 = arith.constant 250880 : i32
    %add3A_64 = arith.addi %add3A_63, %mul3A_27 : i32
    %dma_start3A_65 = tpu.memref_slice %arg13[%add3A_64] : memref<401408xf32, #tpu.memory_space<vmem_shared>> -> memref<3136xf32, #tpu.memory_space<vmem_shared>>
    %dma_start3A_66 = tpu.memref_slice %arg13[%add3A_64] : memref<401408xf32, #tpu.memory_space<vmem_shared>> -> memref<3136xf32, #tpu.memory_space<vmem_shared>>
    tpu.enqueue_dma source(%dma_start3A_66 : memref<3136xf32, #tpu.memory_space<vmem_shared>>) target(%arg11 : memref<3136xf32, #tpu.memory_space<vmem>>) target_semaphore(%arg19 : memref<!tpu.dma_semaphore, #tpu.memory_space<semaphore_mem>>)
    %parallel_loop3A_67 = arith.constant 0 : i32
    %parallel_loop3A_68 = arith.constant 196 : i32
    %parallel_loop3A_69 = arith.constant 1 : i32
    scf.for %parallel_loop3A_178 = %parallel_loop3A_67 to %parallel_loop3A_68 step %parallel_loop3A_69  : i32 {
      %parallel_loop3A_179 = arith.constant 16 : i32
      %parallel_loop3A_180 = arith.muli %parallel_loop3A_178, %parallel_loop3A_179 : i32
      %parallel_loop3A_181 = arith.index_cast %parallel_loop3A_180 : i32 to index
      %parallel_loop3A_182 = tpu.vector_load %arg12[%parallel_loop3A_181] {strides = array<i32>} : memref<3136xf32, #tpu.memory_space<vmem>>, vector<16xf32>,
      %parallel_loop3A_183 = arith.index_cast %parallel_loop3A_180 : i32 to index
      %parallel_loop3A_184 = tpu.vector_load %arg10[%parallel_loop3A_183] {strides = array<i32>} : memref<3136xf32, #tpu.memory_space<vmem>>, vector<16xf32>,
      %parallel_loop3A_185 = arith.addf %parallel_loop3A_182, %parallel_loop3A_184 : vector<16xf32>
      %parallel_loop3A_186 = arith.index_cast %parallel_loop3A_180 : i32 to index
      %parallel_loop3A_187 = tpu.vector_load %arg12[%parallel_loop3A_186] {strides = array<i32>} : memref<3136xf32, #tpu.memory_space<vmem>>, vector<16xf32>,
      tpu.vector_store %arg12[%parallel_loop3A_186], %parallel_loop3A_185 {strides = array<i32>} : memref<3136xf32, #tpu.memory_space<vmem>>, vector<16xf32>,
    } {sc.loop_unroll_factor = 14 : i64, sc.parallel_access}
    %dma_wait3A_70 = tpu.memref_slice %arg13[%add3A_64] : memref<401408xf32, #tpu.memory_space<vmem_shared>> -> memref<3136xf32, #tpu.memory_space<vmem_shared>>
    %dma_wait3A_71 = tpu.memref_slice %arg13[%add3A_64] : memref<401408xf32, #tpu.memory_space<vmem_shared>> -> memref<3136xf32, #tpu.memory_space<vmem_shared>>
    tpu.wait_dma2 semaphore(%arg19 : memref<!tpu.dma_semaphore, #tpu.memory_space<semaphore_mem>>) src(%dma_wait3A_71 : memref<3136xf32, #tpu.memory_space<vmem_shared>>) dst(%arg11 : memref<3136xf32, #tpu.memory_space<vmem>>)
    %add3A_72 = arith.constant 301056 : i32
    %add3A_73 = arith.addi %add3A_72, %mul3A_27 : i32
    %dma_start3A_74 = tpu.memref_slice %arg13[%add3A_73] : memref<401408xf32, #tpu.memory_space<vmem_shared>> -> memref<3136xf32, #tpu.memory_space<vmem_shared>>
    %dma_start3A_75 = tpu.memref_slice %arg13[%add3A_73] : memref<401408xf32, #tpu.memory_space<vmem_shared>> -> memref<3136xf32, #tpu.memory_space<vmem_shared>>
    tpu.enqueue_dma source(%dma_start3A_75 : memref<3136xf32, #tpu.memory_space<vmem_shared>>) target(%arg10 : memref<3136xf32, #tpu.memory_space<vmem>>) target_semaphore(%arg18 : memref<!tpu.dma_semaphore, #tpu.memory_space<semaphore_mem>>)
    %parallel_loop3A_76 = arith.constant 0 : i32
    %parallel_loop3A_77 = arith.constant 196 : i32
    %parallel_loop3A_78 = arith.constant 1 : i32
    scf.for %parallel_loop3A_178 = %parallel_loop3A_76 to %parallel_loop3A_77 step %parallel_loop3A_78  : i32 {
      %parallel_loop3A_179 = arith.constant 16 : i32
      %parallel_loop3A_180 = arith.muli %parallel_loop3A_178, %parallel_loop3A_179 : i32
      %parallel_loop3A_181 = arith.index_cast %parallel_loop3A_180 : i32 to index
      %parallel_loop3A_182 = tpu.vector_load %arg12[%parallel_loop3A_181] {strides = array<i32>} : memref<3136xf32, #tpu.memory_space<vmem>>, vector<16xf32>,
      %parallel_loop3A_183 = arith.index_cast %parallel_loop3A_180 : i32 to index
      %parallel_loop3A_184 = tpu.vector_load %arg11[%parallel_loop3A_183] {strides = array<i32>} : memref<3136xf32, #tpu.memory_space<vmem>>, vector<16xf32>,
      %parallel_loop3A_185 = arith.addf %parallel_loop3A_182, %parallel_loop3A_184 : vector<16xf32>
      %parallel_loop3A_186 = arith.index_cast %parallel_loop3A_180 : i32 to index
      %parallel_loop3A_187 = tpu.vector_load %arg12[%parallel_loop3A_186] {strides = array<i32>} : memref<3136xf32, #tpu.memory_space<vmem>>, vector<16xf32>,
      tpu.vector_store %arg12[%parallel_loop3A_186], %parallel_loop3A_185 {strides = array<i32>} : memref<3136xf32, #tpu.memory_space<vmem>>, vector<16xf32>,
    } {sc.loop_unroll_factor = 14 : i64, sc.parallel_access}
    %dma_wait3A_79 = tpu.memref_slice %arg13[%add3A_73] : memref<401408xf32, #tpu.memory_space<vmem_shared>> -> memref<3136xf32, #tpu.memory_space<vmem_shared>>
    %dma_wait3A_80 = tpu.memref_slice %arg13[%add3A_73] : memref<401408xf32, #tpu.memory_space<vmem_shared>> -> memref<3136xf32, #tpu.memory_space<vmem_shared>>
    tpu.wait_dma2 semaphore(%arg18 : memref<!tpu.dma_semaphore, #tpu.memory_space<semaphore_mem>>) src(%dma_wait3A_80 : memref<3136xf32, #tpu.memory_space<vmem_shared>>) dst(%arg10 : memref<3136xf32, #tpu.memory_space<vmem>>)
    %add3A_81 = arith.constant 351232 : i32
    %add3A_82 = arith.addi %add3A_81, %mul3A_27 : i32
    %dma_start3A_83 = tpu.memref_slice %arg13[%add3A_82] : memref<401408xf32, #tpu.memory_space<vmem_shared>> -> memref<3136xf32, #tpu.memory_space<vmem_shared>>
    %dma_start3A_84 = tpu.memref_slice %arg13[%add3A_82] : memref<401408xf32, #tpu.memory_space<vmem_shared>> -> memref<3136xf32, #tpu.memory_space<vmem_shared>>
    tpu.enqueue_dma source(%dma_start3A_84 : memref<3136xf32, #tpu.memory_space<vmem_shared>>) target(%arg11 : memref<3136xf32, #tpu.memory_space<vmem>>) target_semaphore(%arg19 : memref<!tpu.dma_semaphore, #tpu.memory_space<semaphore_mem>>)
    %parallel_loop3A_85 = arith.constant 0 : i32
    %parallel_loop3A_86 = arith.constant 196 : i32
    %parallel_loop3A_87 = arith.constant 1 : i32
    scf.for %parallel_loop3A_178 = %parallel_loop3A_85 to %parallel_loop3A_86 step %parallel_loop3A_87  : i32 {
      %parallel_loop3A_179 = arith.constant 16 : i32
      %parallel_loop3A_180 = arith.muli %parallel_loop3A_178, %parallel_loop3A_179 : i32
      %parallel_loop3A_181 = arith.index_cast %parallel_loop3A_180 : i32 to index
      %parallel_loop3A_182 = tpu.vector_load %arg12[%parallel_loop3A_181] {strides = array<i32>} : memref<3136xf32, #tpu.memory_space<vmem>>, vector<16xf32>,
      %parallel_loop3A_183 = arith.index_cast %parallel_loop3A_180 : i32 to index
      %parallel_loop3A_184 = tpu.vector_load %arg10[%parallel_loop3A_183] {strides = array<i32>} : memref<3136xf32, #tpu.memory_space<vmem>>, vector<16xf32>,
      %parallel_loop3A_185 = arith.addf %parallel_loop3A_182, %parallel_loop3A_184 : vector<16xf32>
      %parallel_loop3A_186 = arith.index_cast %parallel_loop3A_180 : i32 to index
      %parallel_loop3A_187 = tpu.vector_load %arg12[%parallel_loop3A_186] {strides = array<i32>} : memref<3136xf32, #tpu.memory_space<vmem>>, vector<16xf32>,
      tpu.vector_store %arg12[%parallel_loop3A_186], %parallel_loop3A_185 {strides = array<i32>} : memref<3136xf32, #tpu.memory_space<vmem>>, vector<16xf32>,
    } {sc.loop_unroll_factor = 14 : i64, sc.parallel_access}
    %dma_wait3A_88 = tpu.memref_slice %arg13[%add3A_82] : memref<401408xf32, #tpu.memory_space<vmem_shared>> -> memref<3136xf32, #tpu.memory_space<vmem_shared>>
    %dma_wait3A_89 = tpu.memref_slice %arg13[%add3A_82] : memref<401408xf32, #tpu.memory_space<vmem_shared>> -> memref<3136xf32, #tpu.memory_space<vmem_shared>>
    tpu.wait_dma2 semaphore(%arg19 : memref<!tpu.dma_semaphore, #tpu.memory_space<semaphore_mem>>) src(%dma_wait3A_89 : memref<3136xf32, #tpu.memory_space<vmem_shared>>) dst(%arg11 : memref<3136xf32, #tpu.memory_space<vmem>>)
    %parallel_loop3A_90 = arith.constant 0 : i32
    %parallel_loop3A_91 = arith.constant 196 : i32
    %parallel_loop3A_92 = arith.constant 1 : i32
    scf.for %parallel_loop3A_178 = %parallel_loop3A_90 to %parallel_loop3A_91 step %parallel_loop3A_92  : i32 {
      %parallel_loop3A_179 = arith.constant 16 : i32
      %parallel_loop3A_180 = arith.muli %parallel_loop3A_178, %parallel_loop3A_179 : i32
      %parallel_loop3A_181 = arith.index_cast %parallel_loop3A_180 : i32 to index
      %parallel_loop3A_182 = tpu.vector_load %arg12[%parallel_loop3A_181] {strides = array<i32>} : memref<3136xf32, #tpu.memory_space<vmem>>, vector<16xf32>,
      %parallel_loop3A_183 = arith.index_cast %parallel_loop3A_180 : i32 to index
      %parallel_loop3A_184 = tpu.vector_load %arg11[%parallel_loop3A_183] {strides = array<i32>} : memref<3136xf32, #tpu.memory_space<vmem>>, vector<16xf32>,
      %parallel_loop3A_185 = arith.addf %parallel_loop3A_182, %parallel_loop3A_184 : vector<16xf32>
      %parallel_loop3A_186 = arith.index_cast %parallel_loop3A_180 : i32 to index
      %parallel_loop3A_187 = tpu.vector_load %arg12[%parallel_loop3A_186] {strides = array<i32>} : memref<3136xf32, #tpu.memory_space<vmem>>, vector<16xf32>,
      tpu.vector_store %arg12[%parallel_loop3A_186], %parallel_loop3A_185 {strides = array<i32>} : memref<3136xf32, #tpu.memory_space<vmem>>, vector<16xf32>,
    } {sc.loop_unroll_factor = 14 : i64, sc.parallel_access}
    %barrier3A_93 = arith.constant 0 : index
    tpu.barrier barrier_id(%barrier3A_93)
    %ge3A_94 = arith.constant 8 : i32
    %ge3A_95 = arith.cmpi sge, %arg1, %ge3A_94 : i32
    %lt3A_96 = arith.constant 16 : i32
    %lt3A_97 = arith.cmpi slt, %arg1, %lt3A_96 : i32
    %and3A_98 = arith.andi %ge3A_95, %lt3A_97 : i1
    %convert_element_type3A_99 = arith.extui %and3A_98 : i1 to i32
    %cond3A_100 = arith.constant 0 : i32
    %cond3A_101 = arith.cmpi ne, %convert_element_type3A_99, %cond3A_100 : i32
    scf.if %cond3A_101 {
      %sub3A = arith.constant 8 : i32
      %sub3A_178 = arith.subi %arg1, %sub3A : i32
      %mul3A_179 = arith.constant 50176 : i32
      %mul3A_180 = arith.muli %sub3A_178, %mul3A_179 : i32
      "tpu.region"() ({
        %run_scoped3A = tpu.sem_alloc : memref<!tpu.dma_semaphore, #tpu.memory_space<semaphore_mem>>
        %dma_start3A_181 = tpu.memref_slice %arg13[%mul3A_180] : memref<401408xf32, #tpu.memory_space<vmem_shared>> -> memref<50176xf32, #tpu.memory_space<vmem_shared>>
        %dma_start3A_182 = tpu.memref_slice %arg13[%mul3A_180] : memref<401408xf32, #tpu.memory_space<vmem_shared>> -> memref<50176xf32, #tpu.memory_space<vmem_shared>>
        tpu.enqueue_dma source(%arg5 : memref<50176xf32, #tpu.memory_space<vmem>>) target(%dma_start3A_182 : memref<50176xf32, #tpu.memory_space<vmem_shared>>) target_semaphore(%run_scoped3A : memref<!tpu.dma_semaphore, #tpu.memory_space<semaphore_mem>>)
        %dma_wait3A_183 = tpu.memref_slice %arg13[%mul3A_180] : memref<401408xf32, #tpu.memory_space<vmem_shared>> -> memref<50176xf32, #tpu.memory_space<vmem_shared>>
        %dma_wait3A_184 = tpu.memref_slice %arg13[%mul3A_180] : memref<401408xf32, #tpu.memory_space<vmem_shared>> -> memref<50176xf32, #tpu.memory_space<vmem_shared>>
        tpu.wait_dma2 semaphore(%run_scoped3A : memref<!tpu.dma_semaphore, #tpu.memory_space<semaphore_mem>>) src(%arg5 : memref<50176xf32, #tpu.memory_space<vmem>>) dst(%dma_wait3A_184 : memref<50176xf32, #tpu.memory_space<vmem_shared>>)
        tpu.yield
      }) : () -> ()
    } else {
    }
    %barrier3A_102 = arith.constant 0 : index
    tpu.barrier barrier_id(%barrier3A_102)
    %add3A_103 = arith.constant 0 : i32
    %add3A_104 = arith.addi %add3A_103, %mul3A_27 : i32
    %dma_start3A_105 = tpu.memref_slice %arg13[%add3A_104] : memref<401408xf32, #tpu.memory_space<vmem_shared>> -> memref<3136xf32, #tpu.memory_space<vmem_shared>>
    %dma_start3A_106 = tpu.memref_slice %arg13[%add3A_104] : memref<401408xf32, #tpu.memory_space<vmem_shared>> -> memref<3136xf32, #tpu.memory_space<vmem_shared>>
    tpu.enqueue_dma source(%dma_start3A_106 : memref<3136xf32, #tpu.memory_space<vmem_shared>>) target(%arg10 : memref<3136xf32, #tpu.memory_space<vmem>>) target_semaphore(%arg18 : memref<!tpu.dma_semaphore, #tpu.memory_space<semaphore_mem>>)
    %dma_wait3A_107 = tpu.memref_slice %arg13[%add3A_104] : memref<401408xf32, #tpu.memory_space<vmem_shared>> -> memref<3136xf32, #tpu.memory_space<vmem_shared>>
    %dma_wait3A_108 = tpu.memref_slice %arg13[%add3A_104] : memref<401408xf32, #tpu.memory_space<vmem_shared>> -> memref<3136xf32, #tpu.memory_space<vmem_shared>>
    tpu.wait_dma2 semaphore(%arg18 : memref<!tpu.dma_semaphore, #tpu.memory_space<semaphore_mem>>) src(%dma_wait3A_108 : memref<3136xf32, #tpu.memory_space<vmem_shared>>) dst(%arg10 : memref<3136xf32, #tpu.memory_space<vmem>>)
    %add3A_109 = arith.constant 50176 : i32
    %add3A_110 = arith.addi %add3A_109, %mul3A_27 : i32
    %dma_start3A_111 = tpu.memref_slice %arg13[%add3A_110] : memref<401408xf32, #tpu.memory_space<vmem_shared>> -> memref<3136xf32, #tpu.memory_space<vmem_shared>>
    %dma_start3A_112 = tpu.memref_slice %arg13[%add3A_110] : memref<401408xf32, #tpu.memory_space<vmem_shared>> -> memref<3136xf32, #tpu.memory_space<vmem_shared>>
    tpu.enqueue_dma source(%dma_start3A_112 : memref<3136xf32, #tpu.memory_space<vmem_shared>>) target(%arg11 : memref<3136xf32, #tpu.memory_space<vmem>>) target_semaphore(%arg19 : memref<!tpu.dma_semaphore, #tpu.memory_space<semaphore_mem>>)
    %parallel_loop3A_113 = arith.constant 0 : i32
    %parallel_loop3A_114 = arith.constant 196 : i32
    %parallel_loop3A_115 = arith.constant 1 : i32
    scf.for %parallel_loop3A_178 = %parallel_loop3A_113 to %parallel_loop3A_114 step %parallel_loop3A_115  : i32 {
      %parallel_loop3A_179 = arith.constant 16 : i32
      %parallel_loop3A_180 = arith.muli %parallel_loop3A_178, %parallel_loop3A_179 : i32
      %parallel_loop3A_181 = arith.index_cast %parallel_loop3A_180 : i32 to index
      %parallel_loop3A_182 = tpu.vector_load %arg12[%parallel_loop3A_181] {strides = array<i32>} : memref<3136xf32, #tpu.memory_space<vmem>>, vector<16xf32>,
      %parallel_loop3A_183 = arith.index_cast %parallel_loop3A_180 : i32 to index
      %parallel_loop3A_184 = tpu.vector_load %arg10[%parallel_loop3A_183] {strides = array<i32>} : memref<3136xf32, #tpu.memory_space<vmem>>, vector<16xf32>,
      %parallel_loop3A_185 = arith.addf %parallel_loop3A_182, %parallel_loop3A_184 : vector<16xf32>
      %parallel_loop3A_186 = arith.index_cast %parallel_loop3A_180 : i32 to index
      %parallel_loop3A_187 = tpu.vector_load %arg12[%parallel_loop3A_186] {strides = array<i32>} : memref<3136xf32, #tpu.memory_space<vmem>>, vector<16xf32>,
      tpu.vector_store %arg12[%parallel_loop3A_186], %parallel_loop3A_185 {strides = array<i32>} : memref<3136xf32, #tpu.memory_space<vmem>>, vector<16xf32>,
    } {sc.loop_unroll_factor = 14 : i64, sc.parallel_access}
    %dma_wait3A_116 = tpu.memref_slice %arg13[%add3A_110] : memref<401408xf32, #tpu.memory_space<vmem_shared>> -> memref<3136xf32, #tpu.memory_space<vmem_shared>>
    %dma_wait3A_117 = tpu.memref_slice %arg13[%add3A_110] : memref<401408xf32, #tpu.memory_space<vmem_shared>> -> memref<3136xf32, #tpu.memory_space<vmem_shared>>
    tpu.wait_dma2 semaphore(%arg19 : memref<!tpu.dma_semaphore, #tpu.memory_space<semaphore_mem>>) src(%dma_wait3A_117 : memref<3136xf32, #tpu.memory_space<vmem_shared>>) dst(%arg11 : memref<3136xf32, #tpu.memory_space<vmem>>)
    %add3A_118 = arith.constant 100352 : i32
    %add3A_119 = arith.addi %add3A_118, %mul3A_27 : i32
    %dma_start3A_120 = tpu.memref_slice %arg13[%add3A_119] : memref<401408xf32, #tpu.memory_space<vmem_shared>> -> memref<3136xf32, #tpu.memory_space<vmem_shared>>
    %dma_start3A_121 = tpu.memref_slice %arg13[%add3A_119] : memref<401408xf32, #tpu.memory_space<vmem_shared>> -> memref<3136xf32, #tpu.memory_space<vmem_shared>>
    tpu.enqueue_dma source(%dma_start3A_121 : memref<3136xf32, #tpu.memory_space<vmem_shared>>) target(%arg10 : memref<3136xf32, #tpu.memory_space<vmem>>) target_semaphore(%arg18 : memref<!tpu.dma_semaphore, #tpu.memory_space<semaphore_mem>>)
    %parallel_loop3A_122 = arith.constant 0 : i32
    %parallel_loop3A_123 = arith.constant 196 : i32
    %parallel_loop3A_124 = arith.constant 1 : i32
    scf.for %parallel_loop3A_178 = %parallel_loop3A_122 to %parallel_loop3A_123 step %parallel_loop3A_124  : i32 {
      %parallel_loop3A_179 = arith.constant 16 : i32
      %parallel_loop3A_180 = arith.muli %parallel_loop3A_178, %parallel_loop3A_179 : i32
      %parallel_loop3A_181 = arith.index_cast %parallel_loop3A_180 : i32 to index
      %parallel_loop3A_182 = tpu.vector_load %arg12[%parallel_loop3A_181] {strides = array<i32>} : memref<3136xf32, #tpu.memory_space<vmem>>, vector<16xf32>,
      %parallel_loop3A_183 = arith.index_cast %parallel_loop3A_180 : i32 to index
      %parallel_loop3A_184 = tpu.vector_load %arg11[%parallel_loop3A_183] {strides = array<i32>} : memref<3136xf32, #tpu.memory_space<vmem>>, vector<16xf32>,
      %parallel_loop3A_185 = arith.addf %parallel_loop3A_182, %parallel_loop3A_184 : vector<16xf32>
      %parallel_loop3A_186 = arith.index_cast %parallel_loop3A_180 : i32 to index
      %parallel_loop3A_187 = tpu.vector_load %arg12[%parallel_loop3A_186] {strides = array<i32>} : memref<3136xf32, #tpu.memory_space<vmem>>, vector<16xf32>,
      tpu.vector_store %arg12[%parallel_loop3A_186], %parallel_loop3A_185 {strides = array<i32>} : memref<3136xf32, #tpu.memory_space<vmem>>, vector<16xf32>,
    } {sc.loop_unroll_factor = 14 : i64, sc.parallel_access}
    %dma_wait3A_125 = tpu.memref_slice %arg13[%add3A_119] : memref<401408xf32, #tpu.memory_space<vmem_shared>> -> memref<3136xf32, #tpu.memory_space<vmem_shared>>
    %dma_wait3A_126 = tpu.memref_slice %arg13[%add3A_119] : memref<401408xf32, #tpu.memory_space<vmem_shared>> -> memref<3136xf32, #tpu.memory_space<vmem_shared>>
    tpu.wait_dma2 semaphore(%arg18 : memref<!tpu.dma_semaphore, #tpu.memory_space<semaphore_mem>>) src(%dma_wait3A_126 : memref<3136xf32, #tpu.memory_space<vmem_shared>>) dst(%arg10 : memref<3136xf32, #tpu.memory_space<vmem>>)
    %add3A_127 = arith.constant 150528 : i32
    %add3A_128 = arith.addi %add3A_127, %mul3A_27 : i32
    %dma_start3A_129 = tpu.memref_slice %arg13[%add3A_128] : memref<401408xf32, #tpu.memory_space<vmem_shared>> -> memref<3136xf32, #tpu.memory_space<vmem_shared>>
    %dma_start3A_130 = tpu.memref_slice %arg13[%add3A_128] : memref<401408xf32, #tpu.memory_space<vmem_shared>> -> memref<3136xf32, #tpu.memory_space<vmem_shared>>
    tpu.enqueue_dma source(%dma_start3A_130 : memref<3136xf32, #tpu.memory_space<vmem_shared>>) target(%arg11 : memref<3136xf32, #tpu.memory_space<vmem>>) target_semaphore(%arg19 : memref<!tpu.dma_semaphore, #tpu.memory_space<semaphore_mem>>)
    %parallel_loop3A_131 = arith.constant 0 : i32
    %parallel_loop3A_132 = arith.constant 196 : i32
    %parallel_loop3A_133 = arith.constant 1 : i32
    scf.for %parallel_loop3A_178 = %parallel_loop3A_131 to %parallel_loop3A_132 step %parallel_loop3A_133  : i32 {
      %parallel_loop3A_179 = arith.constant 16 : i32
      %parallel_loop3A_180 = arith.muli %parallel_loop3A_178, %parallel_loop3A_179 : i32
      %parallel_loop3A_181 = arith.index_cast %parallel_loop3A_180 : i32 to index
      %parallel_loop3A_182 = tpu.vector_load %arg12[%parallel_loop3A_181] {strides = array<i32>} : memref<3136xf32, #tpu.memory_space<vmem>>, vector<16xf32>,
      %parallel_loop3A_183 = arith.index_cast %parallel_loop3A_180 : i32 to index
      %parallel_loop3A_184 = tpu.vector_load %arg10[%parallel_loop3A_183] {strides = array<i32>} : memref<3136xf32, #tpu.memory_space<vmem>>, vector<16xf32>,
      %parallel_loop3A_185 = arith.addf %parallel_loop3A_182, %parallel_loop3A_184 : vector<16xf32>
      %parallel_loop3A_186 = arith.index_cast %parallel_loop3A_180 : i32 to index
      %parallel_loop3A_187 = tpu.vector_load %arg12[%parallel_loop3A_186] {strides = array<i32>} : memref<3136xf32, #tpu.memory_space<vmem>>, vector<16xf32>,
      tpu.vector_store %arg12[%parallel_loop3A_186], %parallel_loop3A_185 {strides = array<i32>} : memref<3136xf32, #tpu.memory_space<vmem>>, vector<16xf32>,
    } {sc.loop_unroll_factor = 14 : i64, sc.parallel_access}
    %dma_wait3A_134 = tpu.memref_slice %arg13[%add3A_128] : memref<401408xf32, #tpu.memory_space<vmem_shared>> -> memref<3136xf32, #tpu.memory_space<vmem_shared>>
    %dma_wait3A_135 = tpu.memref_slice %arg13[%add3A_128] : memref<401408xf32, #tpu.memory_space<vmem_shared>> -> memref<3136xf32, #tpu.memory_space<vmem_shared>>
    tpu.wait_dma2 semaphore(%arg19 : memref<!tpu.dma_semaphore, #tpu.memory_space<semaphore_mem>>) src(%dma_wait3A_135 : memref<3136xf32, #tpu.memory_space<vmem_shared>>) dst(%arg11 : memref<3136xf32, #tpu.memory_space<vmem>>)
    %add3A_136 = arith.constant 200704 : i32
    %add3A_137 = arith.addi %add3A_136, %mul3A_27 : i32
    %dma_start3A_138 = tpu.memref_slice %arg13[%add3A_137] : memref<401408xf32, #tpu.memory_space<vmem_shared>> -> memref<3136xf32, #tpu.memory_space<vmem_shared>>
    %dma_start3A_139 = tpu.memref_slice %arg13[%add3A_137] : memref<401408xf32, #tpu.memory_space<vmem_shared>> -> memref<3136xf32, #tpu.memory_space<vmem_shared>>
    tpu.enqueue_dma source(%dma_start3A_139 : memref<3136xf32, #tpu.memory_space<vmem_shared>>) target(%arg10 : memref<3136xf32, #tpu.memory_space<vmem>>) target_semaphore(%arg18 : memref<!tpu.dma_semaphore, #tpu.memory_space<semaphore_mem>>)
    %parallel_loop3A_140 = arith.constant 0 : i32
    %parallel_loop3A_141 = arith.constant 196 : i32
    %parallel_loop3A_142 = arith.constant 1 : i32
    scf.for %parallel_loop3A_178 = %parallel_loop3A_140 to %parallel_loop3A_141 step %parallel_loop3A_142  : i32 {
      %parallel_loop3A_179 = arith.constant 16 : i32
      %parallel_loop3A_180 = arith.muli %parallel_loop3A_178, %parallel_loop3A_179 : i32
      %parallel_loop3A_181 = arith.index_cast %parallel_loop3A_180 : i32 to index
      %parallel_loop3A_182 = tpu.vector_load %arg12[%parallel_loop3A_181] {strides = array<i32>} : memref<3136xf32, #tpu.memory_space<vmem>>, vector<16xf32>,
      %parallel_loop3A_183 = arith.index_cast %parallel_loop3A_180 : i32 to index
      %parallel_loop3A_184 = tpu.vector_load %arg11[%parallel_loop3A_183] {strides = array<i32>} : memref<3136xf32, #tpu.memory_space<vmem>>, vector<16xf32>,
      %parallel_loop3A_185 = arith.addf %parallel_loop3A_182, %parallel_loop3A_184 : vector<16xf32>
      %parallel_loop3A_186 = arith.index_cast %parallel_loop3A_180 : i32 to index
      %parallel_loop3A_187 = tpu.vector_load %arg12[%parallel_loop3A_186] {strides = array<i32>} : memref<3136xf32, #tpu.memory_space<vmem>>, vector<16xf32>,
      tpu.vector_store %arg12[%parallel_loop3A_186], %parallel_loop3A_185 {strides = array<i32>} : memref<3136xf32, #tpu.memory_space<vmem>>, vector<16xf32>,
    } {sc.loop_unroll_factor = 14 : i64, sc.parallel_access}
    %dma_wait3A_143 = tpu.memref_slice %arg13[%add3A_137] : memref<401408xf32, #tpu.memory_space<vmem_shared>> -> memref<3136xf32, #tpu.memory_space<vmem_shared>>
    %dma_wait3A_144 = tpu.memref_slice %arg13[%add3A_137] : memref<401408xf32, #tpu.memory_space<vmem_shared>> -> memref<3136xf32, #tpu.memory_space<vmem_shared>>
    tpu.wait_dma2 semaphore(%arg18 : memref<!tpu.dma_semaphore, #tpu.memory_space<semaphore_mem>>) src(%dma_wait3A_144 : memref<3136xf32, #tpu.memory_space<vmem_shared>>) dst(%arg10 : memref<3136xf32, #tpu.memory_space<vmem>>)
    %add3A_145 = arith.constant 250880 : i32
    %add3A_146 = arith.addi %add3A_145, %mul3A_27 : i32
    %dma_start3A_147 = tpu.memref_slice %arg13[%add3A_146] : memref<401408xf32, #tpu.memory_space<vmem_shared>> -> memref<3136xf32, #tpu.memory_space<vmem_shared>>
    %dma_start3A_148 = tpu.memref_slice %arg13[%add3A_146] : memref<401408xf32, #tpu.memory_space<vmem_shared>> -> memref<3136xf32, #tpu.memory_space<vmem_shared>>
    tpu.enqueue_dma source(%dma_start3A_148 : memref<3136xf32, #tpu.memory_space<vmem_shared>>) target(%arg11 : memref<3136xf32, #tpu.memory_space<vmem>>) target_semaphore(%arg19 : memref<!tpu.dma_semaphore, #tpu.memory_space<semaphore_mem>>)
    %parallel_loop3A_149 = arith.constant 0 : i32
    %parallel_loop3A_150 = arith.constant 196 : i32
    %parallel_loop3A_151 = arith.constant 1 : i32
    scf.for %parallel_loop3A_178 = %parallel_loop3A_149 to %parallel_loop3A_150 step %parallel_loop3A_151  : i32 {
      %parallel_loop3A_179 = arith.constant 16 : i32
      %parallel_loop3A_180 = arith.muli %parallel_loop3A_178, %parallel_loop3A_179 : i32
      %parallel_loop3A_181 = arith.index_cast %parallel_loop3A_180 : i32 to index
      %parallel_loop3A_182 = tpu.vector_load %arg12[%parallel_loop3A_181] {strides = array<i32>} : memref<3136xf32, #tpu.memory_space<vmem>>, vector<16xf32>,
      %parallel_loop3A_183 = arith.index_cast %parallel_loop3A_180 : i32 to index
      %parallel_loop3A_184 = tpu.vector_load %arg10[%parallel_loop3A_183] {strides = array<i32>} : memref<3136xf32, #tpu.memory_space<vmem>>, vector<16xf32>,
      %parallel_loop3A_185 = arith.addf %parallel_loop3A_182, %parallel_loop3A_184 : vector<16xf32>
      %parallel_loop3A_186 = arith.index_cast %parallel_loop3A_180 : i32 to index
      %parallel_loop3A_187 = tpu.vector_load %arg12[%parallel_loop3A_186] {strides = array<i32>} : memref<3136xf32, #tpu.memory_space<vmem>>, vector<16xf32>,
      tpu.vector_store %arg12[%parallel_loop3A_186], %parallel_loop3A_185 {strides = array<i32>} : memref<3136xf32, #tpu.memory_space<vmem>>, vector<16xf32>,
    } {sc.loop_unroll_factor = 14 : i64, sc.parallel_access}
    %dma_wait3A_152 = tpu.memref_slice %arg13[%add3A_146] : memref<401408xf32, #tpu.memory_space<vmem_shared>> -> memref<3136xf32, #tpu.memory_space<vmem_shared>>
    %dma_wait3A_153 = tpu.memref_slice %arg13[%add3A_146] : memref<401408xf32, #tpu.memory_space<vmem_shared>> -> memref<3136xf32, #tpu.memory_space<vmem_shared>>
    tpu.wait_dma2 semaphore(%arg19 : memref<!tpu.dma_semaphore, #tpu.memory_space<semaphore_mem>>) src(%dma_wait3A_153 : memref<3136xf32, #tpu.memory_space<vmem_shared>>) dst(%arg11 : memref<3136xf32, #tpu.memory_space<vmem>>)
    %add3A_154 = arith.constant 301056 : i32
    %add3A_155 = arith.addi %add3A_154, %mul3A_27 : i32
    %dma_start3A_156 = tpu.memref_slice %arg13[%add3A_155] : memref<401408xf32, #tpu.memory_space<vmem_shared>> -> memref<3136xf32, #tpu.memory_space<vmem_shared>>
    %dma_start3A_157 = tpu.memref_slice %arg13[%add3A_155] : memref<401408xf32, #tpu.memory_space<vmem_shared>> -> memref<3136xf32, #tpu.memory_space<vmem_shared>>
    tpu.enqueue_dma source(%dma_start3A_157 : memref<3136xf32, #tpu.memory_space<vmem_shared>>) target(%arg10 : memref<3136xf32, #tpu.memory_space<vmem>>) target_semaphore(%arg18 : memref<!tpu.dma_semaphore, #tpu.memory_space<semaphore_mem>>)
    %parallel_loop3A_158 = arith.constant 0 : i32
    %parallel_loop3A_159 = arith.constant 196 : i32
    %parallel_loop3A_160 = arith.constant 1 : i32
    scf.for %parallel_loop3A_178 = %parallel_loop3A_158 to %parallel_loop3A_159 step %parallel_loop3A_160  : i32 {
      %parallel_loop3A_179 = arith.constant 16 : i32
      %parallel_loop3A_180 = arith.muli %parallel_loop3A_178, %parallel_loop3A_179 : i32
      %parallel_loop3A_181 = arith.index_cast %parallel_loop3A_180 : i32 to index
      %parallel_loop3A_182 = tpu.vector_load %arg12[%parallel_loop3A_181] {strides = array<i32>} : memref<3136xf32, #tpu.memory_space<vmem>>, vector<16xf32>,
      %parallel_loop3A_183 = arith.index_cast %parallel_loop3A_180 : i32 to index
      %parallel_loop3A_184 = tpu.vector_load %arg11[%parallel_loop3A_183] {strides = array<i32>} : memref<3136xf32, #tpu.memory_space<vmem>>, vector<16xf32>,
      %parallel_loop3A_185 = arith.addf %parallel_loop3A_182, %parallel_loop3A_184 : vector<16xf32>
      %parallel_loop3A_186 = arith.index_cast %parallel_loop3A_180 : i32 to index
      %parallel_loop3A_187 = tpu.vector_load %arg12[%parallel_loop3A_186] {strides = array<i32>} : memref<3136xf32, #tpu.memory_space<vmem>>, vector<16xf32>,
      tpu.vector_store %arg12[%parallel_loop3A_186], %parallel_loop3A_185 {strides = array<i32>} : memref<3136xf32, #tpu.memory_space<vmem>>, vector<16xf32>,
    } {sc.loop_unroll_factor = 14 : i64, sc.parallel_access}
    %dma_wait3A_161 = tpu.memref_slice %arg13[%add3A_155] : memref<401408xf32, #tpu.memory_space<vmem_shared>> -> memref<3136xf32, #tpu.memory_space<vmem_shared>>
    %dma_wait3A_162 = tpu.memref_slice %arg13[%add3A_155] : memref<401408xf32, #tpu.memory_space<vmem_shared>> -> memref<3136xf32, #tpu.memory_space<vmem_shared>>
    tpu.wait_dma2 semaphore(%arg18 : memref<!tpu.dma_semaphore, #tpu.memory_space<semaphore_mem>>) src(%dma_wait3A_162 : memref<3136xf32, #tpu.memory_space<vmem_shared>>) dst(%arg10 : memref<3136xf32, #tpu.memory_space<vmem>>)
    %add3A_163 = arith.constant 351232 : i32
    %add3A_164 = arith.addi %add3A_163, %mul3A_27 : i32
    %dma_start3A_165 = tpu.memref_slice %arg13[%add3A_164] : memref<401408xf32, #tpu.memory_space<vmem_shared>> -> memref<3136xf32, #tpu.memory_space<vmem_shared>>
    %dma_start3A_166 = tpu.memref_slice %arg13[%add3A_164] : memref<401408xf32, #tpu.memory_space<vmem_shared>> -> memref<3136xf32, #tpu.memory_space<vmem_shared>>
    tpu.enqueue_dma source(%dma_start3A_166 : memref<3136xf32, #tpu.memory_space<vmem_shared>>) target(%arg11 : memref<3136xf32, #tpu.memory_space<vmem>>) target_semaphore(%arg19 : memref<!tpu.dma_semaphore, #tpu.memory_space<semaphore_mem>>)
    %parallel_loop3A_167 = arith.constant 0 : i32
    %parallel_loop3A_168 = arith.constant 196 : i32
    %parallel_loop3A_169 = arith.constant 1 : i32
    scf.for %parallel_loop3A_178 = %parallel_loop3A_167 to %parallel_loop3A_168 step %parallel_loop3A_169  : i32 {
      %parallel_loop3A_179 = arith.constant 16 : i32
      %parallel_loop3A_180 = arith.muli %parallel_loop3A_178, %parallel_loop3A_179 : i32
      %parallel_loop3A_181 = arith.index_cast %parallel_loop3A_180 : i32 to index
      %parallel_loop3A_182 = tpu.vector_load %arg12[%parallel_loop3A_181] {strides = array<i32>} : memref<3136xf32, #tpu.memory_space<vmem>>, vector<16xf32>,
      %parallel_loop3A_183 = arith.index_cast %parallel_loop3A_180 : i32 to index
      %parallel_loop3A_184 = tpu.vector_load %arg10[%parallel_loop3A_183] {strides = array<i32>} : memref<3136xf32, #tpu.memory_space<vmem>>, vector<16xf32>,
      %parallel_loop3A_185 = arith.addf %parallel_loop3A_182, %parallel_loop3A_184 : vector<16xf32>
      %parallel_loop3A_186 = arith.index_cast %parallel_loop3A_180 : i32 to index
      %parallel_loop3A_187 = tpu.vector_load %arg12[%parallel_loop3A_186] {strides = array<i32>} : memref<3136xf32, #tpu.memory_space<vmem>>, vector<16xf32>,
      tpu.vector_store %arg12[%parallel_loop3A_186], %parallel_loop3A_185 {strides = array<i32>} : memref<3136xf32, #tpu.memory_space<vmem>>, vector<16xf32>,
    } {sc.loop_unroll_factor = 14 : i64, sc.parallel_access}
    %dma_wait3A_170 = tpu.memref_slice %arg13[%add3A_164] : memref<401408xf32, #tpu.memory_space<vmem_shared>> -> memref<3136xf32, #tpu.memory_space<vmem_shared>>
    %dma_wait3A_171 = tpu.memref_slice %arg13[%add3A_164] : memref<401408xf32, #tpu.memory_space<vmem_shared>> -> memref<3136xf32, #tpu.memory_space<vmem_shared>>
    tpu.wait_dma2 semaphore(%arg19 : memref<!tpu.dma_semaphore, #tpu.memory_space<semaphore_mem>>) src(%dma_wait3A_171 : memref<3136xf32, #tpu.memory_space<vmem_shared>>) dst(%arg11 : memref<3136xf32, #tpu.memory_space<vmem>>)
    %parallel_loop3A_172 = arith.constant 0 : i32
    %parallel_loop3A_173 = arith.constant 196 : i32
    %parallel_loop3A_174 = arith.constant 1 : i32
    scf.for %parallel_loop3A_178 = %parallel_loop3A_172 to %parallel_loop3A_173 step %parallel_loop3A_174  : i32 {
      %parallel_loop3A_179 = arith.constant 16 : i32
      %parallel_loop3A_180 = arith.muli %parallel_loop3A_178, %parallel_loop3A_179 : i32
      %parallel_loop3A_181 = arith.index_cast %parallel_loop3A_180 : i32 to index
      %parallel_loop3A_182 = tpu.vector_load %arg12[%parallel_loop3A_181] {strides = array<i32>} : memref<3136xf32, #tpu.memory_space<vmem>>, vector<16xf32>,
      %parallel_loop3A_183 = arith.index_cast %parallel_loop3A_180 : i32 to index
      %parallel_loop3A_184 = tpu.vector_load %arg11[%parallel_loop3A_183] {strides = array<i32>} : memref<3136xf32, #tpu.memory_space<vmem>>, vector<16xf32>,
      %parallel_loop3A_185 = arith.addf %parallel_loop3A_182, %parallel_loop3A_184 : vector<16xf32>
      %parallel_loop3A_186 = arith.index_cast %parallel_loop3A_180 : i32 to index
      %parallel_loop3A_187 = tpu.vector_load %arg12[%parallel_loop3A_186] {strides = array<i32>} : memref<3136xf32, #tpu.memory_space<vmem>>, vector<16xf32>,
      tpu.vector_store %arg12[%parallel_loop3A_186], %parallel_loop3A_185 {strides = array<i32>} : memref<3136xf32, #tpu.memory_space<vmem>>, vector<16xf32>,
    } {sc.loop_unroll_factor = 14 : i64, sc.parallel_access}
    %mul3A_175 = arith.constant 50176 : i32
    %mul3A_176 = arith.muli %arg0, %mul3A_175 : i32
    %add3A_177 = arith.addi %mul3A_176, %mul3A_27 : i32
    "tpu.region"() ({
      %run_scoped3A = tpu.sem_alloc : memref<!tpu.dma_semaphore, #tpu.memory_space<semaphore_mem>>
      %dma_start3A_178 = tpu.memref_slice %arg4[%add3A_177] : memref<100352xf32, #tpu.memory_space<hbm>> -> memref<3136xf32, #tpu.memory_space<hbm>>
      %dma_start3A_179 = tpu.memref_slice %arg4[%add3A_177] : memref<100352xf32, #tpu.memory_space<hbm>> -> memref<3136xf32, #tpu.memory_space<hbm>>
      tpu.enqueue_dma source(%arg12 : memref<3136xf32, #tpu.memory_space<vmem>>) target(%dma_start3A_179 : memref<3136xf32, #tpu.memory_space<hbm>>) target_semaphore(%run_scoped3A : memref<!tpu.dma_semaphore, #tpu.memory_space<semaphore_mem>>)
      %dma_wait3A_180 = tpu.memref_slice %arg4[%add3A_177] : memref<100352xf32, #tpu.memory_space<hbm>> -> memref<3136xf32, #tpu.memory_space<hbm>>
      %dma_wait3A_181 = tpu.memref_slice %arg4[%add3A_177] : memref<100352xf32, #tpu.memory_space<hbm>> -> memref<3136xf32, #tpu.memory_space<hbm>>
      tpu.wait_dma2 semaphore(%run_scoped3A : memref<!tpu.dma_semaphore, #tpu.memory_space<semaphore_mem>>) src(%arg12 : memref<3136xf32, #tpu.memory_space<vmem>>) dst(%dma_wait3A_181 : memref<3136xf32, #tpu.memory_space<hbm>>)
      tpu.yield
    }) : () -> ()
    return
  }
}

module attributes {stable_mosaic.version = 14 : i64} {
  func.func @_merge_body(%arg0: memref<100352xf32, #tpu.memory_space<vmem>>, %arg1: memref<50000xf32, #tpu.memory_space<vmem>>) attributes {dimension_semantics = [], scalar_prefetch = 0 : i64, scratch_operands = 0 : i64, tpu.core_type = #tpu.core_type<tc>} {
    %get3A = arith.constant 0 : index
    %get3A_0 = vector.load %arg0[%get3A] : memref<100352xf32, #tpu.memory_space<vmem>>, vector<50000xf32>
    %get3A_1 = arith.constant 50176 : index
    %get3A_2 = vector.load %arg0[%get3A_1] : memref<100352xf32, #tpu.memory_space<vmem>>, vector<50000xf32>
    %add3A = arith.addf %get3A_0, %get3A_2 : vector<50000xf32>
    %swap3A = arith.constant 0 : index
    %swap3A_3 = vector.load %arg1[%swap3A] : memref<50000xf32, #tpu.memory_space<vmem>>, vector<50000xf32>
    tpu.vector_store %arg1[%swap3A], %add3A {strides = array<i32>} : memref<50000xf32, #tpu.memory_space<vmem>>, vector<50000xf32>,
    return
  }
}

module attributes {stable_mosaic.version = 14 : i64} {
  func.func @_copy_body(%arg0: i32, %arg1: memref<128000xf32, #tpu.memory_space<vmem>>, %arg2: memref<128000xf32, #tpu.memory_space<vmem>>) attributes {dimension_semantics = [#tpu.dimension_semantics<arbitrary>], iteration_bounds = array<i64: 25>, scalar_prefetch = 0 : i64, scratch_operands = 0 : i64, tpu.core_type = #tpu.core_type<tc>, window_params = [{transform_indices = @transform_0, window_bounds = array<i64: 128000>}, {transform_indices = @transform_1, window_bounds = array<i64: 128000>}]} {
    %get3A = arith.constant 0 : index
    %get3A_0 = vector.load %arg1[%get3A] : memref<128000xf32, #tpu.memory_space<vmem>>, vector<128000xf32>
    %swap3A = arith.constant 0 : index
    %swap3A_1 = vector.load %arg2[%swap3A] : memref<128000xf32, #tpu.memory_space<vmem>>, vector<128000xf32>
    tpu.vector_store %arg2[%swap3A], %get3A_0 {strides = array<i32>} : memref<128000xf32, #tpu.memory_space<vmem>>, vector<128000xf32>,
    return
  }
  func.func @transform_0(%arg0: i32) -> i32 {
    %c0_i32 = arith.constant 0 : i32
    return %arg0 : i32
  }
  func.func @transform_1(%arg0: i32) -> i32 {
    %c0_i32 = arith.constant 0 : i32
    return %arg0 : i32
  }
}

</mosaic_0001>

<sc_bundles>
// kernel: kernel.5.cloned.1.call-start
scs
__scs_entry_jumppad:
0x0: {  	(pc) =	sbr.rel $0x88, $3  }
0x1: {  	(tag) =	ssettag $0x0;
	lr =	simm.s32 $0x1  }
0x2: {  	[smem:$0x3F9F] =	sst lr;
	_ =	strace $0xD0000000  }
0x3: {  	_ = 	snop  }
0x4: {  	_ = 	snop  }
0x5: {  	_ = 	snop  }
0x6: {  	_ = 	snop  }
0x7: {  	_ = 	snop  }
__scs_overlays_trampoline_lowered:
0x8: {  	[smem:$0x3FAE] =	sst s0  }
0x9: {  	[smem:$0x3FAF] =	sst s1  }
0xa: {  	[smem:$0x3FB0] =	sst s2  }
0xb: {  	[smem:$0x3FB1] =	sst s3  }
0xc: {  	[smem:$0x3FB2] =	sst s4  }
0xd: {  	[smem:$0x3FB3] =	sst s5  }
0xe: {  	[smem:$0x3FB4] =	sst s6  }
0xf: {  	[smem:$0x3FB5] =	sst s7  }
0x10: {  	[smem:$0x3FB6] =	sst s8  }
0x11: {  	[smem:$0x3FB7] =	sst s9;
	s0 =	simm.s32 @!p0 $0x0  }
0x12: {  	s1 =	sld [smem:$0x3F9D];
	s0 =	simm.s32 @p0 $0x1  }
0x13: {  	[smem:$0x3FB8] =	sst s0;
	s0 =	simm.s32 @!p1 $0x0  }
0x14: {  	s2 =	sld [smem:$0x3F9C];
	s0 =	simm.s32 @p1 $0x1  }
0x15: {  	[smem:$0x3FB9] =	sst s0;
	s0 =	simm.s32 @!p2 $0x0  }
0x16: {  	s3 =	sld [smem:$0x3FDB];
	s0 =	simm.s32 @p2 $0x1  }
0x17: {  	s4 =	simm.s32 $0x1BF5;
	[smem:$0x3FBB] =	sst s0  }
0x18: {  	s0 =	sld [smem:$0x3F9E];
	_ =	swait.ge [sflag:s4], $0x0  }
0x19: {  	s7 =	sld [smem:$0x3F9F]  }
0x1a: {  	s8 =	sadd.s32 $0xFFFFE003, lr  }
0x1b: {  	s9 =	sadd.s32 $0xFFFFFEF7, lr;
	s5 =	simm.s32 $0xFFFFFFFF;
	p2 =	slt.u32 s8, $0xFFFFF086  }
0x1c: {  	p1 =	slt.u32 s9, $0xF7A;
	s5 =	simm.s32 @!p2 $0x0  }
0x1d: {  	s5 =	simm.s32 @p1 $0x1;
	p0 =	seq.s32 s7, s2  }
0x1e: {  	s7 =	smul.u32 @!p0 $0xF7A, s2;
	p2 =	seq.s32 @!p0 s5, $0x0  }
0x1f: {  	s9 =	smul.u32 $0xF7A, s1;
	s8 =	simm.s32 @!p0 $0x1BF5;
	p2 =	por !p2, p0  }
0x20: {  	[sflag:s8] =	ssyncset.s32 @!p0 $0xFFFFF086;
	s6 =	sadd.s32 @!p0 s3, s7;
	s7 =	simm.s32 @!p0 $0x108  }
0x21: {  	s3 =	sadd.s32 s3, s9;
	s6 =	sadd.s32 @!p0 $0x88, s6;
	s7 =	simm.s32 @p2 $0x1082  }
0x22: {  	[simem:s7], [sflag:s8] =	dma.local @!p0 [hbm:s6], $0xF7A  }
0x23: {  	s9 =	sor.u32 $0xD0000000, s2;
	s6 =	simm.s32 $0x108;
	_ =	swait.ge @!p0 [sflag:s8], $0x0  }
0x24: {  	s3 =	sadd.s32 $0x88, s3;
	s6 =	simm.s32 @!p1 $0x1082;
	[sflag:s4] =	ssyncset.s32 $0xFFFFF086  }
0x25: {  	[simem:s6], [sflag:s4] =	dma.local [hbm:s3], $0xF7A  }
0x26: {  	[smem:$0x3F9F] =	sst s1;
	(tag) =	ssettag s2;
	_ =	strace s9  }
0x27: {  	s1 =	sld [smem:$0x3FAF]  }
0x28: {  	s2 =	sld [smem:$0x3FB0]  }
0x29: {  	s4 =	sld [smem:$0x3FB2]  }
0x2a: {  	p0 =	seq.s32 s5, $0x0;
	s5 =	sld [smem:$0x3FB3]  }
0x2b: {  	s6 =	sld [smem:$0x3FB4]  }
0x2c: {  	s7 =	sld [smem:$0x3FB5]  }
0x2d: {  	s3 =	simm.s32 $0x108;
	s8 =	sld [smem:$0x3FB6]  }
0x2e: {  	s3 =	simm.s32 @!p0 $0x1082;
	s9 =	sld [smem:$0x3FB7]  }
0x2f: {  	lr =	sadd.s32 s0, s3;
	s0 =	sld [smem:$0x3FAE]  }
0x30: {  	s3 =	sld [smem:$0x3FB1]  }
0x31: {  	[smem:$0x3FBA] =	sst s10  }
0x32: {  	s10 =	sld [smem:$0x3FB8];
	_ =	sdelay $0x3  }
0x33: {  	p0 =	seq.s32 s10, $0x1;
	s10 =	sld [smem:$0x3FBA];
	_ =	sdelay $0x3  }
0x34: {  	[smem:$0x3FBA] =	sst s10  }
0x35: {  	s10 =	sld [smem:$0x3FB9];
	_ =	sdelay $0x3  }
0x36: {  	p1 =	seq.s32 s10, $0x1;
	s10 =	sld [smem:$0x3FBA];
	_ =	sdelay $0x3  }
0x37: {  	[smem:$0x3FBA] =	sst s10  }
0x38: {  	s10 =	sld [smem:$0x3FBB]  }
0x39: {  	_ = 	snop;
	(pc) =	sbr.ind lr, $3  }
0x3a: {  	_ = 	snop  }
0x3b: {  	_ = 	snop  }
0x3c: {  	p2 =	seq.s32 s10, $0x1;
	s10 =	sld [smem:$0x3FBA]  }
0x3d: {  	_ =	shalt  }
0x3e: {  	_ =	shalt  }
0x3f: {  	_ =	shalt  }
0x40: {  	_ =	shalt  }
0x41: {  	_ =	shalt  }
0x42: {  	_ =	shalt  }
0x43: {  	_ =	shalt  }
0x44: {  	_ =	shalt  }
0x45: {  	_ =	shalt  }
0x46: {  	_ =	shalt  }
0x47: {  	_ =	shalt  }
0x48: {  	_ =	shalt  }
0x49: {  	_ =	shalt  }
0x4a: {  	_ =	shalt  }
0x4b: {  	_ =	shalt  }
0x4c: {  	_ =	shalt  }
0x4d: {  	_ =	shalt  }
0x4e: {  	_ =	shalt  }
0x4f: {  	_ =	shalt  }
0x50: {  	_ =	shalt  }
0x51: {  	_ =	shalt  }
0x52: {  	_ =	shalt  }
0x53: {  	_ =	shalt  }
0x54: {  	_ =	shalt  }
0x55: {  	_ =	shalt  }
0x56: {  	_ =	shalt  }
0x57: {  	_ =	shalt  }
0x58: {  	_ =	shalt  }
0x59: {  	_ =	shalt  }
0x5a: {  	_ =	shalt  }
0x5b: {  	_ =	shalt  }
0x5c: {  	_ =	shalt  }
0x5d: {  	_ =	shalt  }
0x5e: {  	_ =	shalt  }
0x5f: {  	_ =	shalt  }
0x60: {  	_ =	shalt  }
0x61: {  	_ =	shalt  }
0x62: {  	_ =	shalt  }
0x63: {  	_ =	shalt  }
0x64: {  	_ =	shalt  }
0x65: {  	_ =	shalt  }
0x66: {  	_ =	shalt  }
0x67: {  	_ =	shalt  }
0x68: {  	_ =	shalt  }
0x69: {  	_ =	shalt  }
0x6a: {  	_ =	shalt  }
0x6b: {  	_ =	shalt  }
0x6c: {  	_ =	shalt  }
0x6d: {  	_ =	shalt  }
0x6e: {  	_ =	shalt  }
0x6f: {  	_ =	shalt  }
0x70: {  	_ =	shalt  }
0x71: {  	_ =	shalt  }
0x72: {  	_ =	shalt  }
0x73: {  	_ =	shalt  }
0x74: {  	_ =	shalt  }
0x75: {  	_ =	shalt  }
0x76: {  	_ =	shalt  }
0x77: {  	_ =	shalt  }
0x78: {  	_ =	shalt  }
0x79: {  	_ =	shalt  }
0x7a: {  	_ =	shalt  }
0x7b: {  	_ =	shalt  }
0x7c: {  	_ =	shalt  }
0x7d: {  	_ =	shalt  }
0x7e: {  	_ =	shalt  }
0x7f: {  	_ =	shalt  }
0x80: {  	_ =	shalt  }
0x81: {  	_ =	shalt  }
0x82: {  	_ =	shalt  }
0x83: {  	_ =	shalt  }
0x84: {  	_ =	shalt  }
0x85: {  	_ =	shalt  }
0x86: {  	_ =	shalt  }
0x87: {  	_ =	shalt  }
.Lfunc_end0:
.L_simem_size_0:
called_computation_lowered:
.L_overlay_start_0:
0x88: {  	s2 =	sld [smem:$0x3FD9]  }
0x89: {  	s3 =	sld [smem:$0x3FFE];
	_ =	sdelay $0x1  }
0x8a: {  	s1 =	srdreg.scid  }
0x8b: {  	s0 =	sand.u32 $0x1, s1  }
0x8c: {  	s17 =	sshll.u32 s0, $0xA;
	s2 =	sadd.s32 s3, s2  }
0x8d: {  	s2 =	sadd.s32 s2, s17  }
0x8e: {  	[smem:$0x3FC6] =	sst s2  }
0x8f: {  	_ = 	snop  }
0x90: {  	s2 =	sld [smem:$0x3FC9]  }
0x91: {  	s18 =	sld [smem:$0x3FC8];
	(tm) =	ssettm $0x1  }
0x92: {  	s4 =	sld [smem:$0x3FFB];
	_ =	sdelay $0x3  }
0x93: {  	_ =	strace s4  }
0x94: {  	s4 =	sld [smem:$0x3FFC];
	_ =	sdelay $0x3  }
0x95: {  	_ =	strace s4  }
0x96: {  	s4 =	sld [smem:$0x3FFD];
	_ =	sdelay $0x3  }
0x97: {  	_ =	strace s4  }
0x98: {  	_ =	strace $0x8FFFFFFF  }
0x99: {  	s19 =	sld [smem:$0x3FDB];
	_ =	sdelay $0x1  }
0x9a: {  	s5 =	simm.s32 $_scs_section_size  }
0x9b: {  	s6 =	simm.s32 $_size__tile_overlayer_lowered;
	s7 =	simm.s32 $_tile_overlayer_lowered  }
0x9c: {  	s22 =	simm.s32 $0x1BFF;
	s21 =	sshll.u32 s7, $0x1;
	s4 =	sadd.s32 s5, s19  }
0x9d: {  	s8 =	simm.s32 $0x0;
	s20 =	sshll.u32 s6, $0x1;
	s6 =	sadd.s32 s21, s4  }
0x9e: {  	[timem:s8], [sflag:s22] =	dma.local [hbm:s6], s20  }
0x9f: {  	_ =	swait.ge [sflag:s22], s20  }
0xa0: {  	s5 =	ssub.s32 $0x0, s20;
	[sflag:s22] =	ssyncset.done $0x0  }
0xa1: {  	[sflag:s22] =	ssyncadd.s32 s5;
	_ =	sdelay $0x1  }
0xa2: {  	s23 =	simm.s32 $0x1B8B  }
0xa3: {  	_ =	swait.ge [sflag:s23], $0x1  }
0xa4: {  	[sflag:s23] =	ssyncset.done $0x0  }
0xa5: {  	s25 =	simm.s32 $0x1B8E;
	s24 =	sld [smem:$0x3FFE];
	[sflag:s23] =	ssyncadd.s32 $0xFFFFFFFF  }
0xa6: {  	s26 =	simm.s32 $execute0_lowered;
	[smem:$0x3FD2] =	sst s25  }
0xa7: {  	s6 =	sshll.u32 s26, $0x1;
	_ =	strace $0x80000046;
	[dreg:$0x1] =	wrdreg $0xFFFFFFFF  }
0xa8: {  	s28 =	simm.s32 $_size_execute0_lowered;
	s4 =	sadd.s32 s4, s6;
	[dreg:$0x0] =	wrdreg $0x0  }
0xa9: {  	s6 =	sshll.u32 s28, $0x1;
	[dreg:$0x2] =	wrdreg s4  }
0xaa: {  	[dreg:$0x3] =	wrdreg s6  }
0xab: {  	[dreg:$0x4] =	wrdreg $0xC0  }
0xac: {  	_ =	task [dreg:s8], $0x5FFFF  }
0xad: {  	[dreg:$0x1] =	wrdreg $0xFFFFFFFF  }
0xae: {  	[dreg:$0x0] =	wrdreg $0x60  }
0xaf: {  	[dreg:$0x2] =	wrdreg s2  }
0xb0: {  	[dreg:$0x3] =	wrdreg s18  }
0xb1: {  	[dreg:$0x4] =	wrdreg s24  }
0xb2: {  	[dreg:$0x5] =	wrdreg $0x187800  }
0xb3: {  	[dreg:$0x6] =	wrdreg $0x9  }
0xb4: {  	_ =	task.clear_ibuf [dreg:s8], $0x7FFFF;
	_ =	strace $0x90000046  }
0xb5: {  	s29 =	simm.s32 $0x9;
	_ =	strace $0x80000048  }
0xb6: {  	_ =	swait.ge [sflag:s29], $0x1  }
0xb7: {  	[sflag:s29] =	ssyncadd.s32 $0xFFFFFFFF  }
0xb8: {  	_ =	strace $0x90000048  }
0xb9: {  	_ =	sfence  }
0xba: {  	s30 =	sld [smem:$0x0];
	_ =	sdelay $0x2  }
0xbb: {  	s31 =	sshll.u32 s1, $0xD;
	s1 =	sshrl.u32 s1, $0x2  }
0xbc: {  	s3 =	sand.u32 $0x4000, s31;
	s1 =	sadd.s32 s1, s30  }
0xbd: {  	s0 =	sor.u32 s3, s0;
	s1 =	sshll.u32 s1, $0x11  }
0xbe: {  	s0 =	sor.u32 s1, s0  }
0xbf: {  	s0 =	sadd.s32 $0x8F2B, s0  }
0xc0: {  	[sflag:s0] =	ssyncadd.remote.s32 $0x1  }
0xc1: {  	_ =	sfence.sel $0xFFFF  }
0xc2: {  	[dreg:$0x0] =	wrdreg $0xFFFFFFFF;
	(pc) =	sbr.abs _section_cstart, $3  }
0xc3: {  	[dreg:$0x1] =	wrdreg $0xFFFFFFFF  }
0xc4: {  	_ =	task.clear_ibuf [dreg:s8], $0x2FFFF;
	_ =	strace $0x9FFFFFFF  }
0xc5: {  	(tm) =	ssettm $0x7FFFFFFF  }
tec
execute0_lowered:
.L_overlay_start_1:
0x0: {  	(tag) =	ssettag $0x1  }
0x1: {  	s1 =	rddreg [dreg:$0x0]  }
0x2: {  	s2 =	rddreg [dreg:$0x1];
	s0 =	srdreg.scid  }
0x3: {  	s11 =	stileid.u32;
	s3 =	rddreg [dreg:$0x2]  }
0x4: {  	s6 =	rddreg [dreg:$0x3];
	s4 =	simm.s32 $0x0;
	s28 =	simm.s32 $0x1  }
0x5: {  	s29 =	simm.s32 $0x2;
	s30 =	simm.s32 $0x3;
	s31 =	simm.s32 $0x4  }
0x6: {  	s0 =	sand.u32 $0x1, s0;
	s5 =	smul.u32 $0xC40, s11;
	s8 =	sshll.u32 s11, $0x1  }
0x7: {  	[smem:$0x7FF] =	sst s4;
	s10 =	smul.u32 $0x31000, s11;
	p0 =	sgt.u32 s11, $0x7  }
0x8: {  	p1 =	slt.u32 s11, $0x8;
	s7 =	smul.u32 $0xC400, s0;
	s8 =	sor.u32 s0, s8  }
0x9: {  	_ =	strace $0x80000047;
	s0 =	ssub.s32 $0x2, s0;
	s8 =	smul.u32 $0x186A0, s8  }
0xa: {  	s20 =	sshrl.u32 s0, $0x1;
	s23 =	sshrl.u32 s10, $0x2;
	s7 =	sadd.s32 s5, s7  }
0xb: {  	s0 =	ssub.s32 s0, s20;
	s7 =	sshrl.u32 s7, $0x3;
	s9 =	sshrl.u32 s8, $0x3  }
0xc: {  	s10 =	sadd.s32 $0x7530, s8;
	s0 =	smax.u32 s0, $0x1;
	s3 =	sadd.s32 s7, s3  }
0xd: {  	s21 =	sadd.s32 $0x4E2, s9;
	s12 =	sadd.s32 s1, s9;
	[dreg:$0x10] =	wrdreg s0  }
0xe: {  	s9 =	sadd.s32 s2, s9;
	s0 =	simm.s32 $0x7;
	[dreg:$0x5] =	wrdreg s12  }
0xf: {  	[dreg:$0x6] =	wrdreg s9;
	s22 =	sadd.s32 s1, s21;
	s7 =	sadd.s32 s2, s21  }
0x10: {  	s9 =	sadd.s32 $0x4E20, s8;
	s3 =	sadd.s32 $0x800, s3;
	[dreg:$0x7] =	wrdreg s22  }
0x11: {  	s8 =	simm.s32 $0x0;
	[dreg:$0x8] =	wrdreg s7;
	s7 =	sadd.s32 s23, s6  }
0x12: {  	s6 =	sadd.s32 s5, s6;
	[dreg:$0xf] =	wrdreg s3;
	s23 =	simm.s32 $0xC400  }
0x13: {  	s3 =	simm.s32 $0x16E80;
	s5 =	sadd.s32 $0xC400, s6;
	[dreg:$0xd] =	wrdreg s6  }
0x14: {  	s24 =	sadd.s32 $0x18800, s6;
	s25 =	sadd.s32 $0x24C00, s6;
	[dreg:$0x9] =	wrdreg s7  }
0x15: {  	s15 =	sadd.s32 $0x31000, s6;
	s16 =	sadd.s32 $0x3D400, s6;
	[dreg:$0xa] =	wrdreg s5  }
0x16: {  	s19 =	sadd.s32 $0x49800, s6;
	s18 =	sadd.s32 $0x55C00, s6;
	[dreg:$0xb] =	wrdreg s24  }
0x17: {  	s26 =	sadd.s32 $0xFFF9E000, s7;
	s6 =	simm.s32 $0x16200;
	[dreg:$0xc] =	wrdreg s25  }
0x18: {  	v1 =	vlaneseq.u32;
	s7 =	simm.s32 $0x5;
	[dreg:$0xe] =	wrdreg s26;
	s24 =	simm.s32 $0xEB80  }
0x19: {  	v0 =	vimm.f32 $0.0e+00;
	v1 =	vmul.u32 $0x271, v1;
	s25 =	simm.s32 $0x11300;
	s26 =	simm.s32 $0x13A80;
	s5 =	simm.s32 $0x6  }
.LBB2_1:
0x1a: {  	s11 =	rddreg [dreg:$0x5]  }
0x1b: {  	[tilespmem:s23], [sflag:$0x1] =	stream.linear.gather [hbm4b:s11+s4], $0x2710, $0x38;
	[tilespmem:$0x1E980] =	vst v63  }
0x1c: {  	s20 =	rddreg [dreg:$0x6]  }
0x1d: {  	[tilespmem:s24], [sflag:$0x2] =	stream.linear.gather [hbm4b:s20+s4], $0x2710, $0x38;
	[tilespmem:$0x1E980] =	vst v63  }
0x1e: {  	s21 =	rddreg [dreg:$0x7]  }
0x1f: {  	[tilespmem:s25], [sflag:$0x3] =	stream.linear.gather [hbm4b:s21+s4], $0x2710, $0x38;
	[tilespmem:$0x1E980] =	vst v63  }
0x20: {  	s22 =	rddreg [dreg:$0x8];
	s11 =	simm.s32 $0x80  }
0x21: {  	[tilespmem:s26], [sflag:$0x4] =	stream.linear.gather [hbm4b:s22+s4], $0x2710, $0x38;
	[tilespmem:$0x1E980] =	vst v63  }
0x22: {  	[tilespmem:s11+$0xFFFFFF80] =	vst v0  }
0x23: {  	[tilespmem:s11+$0x70] =	vst v0  }
0x24: {  	[tilespmem:s11+$0x60] =	vst v0  }
0x25: {  	[tilespmem:s11+$0x50] =	vst v0  }
0x26: {  	[tilespmem:s11+$0x40] =	vst v0  }
0x27: {  	[tilespmem:s11+$0x30] =	vst v0  }
0x28: {  	[tilespmem:s11+$0x20] =	vst v0  }
0x29: {  	[tilespmem:s11+$0x10] =	vst v0  }
0x2a: {  	[tilespmem:s11+$0x0] =	vst v0  }
0x2b: {  	[tilespmem:s11+$0xFFFFFFF0] =	vst v0  }
0x2c: {  	[tilespmem:s11+$0xFFFFFFE0] =	vst v0  }
0x2d: {  	[tilespmem:s11+$0xFFFFFFD0] =	vst v0  }
0x2e: {  	[tilespmem:s11+$0xFFFFFFC0] =	vst v0  }
0x2f: {  	s12 =	smov.u32 s18;
	[tilespmem:s11+$0xFFFFFFB0] =	vst v0  }
0x30: {  	s18 =	smov.u32 s16;
	s17 =	smov.u32 s15;
	s13 =	simm.s32 $0x0;
	[tilespmem:s11+$0xFFFFFFA0] =	vst v0  }
.LBB2_2:
0x31: {  	s13 =	sadd.s32 $0x10, s13;
	[tilespmem:s11+$0xFFFFFF90] =	vst v0;
	s11 =	sadd.s32 $0x100, s11  }
0x32: {  	[tilespmem:s11+$0xFFFFFF80] =	vst v0;
	p2 =	slt.u32 s13, $0xC30  }
0x33: {  	[tilespmem:s11+$0x70] =	vst v0  }
0x34: {  	[tilespmem:s11+$0x60] =	vst v0  }
0x35: {  	[tilespmem:s11+$0x50] =	vst v0  }
0x36: {  	[tilespmem:s11+$0x40] =	vst v0  }
0x37: {  	[tilespmem:s11+$0x30] =	vst v0  }
0x38: {  	[tilespmem:s11+$0x20] =	vst v0  }
0x39: {  	[tilespmem:s11+$0x10] =	vst v0  }
0x3a: {  	[tilespmem:s11+$0x0] =	vst v0  }
0x3b: {  	[tilespmem:s11+$0xFFFFFFF0] =	vst v0  }
.Ltmp0:
0x3c: {  	[tilespmem:s11+$0xFFFFFFE0] =	vst v0;
	(pc) =	sbr.rel @p2 .LBB2_2-.Ltmp0, $4  }
0x3d: {  	[tilespmem:s11+$0xFFFFFFD0] =	vst v0  }
0x3e: {  	[tilespmem:s11+$0xFFFFFFC0] =	vst v0  }
0x3f: {  	[tilespmem:s11+$0xFFFFFFB0] =	vst v0  }
0x40: {  	[tilespmem:s11+$0xFFFFFFA0] =	vst v0  }
0x41: {  	[tilespmem:s11+$0xFFFFFF90] =	vst v0;
	s20 =	simm.s32 $0x0;
	s21 =	simm.s32 $0x0  }
.LBB2_4:
0x42: {  	_ =	swait.ge [sflag:s28], $0x2710  }
0x43: {  	v2 =	vadd.s32 s20, v1;
	[sflag:s28] =	ssyncset.done $0x0  }
0x44: {  	s11 =	simm.s32 $0x17;
	[sflag:s28] =	ssyncadd.s32 $0xFFFFD8F0  }
0x45: {  	s13 =	simm.s32 $0xD;
	v6 =	vadd.s32 s11, v1;
	_ =	swait.ge [sflag:s29], $0x2710  }
0x46: {  	v8 =	vadd.s32 s13, v1;
	[sflag:s29] =	ssyncset.done $0x0  }
0x47: {  	s14 =	simm.s32 $0x9;
	[sflag:s29] =	ssyncadd.s32 $0xFFFFD8F0  }
0x48: {  	s15 =	simm.s32 $0x15;
	v9 =	vadd.s32 s14, v1;
	v4 =	vld.idx.msk [tilespmem:v2+s23+$0x0], $0xffff  }
0x49: {  	s16 =	simm.s32 $0x8;
	v10 =	vadd.s32 s15, v1;
	v3 =	vld.idx.msk [tilespmem:v2+s24+$0x0], $0xffff  }
0x4a: {  	s22 =	simm.s32 $0x2;
	v11 =	vadd.s32 s16, v1;
	v5 =	vld.idx.msk [tilespmem:v6+s24+$0x0], $0xffff  }
0x4b: {  	v12 =	vadd.s32 s22, v1;
	v2 =	vld.idx.msk [tilespmem:v8+s23+$0x0], $0xffff  }
0x4c: {  	v7 =	vld.idx.msk [tilespmem:v6+s23+$0x0], $0xffff  }
0x4d: {  	v14 =	vld.idx.msk [tilespmem:v9+s24+$0x0], $0xffff  }
0x4e: {  	v6 =	vld.idx.msk [tilespmem:v10+s24+$0x0], $0xffff  }
0x4f: {  	v17 =	vld.idx.msk [tilespmem:v11+s24+$0x0], $0xffff  }
0x50: {  	s14 =	simm.s32 $0x3;
	v19 =	vld.idx.msk [tilespmem:v12+s24+$0x0], $0xffff  }
0x51: {  	s15 =	simm.s32 $0x5;
	v13 =	vadd.s32 s14, v1;
	v8 =	vld.idx.msk [tilespmem:v8+s24+$0x0], $0xffff  }
0x52: {  	s16 =	simm.s32 $0x6;
	v15 =	vadd.s32 s15, v1;
	v12 =	vld.idx.msk [tilespmem:v12+s23+$0x0], $0xffff  }
0x53: {  	s22 =	simm.s32 $0x7;
	v16 =	vadd.s32 s16, v1;
	v11 =	vld.idx.msk [tilespmem:v11+s23+$0x0], $0xffff  }
0x54: {  	v18 =	vadd.s32 s22, v1;
	v9 =	vld.idx.msk [tilespmem:v9+s23+$0x0], $0xffff  }
0x55: {  	s13 =	simm.s32 $0xA;
	v10 =	vld.idx.msk [tilespmem:v10+s23+$0x0], $0xffff  }
0x56: {  	v20 =	vadd.s32 s13, v1;
	v21 =	vld.idx.msk [tilespmem:v13+s23+$0x0], $0xffff  }
0x57: {  	v23 =	vld.idx.msk [tilespmem:v15+s24+$0x0], $0xffff  }
0x58: {  	v25 =	vld.idx.msk [tilespmem:v16+s23+$0x0], $0xffff  }
0x59: {  	v26 =	vld.idx.msk [tilespmem:v18+s24+$0x0], $0xffff  }
0x5a: {  	s14 =	simm.s32 $0xB;
	v18 =	vld.idx.msk [tilespmem:v18+s23+$0x0], $0xffff  }
0x5b: {  	s15 =	simm.s32 $0xC;
	v22 =	vadd.s32 s14, v1;
	v28 =	vld.idx.msk [tilespmem:v20+s23+$0x0], $0xffff  }
0x5c: {  	v24 =	vadd.s32 s15, v1;
	v20 =	vld.idx.msk [tilespmem:v20+s24+$0x0], $0xffff  }
0x5d: {  	s16 =	simm.s32 $0xE;
	v57 =	vld.idx.msk [tilespmem:v16+s24+$0x0], $0xffff  }
0x5e: {  	s22 =	simm.s32 $0xF;
	v27 =	vadd.s32 s16, v1;
	v13 =	vld.idx.msk [tilespmem:v13+s24+$0x0], $0xffff  }
0x5f: {  	v29 =	vadd.s32 s22, v1;
	v15 =	vld.idx.msk [tilespmem:v15+s23+$0x0], $0xffff  }
0x60: {  	s13 =	simm.s32 $0x1;
	v30 =	vld.idx.msk [tilespmem:v22+s24+$0x0], $0xffff  }
0x61: {  	v32 =	vadd.s32 s13, v1;
	v31 =	vld.idx.msk [tilespmem:v24+s24+$0x0], $0xffff  }
0x62: {  	v22 =	vld.idx.msk [tilespmem:v22+s23+$0x0], $0xffff  }
0x63: {  	s14 =	simm.s32 $0x10;
	v33 =	vld.idx.msk [tilespmem:v27+s23+$0x0], $0xffff  }
0x64: {  	s15 =	simm.s32 $0x4;
	v59 =	vadd.s32 s14, v1;
	v34 =	vld.idx.msk [tilespmem:v29+s23+$0x0], $0xffff  }
0x65: {  	s16 =	simm.s32 $0x13;
	v60 =	vadd.s32 s15, v1;
	v24 =	vld.idx.msk [tilespmem:v24+s23+$0x0], $0xffff  }
0x66: {  	s22 =	simm.s32 $0x12;
	v35 =	vadd.s32 s16, v1;
	v58 =	vld.idx.msk [tilespmem:v32+s24+$0x0], $0xffff  }
0x67: {  	v37 =	vadd.s32 s22, v1;
	v27 =	vld.idx.msk [tilespmem:v27+s24+$0x0], $0xffff  }
0x68: {  	v32 =	vld.idx.msk [tilespmem:v32+s23+$0x0], $0xffff  }
0x69: {  	s15 =	simm.s32 $0x14;
	v61 =	vld.idx.msk [tilespmem:v59+s24+$0x0], $0xffff  }
0x6a: {  	s16 =	simm.s32 $0x16;
	v41 =	vadd.s32 s15, v1;
	v36 =	vld.idx.msk [tilespmem:v60+s23+$0x0], $0xffff  }
0x6b: {  	s22 =	simm.s32 $0x18;
	v48 =	vadd.s32 s16, v1;
	v38 =	vld.idx.msk [tilespmem:v35+s24+$0x0], $0xffff  }
0x6c: {  	v52 =	vadd.s32 s22, v1;
	v39 =	vld.idx.msk [tilespmem:v37+s23+$0x0], $0xffff  }
0x6d: {  	v63 =	vld.idx.msk [tilespmem:v37+s24+$0x0], $0xffff  }
0x6e: {  	v35 =	vld.idx.msk [tilespmem:v35+s23+$0x0], $0xffff;
	v2 =	vmul.f32 $1.200000050e+00, v2  }
0x6f: {  	v47 =	vld.idx.msk [tilespmem:v41+s23+$0x0], $0xffff  }
0x70: {  	v53 =	vld.idx.msk [tilespmem:v48+s23+$0x0], $0xffff;
	v12 =	vmul.f32 $1.200000050e+00, v12;
	v2 =	vadd.f32 $-5.000000000e-01, v2  }
0x71: {  	v55 =	vld.idx.msk [tilespmem:v52+s23+$0x0], $0xffff;
	v11 =	vmul.f32 $1.200000050e+00, v11;
	v28 =	vmul.f32 $1.200000050e+00, v28  }
0x72: {  	v12 =	vadd.f32 $-5.000000000e-01, v12;
	[tilespmem:v8+s4+$0x0] =	vst.idx.add.f32.msk $0xffff, v2  }
0x73: {  	v9 =	vmul.f32 $1.200000050e+00, v9;
	v11 =	vadd.f32 $-5.000000000e-01, v11;
	v2 =	vadd.f32 $-5.000000000e-01, v28;
	v28 =	vld.idx.msk [tilespmem:v59+s23+$0x0], $0xffff  }
0x74: {  	v7 =	vmul.f32 $1.200000050e+00, v7;
	[tilespmem:v19+s4+$0x0] =	vst.idx.add.f32.msk $0xffff, v12  }
0x75: {  	v10 =	vmul.f32 $1.200000050e+00, v10;
	v9 =	vadd.f32 $-5.000000000e-01, v9;
	[tilespmem:v17+s4+$0x0] =	vst.idx.add.f32.msk $0xffff, v11  }
0x76: {  	v15 =	vmul.f32 $1.200000050e+00, v15;
	v7 =	vadd.f32 $-5.000000000e-01, v7;
	v8 =	vld.idx.msk [tilespmem:v48+s24+$0x0], $0xffff  }
0x77: {  	v18 =	vmul.f32 $1.200000050e+00, v18;
	v10 =	vadd.f32 $-5.000000000e-01, v10;
	[tilespmem:v14+s4+$0x0] =	vst.idx.add.f32.msk $0xffff, v9  }
0x78: {  	v56 =	vmul.f32 $1.200000050e+00, v21;
	v49 =	vadd.f32 $-5.000000000e-01, v15;
	[tilespmem:v5+s4+$0x0] =	vst.idx.add.f32.msk $0xffff, v7  }
0x79: {  	v54 =	vadd.f32 $-5.000000000e-01, v18;
	[tilespmem:v6+s4+$0x0] =	vst.idx.add.f32.msk $0xffff, v10  }
0x7a: {  	v18 =	vadd.f32 $-5.000000000e-01, v56;
	[tilespmem:v23+s4+$0x0] =	vst.idx.add.f32.msk $0xffff, v49  }
0x7b: {  	[tilespmem:v26+s4+$0x0] =	vst.idx.add.f32.msk $0xffff, v54  }
0x7c: {  	v32 =	vmul.f32 $1.200000050e+00, v32;
	[tilespmem:v13+s4+$0x0] =	vst.idx.add.f32.msk $0xffff, v18  }
0x7d: {  	v46 =	vmul.f32 $1.200000050e+00, v33;
	[tilespmem:v20+s4+$0x0] =	vst.idx.add.f32.msk $0xffff, v2  }
0x7e: {  	v32 =	vadd.f32 $-5.000000000e-01, v32;
	v2 =	vld.idx.msk [tilespmem:v29+s24+$0x0], $0xffff  }
0x7f: {  	s14 =	simm.s32 $0x11;
	v40 =	vmul.f32 $1.200000050e+00, v39;
	v11 =	vadd.f32 $-5.000000000e-01, v46;
	v20 =	vld.idx.msk [tilespmem:v60+s24+$0x0], $0xffff  }
0x80: {  	v62 =	vmul.f32 $1.200000050e+00, v36;
	v36 =	vadd.s32 s14, v1;
	v44 =	vmul.f32 $1.200000050e+00, v35;
	[tilespmem:v58+s4+$0x0] =	vst.idx.add.f32.msk $0xffff, v32  }
0x81: {  	v42 =	vadd.f32 $-5.000000000e-01, v40;
	[tilespmem:v27+s4+$0x0] =	vst.idx.add.f32.msk $0xffff, v11  }
0x82: {  	v17 =	vadd.f32 $-5.000000000e-01, v44;
	v11 =	vld.idx.msk [tilespmem:v52+s24+$0x0], $0xffff  }
0x83: {  	v16 =	vadd.f32 $-5.000000000e-01, v62;
	v62 =	vmul.f32 $1.200000050e+00, v24;
	[tilespmem:v63+s4+$0x0] =	vst.idx.add.f32.msk $0xffff, v42  }
0x84: {  	[tilespmem:v38+s4+$0x0] =	vst.idx.add.f32.msk $0xffff, v17  }
0x85: {  	v7 =	vadd.f32 $-5.000000000e-01, v62;
	v50 =	vld.idx.msk [tilespmem:v36+s23+$0x0], $0xffff  }
0x86: {  	v4 =	vmul.f32 $1.200000050e+00, v4;
	v43 =	vld.idx.msk [tilespmem:v36+s24+$0x0], $0xffff  }
0x87: {  	v28 =	vmul.f32 $1.200000050e+00, v28;
	[tilespmem:v31+s4+$0x0] =	vst.idx.add.f32.msk $0xffff, v7  }
0x88: {  	v45 =	vmul.f32 $1.200000050e+00, v25;
	v63 =	vadd.f32 $-5.000000000e-01, v4;
	[tilespmem:v20+s4+$0x0] =	vst.idx.add.f32.msk $0xffff, v16  }
0x89: {  	v58 =	vmul.f32 $1.200000050e+00, v22;
	v37 =	vadd.f32 $-5.000000000e-01, v28;
	v16 =	vld.idx.msk [tilespmem:v41+s24+$0x0], $0xffff  }
0x8a: {  	[tilespmem:v3+s4+$0x0] =	vst.idx.add.f32.msk $0xffff, v63;
	v15 =	vmul.f32 $1.200000050e+00, v50;
	v20 =	vadd.f32 $-5.000000000e-01, v45  }
0x8b: {  	v60 =	vadd.f32 $-5.000000000e-01, v58;
	[tilespmem:v61+s4+$0x0] =	vst.idx.add.f32.msk $0xffff, v37;
	v61 =	vmul.f32 $1.200000050e+00, v55  }
0x8c: {  	v15 =	vadd.f32 $-5.000000000e-01, v15;
	[tilespmem:v57+s4+$0x0] =	vst.idx.add.f32.msk $0xffff, v20;
	v57 =	vmul.f32 $1.200000050e+00, v53  }
0x8d: {  	v51 =	vmul.f32 $1.200000050e+00, v47;
	[tilespmem:v30+s4+$0x0] =	vst.idx.add.f32.msk $0xffff, v60;
	v5 =	vadd.f32 $-5.000000000e-01, v61  }
0x8e: {  	[tilespmem:v43+s4+$0x0] =	vst.idx.add.f32.msk $0xffff, v15;
	v59 =	vadd.f32 $-5.000000000e-01, v57  }
0x8f: {  	v6 =	vmul.f32 $1.200000050e+00, v34;
	v17 =	vadd.f32 $-5.000000000e-01, v51;
	[tilespmem:v11+s4+$0x0] =	vst.idx.add.f32.msk $0xffff, v5  }
0x90: {  	[tilespmem:v8+s4+$0x0] =	vst.idx.add.f32.msk $0xffff, v59  }
0x91: {  	s13 =	simm.s32 $0x19;
	v4 =	vadd.f32 $-5.000000000e-01, v6;
	[tilespmem:v16+s4+$0x0] =	vst.idx.add.f32.msk $0xffff, v17  }
.LBB2_5:
0x92: {  	s22 =	sadd.s32 $0x1, s13  }
0x93: {  	v3 =	vadd.s32 s13, v1;
	s14 =	sadd.s32 $0x8, s13;
	s15 =	sadd.s32 $0xD, s13;
	[tilespmem:v2+s4+$0x0] =	vst.idx.add.f32.msk $0xffff, v4;
	s11 =	smov.u32 s13  }
0x94: {  	v2 =	vadd.s32 s22, v1;
	s22 =	sadd.s32 $0x2, s13;
	v20 =	vadd.s32 s14, v1;
	s14 =	sadd.s32 $0x9, s13;
	v10 =	vadd.s32 s15, v1;
	s15 =	sadd.s32 $0x17, s13  }
0x95: {  	s16 =	sadd.s32 $0x3, s11;
	v21 =	vadd.s32 s22, v1;
	v9 =	vadd.s32 s14, v1;
	s14 =	sadd.s32 $0x15, s11;
	v5 =	vadd.s32 s15, v1;
	s22 =	sadd.s32 $0x19, s13  }
0x96: {  	p2 =	slt.u32 s13, $0x258;
	v15 =	vadd.s32 s16, v1;
	v7 =	vadd.s32 s14, v1  }
0x97: {  	s13 =	sadd.s32 $0x5, s11  }
0x98: {  	v16 =	vadd.s32 s13, v1;
	s13 =	sadd.s32 $0x6, s11;
	v6 =	vld.idx.msk [tilespmem:v3+s23+$0x0], $0xffff  }
0x99: {  	v18 =	vadd.s32 s13, v1;
	s13 =	sadd.s32 $0x7, s11;
	v3 =	vld.idx.msk [tilespmem:v3+s24+$0x0], $0xffff  }
0x9a: {  	v11 =	vadd.s32 s13, v1;
	v4 =	vld.idx.msk [tilespmem:v5+s24+$0x0], $0xffff  }
0x9b: {  	v19 =	vld.idx.msk [tilespmem:v10+s23+$0x0], $0xffff  }
0x9c: {  	s13 =	sadd.s32 $0xA, s11;
	v12 =	vld.idx.msk [tilespmem:v5+s23+$0x0], $0xffff  }
0x9d: {  	v22 =	vadd.s32 s13, v1;
	s13 =	sadd.s32 $0xB, s11;
	v8 =	vld.idx.msk [tilespmem:v9+s24+$0x0], $0xffff  }
0x9e: {  	v23 =	vadd.s32 s13, v1;
	s13 =	sadd.s32 $0xC, s11;
	v5 =	vmul.f32 $1.200000050e+00, v6;
	v6 =	vld.idx.msk [tilespmem:v7+s24+$0x0], $0xffff  }
0x9f: {  	v25 =	vadd.s32 s13, v1;
	v24 =	vld.idx.msk [tilespmem:v20+s24+$0x0], $0xffff  }
0xa0: {  	s13 =	sadd.s32 $0xE, s11;
	v26 =	vld.idx.msk [tilespmem:v21+s24+$0x0], $0xffff  }
0xa1: {  	v28 =	vadd.s32 s13, v1;
	v27 =	vld.idx.msk [tilespmem:v10+s24+$0x0], $0xffff  }
0xa2: {  	s13 =	sadd.s32 $0xF, s11;
	v10 =	vmul.f32 $1.200000050e+00, v12;
	v13 =	vld.idx.msk [tilespmem:v15+s23+$0x0], $0xffff  }
0xa3: {  	v29 =	vadd.s32 s13, v1;
	v17 =	vld.idx.msk [tilespmem:v16+s24+$0x0], $0xffff  }
0xa4: {  	v30 =	vld.idx.msk [tilespmem:v18+s23+$0x0], $0xffff  }
0xa5: {  	v14 =	vld.idx.msk [tilespmem:v11+s24+$0x0], $0xffff  }
0xa6: {  	v31 =	vld.idx.msk [tilespmem:v11+s23+$0x0], $0xffff  }
0xa7: {  	v32 =	vld.idx.msk [tilespmem:v22+s23+$0x0], $0xffff  }
0xa8: {  	s13 =	sadd.s32 $0x10, s11;
	v13 =	vmul.f32 $1.200000050e+00, v13;
	v12 =	vld.idx.msk [tilespmem:v23+s24+$0x0], $0xffff  }
0xa9: {  	v33 =	vadd.s32 s13, v1;
	v11 =	vld.idx.msk [tilespmem:v25+s24+$0x0], $0xffff  }
0xaa: {  	v30 =	vmul.f32 $1.200000050e+00, v30;
	v23 =	vld.idx.msk [tilespmem:v23+s23+$0x0], $0xffff  }
0xab: {  	v19 =	vmul.f32 $1.200000050e+00, v19;
	v22 =	vld.idx.msk [tilespmem:v22+s24+$0x0], $0xffff  }
0xac: {  	v31 =	vmul.f32 $1.200000050e+00, v31;
	v34 =	vld.idx.msk [tilespmem:v28+s23+$0x0], $0xffff  }
0xad: {  	v19 =	vadd.f32 $-5.000000000e-01, v19;
	v35 =	vld.idx.msk [tilespmem:v29+s23+$0x0], $0xffff  }
0xae: {  	v25 =	vld.idx.msk [tilespmem:v25+s23+$0x0], $0xffff  }
0xaf: {  	v32 =	vmul.f32 $1.200000050e+00, v32;
	[tilespmem:v27+s4+$0x0] =	vst.idx.add.f32.msk $0xffff, v19  }
0xb0: {  	v19 =	vmul.f32 $1.200000050e+00, v23;
	v27 =	vld.idx.msk [tilespmem:v18+s24+$0x0], $0xffff  }
0xb1: {  	v18 =	vadd.f32 $-5.000000000e-01, v32;
	v23 =	vld.idx.msk [tilespmem:v2+s24+$0x0], $0xffff  }
0xb2: {  	v32 =	vld.idx.msk [tilespmem:v15+s24+$0x0], $0xffff  }
0xb3: {  	s13 =	sadd.s32 $0x4, s11;
	v15 =	vmul.f32 $1.200000050e+00, v35;
	[tilespmem:v22+s4+$0x0] =	vst.idx.add.f32.msk $0xffff, v18  }
0xb4: {  	v22 =	vadd.s32 s13, v1;
	v18 =	vmul.f32 $1.200000050e+00, v25;
	v25 =	vld.idx.msk [tilespmem:v28+s24+$0x0], $0xffff  }
0xb5: {  	v28 =	vld.idx.msk [tilespmem:v2+s23+$0x0], $0xffff  }
0xb6: {  	v2 =	vld.idx.msk [tilespmem:v29+s24+$0x0], $0xffff  }
0xb7: {  	s13 =	sadd.s32 $0x13, s11;
	v29 =	vld.idx.msk [tilespmem:v33+s24+$0x0], $0xffff  }
0xb8: {  	s14 =	sadd.s32 $0x12, s11;
	v35 =	vadd.s32 s13, v1;
	v21 =	vld.idx.msk [tilespmem:v21+s23+$0x0], $0xffff  }
0xb9: {  	v37 =	vadd.s32 s14, v1;
	v36 =	vld.idx.msk [tilespmem:v22+s23+$0x0], $0xffff  }
0xba: {  	v20 =	vld.idx.msk [tilespmem:v20+s23+$0x0], $0xffff  }
0xbb: {  	v28 =	vmul.f32 $1.200000050e+00, v28;
	v22 =	vld.idx.msk [tilespmem:v22+s24+$0x0], $0xffff  }
0xbc: {  	v33 =	vld.idx.msk [tilespmem:v33+s23+$0x0], $0xffff  }
0xbd: {  	v28 =	vadd.f32 $-5.000000000e-01, v28;
	v38 =	vld.idx.msk [tilespmem:v35+s24+$0x0], $0xffff  }
0xbe: {  	v21 =	vmul.f32 $1.200000050e+00, v21;
	v39 =	vld.idx.msk [tilespmem:v37+s23+$0x0], $0xffff  }
0xbf: {  	[tilespmem:v23+s4+$0x0] =	vst.idx.add.f32.msk $0xffff, v28;
	v23 =	vmul.f32 $1.200000050e+00, v36  }
0xc0: {  	v21 =	vadd.f32 $-5.000000000e-01, v21;
	v20 =	vmul.f32 $1.200000050e+00, v20;
	v28 =	vld.idx.msk [tilespmem:v37+s24+$0x0], $0xffff  }
0xc1: {  	s13 =	sadd.s32 $0x11, s11;
	v23 =	vadd.f32 $-5.000000000e-01, v23;
	v35 =	vld.idx.msk [tilespmem:v35+s23+$0x0], $0xffff  }
0xc2: {  	v20 =	vadd.f32 $-5.000000000e-01, v20;
	[tilespmem:v26+s4+$0x0] =	vst.idx.add.f32.msk $0xffff, v21;
	v21 =	vmul.f32 $1.200000050e+00, v33;
	v26 =	vadd.s32 s13, v1  }
0xc3: {  	s13 =	sadd.s32 $0x14, s11;
	[tilespmem:v22+s4+$0x0] =	vst.idx.add.f32.msk $0xffff, v23  }
0xc4: {  	v22 =	vadd.s32 s13, v1;
	[tilespmem:v24+s4+$0x0] =	vst.idx.add.f32.msk $0xffff, v20;
	v20 =	vadd.f32 $-5.000000000e-01, v21;
	v21 =	vmul.f32 $1.200000050e+00, v39  }
0xc5: {  	v16 =	vld.idx.msk [tilespmem:v16+s23+$0x0], $0xffff  }
0xc6: {  	[tilespmem:v29+s4+$0x0] =	vst.idx.add.f32.msk $0xffff, v20;
	v20 =	vadd.f32 $-5.000000000e-01, v21  }
0xc7: {  	v23 =	vmul.f32 $1.200000050e+00, v35;
	v21 =	vld.idx.msk [tilespmem:v26+s24+$0x0], $0xffff  }
0xc8: {  	[tilespmem:v28+s4+$0x0] =	vst.idx.add.f32.msk $0xffff, v20  }
0xc9: {  	v20 =	vmul.f32 $1.200000050e+00, v34;
	v23 =	vadd.f32 $-5.000000000e-01, v23;
	v24 =	vld.idx.msk [tilespmem:v22+s23+$0x0], $0xffff  }
0xca: {  	v28 =	vadd.f32 $-5.000000000e-01, v30;
	v22 =	vld.idx.msk [tilespmem:v22+s24+$0x0], $0xffff  }
0xcb: {  	s13 =	sadd.s32 $0x16, s11;
	v16 =	vmul.f32 $1.200000050e+00, v16;
	v20 =	vadd.f32 $-5.000000000e-01, v20;
	[tilespmem:v38+s4+$0x0] =	vst.idx.add.f32.msk $0xffff, v23  }
0xcc: {  	v23 =	vadd.s32 s13, v1;
	[tilespmem:v27+s4+$0x0] =	vst.idx.add.f32.msk $0xffff, v28  }
0xcd: {  	[tilespmem:v25+s4+$0x0] =	vst.idx.add.f32.msk $0xffff, v20  }
0xce: {  	v16 =	vadd.f32 $-5.000000000e-01, v16;
	v9 =	vld.idx.msk [tilespmem:v9+s23+$0x0], $0xffff  }
0xcf: {  	s11 =	sadd.s32 $0x18, s11;
	v24 =	vmul.f32 $1.200000050e+00, v24;
	v20 =	vld.idx.msk [tilespmem:v26+s23+$0x0], $0xffff  }
0xd0: {  	[tilespmem:v17+s4+$0x0] =	vst.idx.add.f32.msk $0xffff, v16;
	v16 =	vadd.s32 s11, v1  }
0xd1: {  	v17 =	vadd.f32 $-5.000000000e-01, v24;
	v24 =	vld.idx.msk [tilespmem:v23+s23+$0x0], $0xffff  }
0xd2: {  	v23 =	vld.idx.msk [tilespmem:v23+s24+$0x0], $0xffff  }
0xd3: {  	[tilespmem:v22+s4+$0x0] =	vst.idx.add.f32.msk $0xffff, v17  }
0xd4: {  	v17 =	vadd.f32 $-5.000000000e-01, v31;
	v9 =	vmul.f32 $1.200000050e+00, v9;
	v7 =	vld.idx.msk [tilespmem:v7+s23+$0x0], $0xffff  }
0xd5: {  	v20 =	vmul.f32 $1.200000050e+00, v20;
	v22 =	vld.idx.msk [tilespmem:v16+s23+$0x0], $0xffff  }
0xd6: {  	v9 =	vadd.f32 $-5.000000000e-01, v9;
	[tilespmem:v14+s4+$0x0] =	vst.idx.add.f32.msk $0xffff, v17  }
0xd7: {  	v14 =	vadd.f32 $-5.000000000e-01, v20;
	v17 =	vmul.f32 $1.200000050e+00, v24;
	v16 =	vld.idx.msk [tilespmem:v16+s24+$0x0], $0xffff  }
0xd8: {  	v13 =	vadd.f32 $-5.000000000e-01, v13;
	[tilespmem:v8+s4+$0x0] =	vst.idx.add.f32.msk $0xffff, v9  }
0xd9: {  	v8 =	vadd.f32 $-5.000000000e-01, v17;
	[tilespmem:v21+s4+$0x0] =	vst.idx.add.f32.msk $0xffff, v14  }
0xda: {  	v9 =	vadd.f32 $-5.000000000e-01, v19;
	v7 =	vmul.f32 $1.200000050e+00, v7;
	[tilespmem:v32+s4+$0x0] =	vst.idx.add.f32.msk $0xffff, v13  }
0xdb: {  	[tilespmem:v23+s4+$0x0] =	vst.idx.add.f32.msk $0xffff, v8;
	v8 =	vadd.f32 $-5.000000000e-01, v10;
	v10 =	vmul.f32 $1.200000050e+00, v22  }
0xdc: {  	v7 =	vadd.f32 $-5.000000000e-01, v7;
	[tilespmem:v12+s4+$0x0] =	vst.idx.add.f32.msk $0xffff, v9  }
.Ltmp1:
0xdd: {  	[tilespmem:v4+s4+$0x0] =	vst.idx.add.f32.msk $0xffff, v8;
	v4 =	vadd.f32 $-5.000000000e-01, v10;
	(pc) =	sbr.rel @p2 .LBB2_5-.Ltmp1, $4  }
0xde: {  	v8 =	vadd.f32 $-5.000000000e-01, v18;
	[tilespmem:v6+s4+$0x0] =	vst.idx.add.f32.msk $0xffff, v7  }
0xdf: {  	v5 =	vadd.f32 $-5.000000000e-01, v5;
	[tilespmem:v16+s4+$0x0] =	vst.idx.add.f32.msk $0xffff, v4  }
0xe0: {  	v4 =	vadd.f32 $-5.000000000e-01, v15;
	[tilespmem:v11+s4+$0x0] =	vst.idx.add.f32.msk $0xffff, v8  }
0xe1: {  	s13 =	smov.u32 s22;
	[tilespmem:v3+s4+$0x0] =	vst.idx.add.f32.msk $0xffff, v5  }
0xe2: {  	p2 =	seq.s32 s21, $0x4  }
0xe3: {  	s11 =	smul.u32 @!p2 $0x4E20, s21;
	_ =	sdelay $0x1  }
0xe4: {  	s11 =	sadd.s32 @!p2 s11, s9  }
0xe5: {  	s11 =	sshrl.u32 @!p2 s11, $0x3  }
0xe6: {  	[tilespmem:v2+s4+$0x0] =	vst.idx.add.f32.msk $0xffff, v4;
	s14 =	simm.s32 @!p2 $0x0;
	s15 =	simm.s32 @!p2 $0xC400;
	s13 =	sadd.s32 @!p2 s1, s11  }
0xe7: {  	[tilespmem:s15], [sflag:$0x1] =	stream.linear.gather @!p2 [hbm4b:s13+s14], $0x2710, $0x38;
	[tilespmem:$0x1E980] =	vst v63  }
0xe8: {  	s11 =	sadd.s32 @!p2 s2, s11;
	s13 =	simm.s32 @!p2 $0xEB80  }
0xe9: {  	[tilespmem:s13], [sflag:$0x2] =	stream.linear.gather @!p2 [hbm4b:s11+s14], $0x2710, $0x38;
	[tilespmem:$0x1E980] =	vst v63  }
0xea: {  	s15 =	simm.s32 $0x0;
	_ =	swait.ge [sflag:s30], $0x2710  }
0xeb: {  	v2 =	vadd.s32 s15, v1;
	[sflag:s30] =	ssyncset.done $0x0  }
0xec: {  	s16 =	simm.s32 $0x17;
	[sflag:s30] =	ssyncadd.s32 $0xFFFFD8F0  }
0xed: {  	s22 =	simm.s32 $0xD;
	v6 =	vadd.s32 s16, v1;
	_ =	swait.ge [sflag:s31], $0x2710  }
0xee: {  	v8 =	vadd.s32 s22, v1;
	[sflag:s31] =	ssyncset.done $0x0  }
0xef: {  	s14 =	simm.s32 $0x9;
	[sflag:s31] =	ssyncadd.s32 $0xFFFFD8F0  }
0xf0: {  	s15 =	simm.s32 $0x15;
	v9 =	vadd.s32 s14, v1;
	v4 =	vld.idx.msk [tilespmem:v2+s25+$0x0], $0xffff  }
0xf1: {  	s16 =	simm.s32 $0x8;
	v10 =	vadd.s32 s15, v1;
	v3 =	vld.idx.msk [tilespmem:v2+s26+$0x0], $0xffff  }
0xf2: {  	s22 =	simm.s32 $0x2;
	v11 =	vadd.s32 s16, v1;
	v5 =	vld.idx.msk [tilespmem:v6+s26+$0x0], $0xffff  }
0xf3: {  	v12 =	vadd.s32 s22, v1;
	v2 =	vld.idx.msk [tilespmem:v8+s25+$0x0], $0xffff  }
0xf4: {  	s14 =	simm.s32 $0x3;
	v7 =	vld.idx.msk [tilespmem:v6+s25+$0x0], $0xffff  }
0xf5: {  	s15 =	simm.s32 $0x5;
	v13 =	vadd.s32 s14, v1;
	v14 =	vld.idx.msk [tilespmem:v9+s26+$0x0], $0xffff  }
0xf6: {  	s16 =	simm.s32 $0x6;
	v15 =	vadd.s32 s15, v1;
	v6 =	vld.idx.msk [tilespmem:v10+s26+$0x0], $0xffff  }
0xf7: {  	s22 =	simm.s32 $0x7;
	v16 =	vadd.s32 s16, v1;
	v17 =	vld.idx.msk [tilespmem:v11+s26+$0x0], $0xffff  }
0xf8: {  	v18 =	vadd.s32 s22, v1;
	v19 =	vld.idx.msk [tilespmem:v12+s26+$0x0], $0xffff  }
0xf9: {  	s13 =	simm.s32 $0xA;
	v8 =	vld.idx.msk [tilespmem:v8+s26+$0x0], $0xffff  }
0xfa: {  	v20 =	vadd.s32 s13, v1;
	s15 =	simm.s32 $0xC;
	v21 =	vld.idx.msk [tilespmem:v13+s25+$0x0], $0xffff  }
0xfb: {  	v24 =	vadd.s32 s15, v1;
	v23 =	vld.idx.msk [tilespmem:v15+s26+$0x0], $0xffff  }
0xfc: {  	s16 =	simm.s32 $0xE;
	v25 =	vld.idx.msk [tilespmem:v16+s25+$0x0], $0xffff  }
0xfd: {  	s22 =	simm.s32 $0xF;
	v27 =	vadd.s32 s16, v1;
	v26 =	vld.idx.msk [tilespmem:v18+s26+$0x0], $0xffff  }
0xfe: {  	v29 =	vadd.s32 s22, v1;
	v18 =	vld.idx.msk [tilespmem:v18+s25+$0x0], $0xffff  }
0xff: {  	v28 =	vld.idx.msk [tilespmem:v20+s25+$0x0], $0xffff  }
0x100: {  	s13 =	simm.s32 $0x1;
	v31 =	vld.idx.msk [tilespmem:v24+s26+$0x0], $0xffff  }
0x101: {  	v32 =	vadd.s32 s13, v1;
	v20 =	vld.idx.msk [tilespmem:v20+s26+$0x0], $0xffff  }
0x102: {  	v33 =	vld.idx.msk [tilespmem:v27+s25+$0x0], $0xffff  }
0x103: {  	v34 =	vld.idx.msk [tilespmem:v29+s25+$0x0], $0xffff  }
0x104: {  	v24 =	vld.idx.msk [tilespmem:v24+s25+$0x0], $0xffff  }
0x105: {  	v57 =	vld.idx.msk [tilespmem:v16+s26+$0x0], $0xffff  }
0x106: {  	s16 =	simm.s32 $0x13;
	v58 =	vld.idx.msk [tilespmem:v32+s26+$0x0], $0xffff  }
0x107: {  	s22 =	simm.s32 $0x12;
	v35 =	vadd.s32 s16, v1;
	v13 =	vld.idx.msk [tilespmem:v13+s26+$0x0], $0xffff  }
0x108: {  	v37 =	vadd.s32 s22, v1;
	v27 =	vld.idx.msk [tilespmem:v27+s26+$0x0], $0xffff  }
0x109: {  	v32 =	vld.idx.msk [tilespmem:v32+s25+$0x0], $0xffff  }
0x10a: {  	v12 =	vld.idx.msk [tilespmem:v12+s25+$0x0], $0xffff  }
0x10b: {  	v11 =	vld.idx.msk [tilespmem:v11+s25+$0x0], $0xffff  }
0x10c: {  	s16 =	simm.s32 $0x16;
	v38 =	vld.idx.msk [tilespmem:v35+s26+$0x0], $0xffff  }
0x10d: {  	v48 =	vadd.s32 s16, v1;
	v39 =	vld.idx.msk [tilespmem:v37+s25+$0x0], $0xffff  }
0x10e: {  	s22 =	simm.s32 $0x18;
	v63 =	vld.idx.msk [tilespmem:v37+s26+$0x0], $0xffff  }
0x10f: {  	v52 =	vadd.s32 s22, v1;
	s14 =	simm.s32 $0xB;
	v35 =	vld.idx.msk [tilespmem:v35+s25+$0x0], $0xffff  }
0x110: {  	v22 =	vadd.s32 s14, v1;
	v15 =	vld.idx.msk [tilespmem:v15+s25+$0x0], $0xffff  }
0x111: {  	s15 =	simm.s32 $0x4;
	v9 =	vld.idx.msk [tilespmem:v9+s25+$0x0], $0xffff  }
0x112: {  	s14 =	simm.s32 $0x10;
	v60 =	vadd.s32 s15, v1;
	v53 =	vld.idx.msk [tilespmem:v48+s25+$0x0], $0xffff  }
0x113: {  	s15 =	simm.s32 $0x14;
	v59 =	vadd.s32 s14, v1;
	v10 =	vld.idx.msk [tilespmem:v10+s25+$0x0], $0xffff  }
0x114: {  	v41 =	vadd.s32 s15, v1;
	v55 =	vld.idx.msk [tilespmem:v52+s25+$0x0], $0xffff  }
0x115: {  	v30 =	vld.idx.msk [tilespmem:v22+s26+$0x0], $0xffff  }
0x116: {  	v22 =	vld.idx.msk [tilespmem:v22+s25+$0x0], $0xffff;
	v2 =	vmul.f32 $1.200000050e+00, v2  }
0x117: {  	v36 =	vld.idx.msk [tilespmem:v60+s25+$0x0], $0xffff  }
0x118: {  	v61 =	vld.idx.msk [tilespmem:v59+s26+$0x0], $0xffff;
	v32 =	vmul.f32 $1.200000050e+00, v32;
	v2 =	vadd.f32 $-5.000000000e-01, v2  }
0x119: {  	v47 =	vld.idx.msk [tilespmem:v41+s25+$0x0], $0xffff;
	v28 =	vmul.f32 $1.200000050e+00, v28;
	v12 =	vmul.f32 $1.200000050e+00, v12  }
0x11a: {  	v11 =	vmul.f32 $1.200000050e+00, v11;
	v32 =	vadd.f32 $-5.000000000e-01, v32;
	[tilespmem:v8+s4+$0x0] =	vst.idx.add.f32.msk $0xffff, v2  }
0x11b: {  	v40 =	vmul.f32 $1.200000050e+00, v39;
	v12 =	vadd.f32 $-5.000000000e-01, v12;
	v2 =	vadd.f32 $-5.000000000e-01, v28;
	v28 =	vld.idx.msk [tilespmem:v59+s25+$0x0], $0xffff  }
0x11c: {  	v15 =	vmul.f32 $1.200000050e+00, v15;
	v11 =	vadd.f32 $-5.000000000e-01, v11;
	[tilespmem:v58+s4+$0x0] =	vst.idx.add.f32.msk $0xffff, v32  }
0x11d: {  	v42 =	vadd.f32 $-5.000000000e-01, v40;
	[tilespmem:v19+s4+$0x0] =	vst.idx.add.f32.msk $0xffff, v12  }
0x11e: {  	v18 =	vmul.f32 $1.200000050e+00, v18;
	v49 =	vadd.f32 $-5.000000000e-01, v15;
	[tilespmem:v17+s4+$0x0] =	vst.idx.add.f32.msk $0xffff, v11  }
0x11f: {  	v9 =	vmul.f32 $1.200000050e+00, v9;
	[tilespmem:v63+s4+$0x0] =	vst.idx.add.f32.msk $0xffff, v42  }
0x120: {  	v56 =	vmul.f32 $1.200000050e+00, v21;
	v54 =	vadd.f32 $-5.000000000e-01, v18;
	[tilespmem:v23+s4+$0x0] =	vst.idx.add.f32.msk $0xffff, v49  }
0x121: {  	v7 =	vmul.f32 $1.200000050e+00, v7;
	v9 =	vadd.f32 $-5.000000000e-01, v9;
	v8 =	vld.idx.msk [tilespmem:v48+s26+$0x0], $0xffff  }
0x122: {  	v10 =	vmul.f32 $1.200000050e+00, v10;
	v18 =	vadd.f32 $-5.000000000e-01, v56;
	[tilespmem:v26+s4+$0x0] =	vst.idx.add.f32.msk $0xffff, v54  }
0x123: {  	v7 =	vadd.f32 $-5.000000000e-01, v7;
	[tilespmem:v14+s4+$0x0] =	vst.idx.add.f32.msk $0xffff, v9  }
0x124: {  	s14 =	simm.s32 $0x11;
	v10 =	vadd.f32 $-5.000000000e-01, v10;
	[tilespmem:v13+s4+$0x0] =	vst.idx.add.f32.msk $0xffff, v18  }
0x125: {  	v62 =	vmul.f32 $1.200000050e+00, v36;
	v36 =	vadd.s32 s14, v1;
	[tilespmem:v5+s4+$0x0] =	vst.idx.add.f32.msk $0xffff, v7  }
0x126: {  	[tilespmem:v6+s4+$0x0] =	vst.idx.add.f32.msk $0xffff, v10  }
0x127: {  	v44 =	vmul.f32 $1.200000050e+00, v35;
	[tilespmem:v20+s4+$0x0] =	vst.idx.add.f32.msk $0xffff, v2  }
0x128: {  	v46 =	vmul.f32 $1.200000050e+00, v33;
	v20 =	vld.idx.msk [tilespmem:v60+s26+$0x0], $0xffff  }
0x129: {  	v17 =	vadd.f32 $-5.000000000e-01, v44;
	v2 =	vld.idx.msk [tilespmem:v29+s26+$0x0], $0xffff  }
0x12a: {  	v11 =	vadd.f32 $-5.000000000e-01, v46;
	v43 =	vld.idx.msk [tilespmem:v36+s26+$0x0], $0xffff  }
0x12b: {  	v4 =	vmul.f32 $1.200000050e+00, v4;
	[tilespmem:v38+s4+$0x0] =	vst.idx.add.f32.msk $0xffff, v17  }
0x12c: {  	[tilespmem:v27+s4+$0x0] =	vst.idx.add.f32.msk $0xffff, v11  }
0x12d: {  	v63 =	vadd.f32 $-5.000000000e-01, v4;
	v50 =	vld.idx.msk [tilespmem:v36+s25+$0x0], $0xffff  }
0x12e: {  	v16 =	vadd.f32 $-5.000000000e-01, v62;
	v62 =	vmul.f32 $1.200000050e+00, v24;
	v11 =	vld.idx.msk [tilespmem:v52+s26+$0x0], $0xffff  }
0x12f: {  	[tilespmem:v3+s4+$0x0] =	vst.idx.add.f32.msk $0xffff, v63;
	v28 =	vmul.f32 $1.200000050e+00, v28  }
0x130: {  	v45 =	vmul.f32 $1.200000050e+00, v25;
	v7 =	vadd.f32 $-5.000000000e-01, v62;
	[tilespmem:v20+s4+$0x0] =	vst.idx.add.f32.msk $0xffff, v16  }
0x131: {  	v58 =	vmul.f32 $1.200000050e+00, v22;
	v37 =	vadd.f32 $-5.000000000e-01, v28;
	v16 =	vld.idx.msk [tilespmem:v41+s26+$0x0], $0xffff  }
0x132: {  	[tilespmem:v31+s4+$0x0] =	vst.idx.add.f32.msk $0xffff, v7;
	v15 =	vmul.f32 $1.200000050e+00, v50;
	v20 =	vadd.f32 $-5.000000000e-01, v45  }
0x133: {  	v60 =	vadd.f32 $-5.000000000e-01, v58;
	[tilespmem:v61+s4+$0x0] =	vst.idx.add.f32.msk $0xffff, v37;
	v61 =	vmul.f32 $1.200000050e+00, v55  }
0x134: {  	v15 =	vadd.f32 $-5.000000000e-01, v15;
	[tilespmem:v57+s4+$0x0] =	vst.idx.add.f32.msk $0xffff, v20;
	v57 =	vmul.f32 $1.200000050e+00, v53  }
0x135: {  	v51 =	vmul.f32 $1.200000050e+00, v47;
	[tilespmem:v30+s4+$0x0] =	vst.idx.add.f32.msk $0xffff, v60;
	v5 =	vadd.f32 $-5.000000000e-01, v61  }
0x136: {  	[tilespmem:v43+s4+$0x0] =	vst.idx.add.f32.msk $0xffff, v15;
	v59 =	vadd.f32 $-5.000000000e-01, v57  }
0x137: {  	v6 =	vmul.f32 $1.200000050e+00, v34;
	v17 =	vadd.f32 $-5.000000000e-01, v51;
	[tilespmem:v11+s4+$0x0] =	vst.idx.add.f32.msk $0xffff, v5  }
0x138: {  	[tilespmem:v8+s4+$0x0] =	vst.idx.add.f32.msk $0xffff, v59  }
0x139: {  	s13 =	simm.s32 $0x19;
	v4 =	vadd.f32 $-5.000000000e-01, v6;
	[tilespmem:v16+s4+$0x0] =	vst.idx.add.f32.msk $0xffff, v17  }
.LBB2_7:
0x13a: {  	s14 =	sadd.s32 $0x1, s13  }
0x13b: {  	v3 =	vadd.s32 s13, v1;
	s15 =	sadd.s32 $0x8, s13;
	s16 =	sadd.s32 $0xD, s13;
	[tilespmem:v2+s4+$0x0] =	vst.idx.add.f32.msk $0xffff, v4;
	s11 =	smov.u32 s13  }
0x13c: {  	v2 =	vadd.s32 s14, v1;
	s14 =	sadd.s32 $0x2, s13;
	v20 =	vadd.s32 s15, v1;
	s15 =	sadd.s32 $0x9, s13;
	v10 =	vadd.s32 s16, v1;
	s16 =	sadd.s32 $0x17, s13  }
0x13d: {  	s22 =	sadd.s32 $0x19, s13;
	v21 =	vadd.s32 s14, v1;
	s14 =	sadd.s32 $0x3, s11;
	v9 =	vadd.s32 s15, v1;
	s15 =	sadd.s32 $0x15, s11;
	v5 =	vadd.s32 s16, v1  }
0x13e: {  	p3 =	slt.u32 s13, $0x258;
	v15 =	vadd.s32 s14, v1;
	v7 =	vadd.s32 s15, v1  }
0x13f: {  	s13 =	sadd.s32 $0x5, s11  }
0x140: {  	v16 =	vadd.s32 s13, v1;
	s13 =	sadd.s32 $0x6, s11;
	v6 =	vld.idx.msk [tilespmem:v3+s25+$0x0], $0xffff  }
0x141: {  	v18 =	vadd.s32 s13, v1;
	s13 =	sadd.s32 $0x7, s11;
	v3 =	vld.idx.msk [tilespmem:v3+s26+$0x0], $0xffff  }
0x142: {  	v11 =	vadd.s32 s13, v1;
	v4 =	vld.idx.msk [tilespmem:v5+s26+$0x0], $0xffff  }
0x143: {  	v19 =	vld.idx.msk [tilespmem:v10+s25+$0x0], $0xffff  }
0x144: {  	s13 =	sadd.s32 $0xA, s11;
	v12 =	vld.idx.msk [tilespmem:v5+s25+$0x0], $0xffff  }
0x145: {  	v22 =	vadd.s32 s13, v1;
	s13 =	sadd.s32 $0xB, s11;
	v8 =	vld.idx.msk [tilespmem:v9+s26+$0x0], $0xffff  }
0x146: {  	v23 =	vadd.s32 s13, v1;
	s13 =	sadd.s32 $0xC, s11;
	v5 =	vmul.f32 $1.200000050e+00, v6;
	v6 =	vld.idx.msk [tilespmem:v7+s26+$0x0], $0xffff  }
0x147: {  	v25 =	vadd.s32 s13, v1;
	v24 =	vld.idx.msk [tilespmem:v20+s26+$0x0], $0xffff  }
0x148: {  	s13 =	sadd.s32 $0xE, s11;
	v26 =	vld.idx.msk [tilespmem:v21+s26+$0x0], $0xffff  }
0x149: {  	v28 =	vadd.s32 s13, v1;
	v27 =	vld.idx.msk [tilespmem:v10+s26+$0x0], $0xffff  }
0x14a: {  	s13 =	sadd.s32 $0xF, s11;
	v10 =	vmul.f32 $1.200000050e+00, v12;
	v13 =	vld.idx.msk [tilespmem:v15+s25+$0x0], $0xffff  }
0x14b: {  	v29 =	vadd.s32 s13, v1;
	v17 =	vld.idx.msk [tilespmem:v16+s26+$0x0], $0xffff  }
0x14c: {  	v30 =	vld.idx.msk [tilespmem:v18+s25+$0x0], $0xffff  }
0x14d: {  	v14 =	vld.idx.msk [tilespmem:v11+s26+$0x0], $0xffff  }
0x14e: {  	v31 =	vld.idx.msk [tilespmem:v11+s25+$0x0], $0xffff  }
0x14f: {  	v32 =	vld.idx.msk [tilespmem:v22+s25+$0x0], $0xffff  }
0x150: {  	s13 =	sadd.s32 $0x10, s11;
	v13 =	vmul.f32 $1.200000050e+00, v13;
	v12 =	vld.idx.msk [tilespmem:v23+s26+$0x0], $0xffff  }
0x151: {  	v33 =	vadd.s32 s13, v1;
	v11 =	vld.idx.msk [tilespmem:v25+s26+$0x0], $0xffff  }
0x152: {  	v30 =	vmul.f32 $1.200000050e+00, v30;
	v23 =	vld.idx.msk [tilespmem:v23+s25+$0x0], $0xffff  }
0x153: {  	v19 =	vmul.f32 $1.200000050e+00, v19;
	v22 =	vld.idx.msk [tilespmem:v22+s26+$0x0], $0xffff  }
0x154: {  	v31 =	vmul.f32 $1.200000050e+00, v31;
	v34 =	vld.idx.msk [tilespmem:v28+s25+$0x0], $0xffff  }
0x155: {  	v19 =	vadd.f32 $-5.000000000e-01, v19;
	v35 =	vld.idx.msk [tilespmem:v29+s25+$0x0], $0xffff  }
0x156: {  	v25 =	vld.idx.msk [tilespmem:v25+s25+$0x0], $0xffff  }
0x157: {  	v32 =	vmul.f32 $1.200000050e+00, v32;
	[tilespmem:v27+s4+$0x0] =	vst.idx.add.f32.msk $0xffff, v19  }
0x158: {  	v19 =	vmul.f32 $1.200000050e+00, v23;
	v27 =	vld.idx.msk [tilespmem:v18+s26+$0x0], $0xffff  }
0x159: {  	v18 =	vadd.f32 $-5.000000000e-01, v32;
	v23 =	vld.idx.msk [tilespmem:v2+s26+$0x0], $0xffff  }
0x15a: {  	v32 =	vld.idx.msk [tilespmem:v15+s26+$0x0], $0xffff  }
0x15b: {  	s13 =	sadd.s32 $0x4, s11;
	v15 =	vmul.f32 $1.200000050e+00, v35;
	[tilespmem:v22+s4+$0x0] =	vst.idx.add.f32.msk $0xffff, v18  }
0x15c: {  	v22 =	vadd.s32 s13, v1;
	v18 =	vmul.f32 $1.200000050e+00, v25;
	v25 =	vld.idx.msk [tilespmem:v28+s26+$0x0], $0xffff  }
0x15d: {  	v28 =	vld.idx.msk [tilespmem:v2+s25+$0x0], $0xffff  }
0x15e: {  	v2 =	vld.idx.msk [tilespmem:v29+s26+$0x0], $0xffff  }
0x15f: {  	s13 =	sadd.s32 $0x13, s11;
	v29 =	vld.idx.msk [tilespmem:v33+s26+$0x0], $0xffff  }
0x160: {  	s14 =	sadd.s32 $0x12, s11;
	v35 =	vadd.s32 s13, v1;
	v21 =	vld.idx.msk [tilespmem:v21+s25+$0x0], $0xffff  }
0x161: {  	v37 =	vadd.s32 s14, v1;
	v36 =	vld.idx.msk [tilespmem:v22+s25+$0x0], $0xffff  }
0x162: {  	v20 =	vld.idx.msk [tilespmem:v20+s25+$0x0], $0xffff  }
0x163: {  	v28 =	vmul.f32 $1.200000050e+00, v28;
	v22 =	vld.idx.msk [tilespmem:v22+s26+$0x0], $0xffff  }
0x164: {  	v33 =	vld.idx.msk [tilespmem:v33+s25+$0x0], $0xffff  }
0x165: {  	v28 =	vadd.f32 $-5.000000000e-01, v28;
	v38 =	vld.idx.msk [tilespmem:v35+s26+$0x0], $0xffff  }
0x166: {  	v21 =	vmul.f32 $1.200000050e+00, v21;
	v39 =	vld.idx.msk [tilespmem:v37+s25+$0x0], $0xffff  }
0x167: {  	[tilespmem:v23+s4+$0x0] =	vst.idx.add.f32.msk $0xffff, v28;
	v23 =	vmul.f32 $1.200000050e+00, v36  }
0x168: {  	v21 =	vadd.f32 $-5.000000000e-01, v21;
	v20 =	vmul.f32 $1.200000050e+00, v20;
	v28 =	vld.idx.msk [tilespmem:v37+s26+$0x0], $0xffff  }
0x169: {  	s13 =	sadd.s32 $0x11, s11;
	v23 =	vadd.f32 $-5.000000000e-01, v23;
	v35 =	vld.idx.msk [tilespmem:v35+s25+$0x0], $0xffff  }
0x16a: {  	v20 =	vadd.f32 $-5.000000000e-01, v20;
	[tilespmem:v26+s4+$0x0] =	vst.idx.add.f32.msk $0xffff, v21;
	v21 =	vmul.f32 $1.200000050e+00, v33;
	v26 =	vadd.s32 s13, v1  }
0x16b: {  	s13 =	sadd.s32 $0x14, s11;
	[tilespmem:v22+s4+$0x0] =	vst.idx.add.f32.msk $0xffff, v23  }
0x16c: {  	v22 =	vadd.s32 s13, v1;
	[tilespmem:v24+s4+$0x0] =	vst.idx.add.f32.msk $0xffff, v20;
	v20 =	vadd.f32 $-5.000000000e-01, v21;
	v21 =	vmul.f32 $1.200000050e+00, v39  }
0x16d: {  	v16 =	vld.idx.msk [tilespmem:v16+s25+$0x0], $0xffff  }
0x16e: {  	[tilespmem:v29+s4+$0x0] =	vst.idx.add.f32.msk $0xffff, v20;
	v20 =	vadd.f32 $-5.000000000e-01, v21  }
0x16f: {  	v23 =	vmul.f32 $1.200000050e+00, v35;
	v21 =	vld.idx.msk [tilespmem:v26+s26+$0x0], $0xffff  }
0x170: {  	[tilespmem:v28+s4+$0x0] =	vst.idx.add.f32.msk $0xffff, v20  }
0x171: {  	v20 =	vmul.f32 $1.200000050e+00, v34;
	v23 =	vadd.f32 $-5.000000000e-01, v23;
	v24 =	vld.idx.msk [tilespmem:v22+s25+$0x0], $0xffff  }
0x172: {  	v28 =	vadd.f32 $-5.000000000e-01, v30;
	v22 =	vld.idx.msk [tilespmem:v22+s26+$0x0], $0xffff  }
0x173: {  	s13 =	sadd.s32 $0x16, s11;
	v16 =	vmul.f32 $1.200000050e+00, v16;
	v20 =	vadd.f32 $-5.000000000e-01, v20;
	[tilespmem:v38+s4+$0x0] =	vst.idx.add.f32.msk $0xffff, v23  }
0x174: {  	v23 =	vadd.s32 s13, v1;
	[tilespmem:v27+s4+$0x0] =	vst.idx.add.f32.msk $0xffff, v28  }
0x175: {  	[tilespmem:v25+s4+$0x0] =	vst.idx.add.f32.msk $0xffff, v20  }
0x176: {  	v16 =	vadd.f32 $-5.000000000e-01, v16;
	v9 =	vld.idx.msk [tilespmem:v9+s25+$0x0], $0xffff  }
0x177: {  	s11 =	sadd.s32 $0x18, s11;
	v24 =	vmul.f32 $1.200000050e+00, v24;
	v20 =	vld.idx.msk [tilespmem:v26+s25+$0x0], $0xffff  }
0x178: {  	[tilespmem:v17+s4+$0x0] =	vst.idx.add.f32.msk $0xffff, v16;
	v16 =	vadd.s32 s11, v1  }
0x179: {  	v17 =	vadd.f32 $-5.000000000e-01, v24;
	v24 =	vld.idx.msk [tilespmem:v23+s25+$0x0], $0xffff  }
0x17a: {  	v23 =	vld.idx.msk [tilespmem:v23+s26+$0x0], $0xffff  }
0x17b: {  	[tilespmem:v22+s4+$0x0] =	vst.idx.add.f32.msk $0xffff, v17  }
0x17c: {  	v17 =	vadd.f32 $-5.000000000e-01, v31;
	v9 =	vmul.f32 $1.200000050e+00, v9;
	v7 =	vld.idx.msk [tilespmem:v7+s25+$0x0], $0xffff  }
0x17d: {  	v20 =	vmul.f32 $1.200000050e+00, v20;
	v22 =	vld.idx.msk [tilespmem:v16+s25+$0x0], $0xffff  }
0x17e: {  	v9 =	vadd.f32 $-5.000000000e-01, v9;
	[tilespmem:v14+s4+$0x0] =	vst.idx.add.f32.msk $0xffff, v17  }
0x17f: {  	v14 =	vadd.f32 $-5.000000000e-01, v20;
	v17 =	vmul.f32 $1.200000050e+00, v24;
	v16 =	vld.idx.msk [tilespmem:v16+s26+$0x0], $0xffff  }
0x180: {  	v13 =	vadd.f32 $-5.000000000e-01, v13;
	[tilespmem:v8+s4+$0x0] =	vst.idx.add.f32.msk $0xffff, v9  }
0x181: {  	v8 =	vadd.f32 $-5.000000000e-01, v17;
	[tilespmem:v21+s4+$0x0] =	vst.idx.add.f32.msk $0xffff, v14  }
0x182: {  	v9 =	vadd.f32 $-5.000000000e-01, v19;
	v7 =	vmul.f32 $1.200000050e+00, v7;
	[tilespmem:v32+s4+$0x0] =	vst.idx.add.f32.msk $0xffff, v13  }
0x183: {  	[tilespmem:v23+s4+$0x0] =	vst.idx.add.f32.msk $0xffff, v8;
	v8 =	vadd.f32 $-5.000000000e-01, v10;
	v10 =	vmul.f32 $1.200000050e+00, v22  }
0x184: {  	v7 =	vadd.f32 $-5.000000000e-01, v7;
	[tilespmem:v12+s4+$0x0] =	vst.idx.add.f32.msk $0xffff, v9  }
.Ltmp2:
0x185: {  	[tilespmem:v4+s4+$0x0] =	vst.idx.add.f32.msk $0xffff, v8;
	v4 =	vadd.f32 $-5.000000000e-01, v10;
	(pc) =	sbr.rel @p3 .LBB2_7-.Ltmp2, $4  }
0x186: {  	v8 =	vadd.f32 $-5.000000000e-01, v18;
	[tilespmem:v6+s4+$0x0] =	vst.idx.add.f32.msk $0xffff, v7  }
0x187: {  	v5 =	vadd.f32 $-5.000000000e-01, v5;
	[tilespmem:v16+s4+$0x0] =	vst.idx.add.f32.msk $0xffff, v4  }
0x188: {  	v4 =	vadd.f32 $-5.000000000e-01, v15;
	[tilespmem:v11+s4+$0x0] =	vst.idx.add.f32.msk $0xffff, v8  }
0x189: {  	s13 =	smov.u32 s22;
	[tilespmem:v3+s4+$0x0] =	vst.idx.add.f32.msk $0xffff, v5  }
.Ltmp3:
0x18a: {  	_ = 	snop;
	(pc) =	sbr.rel @p2 .LBB2_10-.Ltmp3, $2  }
0x18b: {  	_ =	sdelay $0x2  }
0x18c: {  	[tilespmem:v2+s4+$0x0] =	vst.idx.add.f32.msk $0xffff, v4  }
0x18d: {  	s11 =	smul.u32 $0x4E20, s21;
	_ =	sdelay $0x1  }
0x18e: {  	s11 =	sadd.s32 s11, s10  }
.Ltmp4:
0x18f: {  	s11 =	sshrl.u32 s11, $0x3;
	(pc) =	sbr.rel .LBB2_4-.Ltmp4, $4  }
0x190: {  	s13 =	sadd.s32 s1, s11  }
0x191: {  	[tilespmem:s25], [sflag:$0x3] =	stream.linear.gather [hbm4b:s13+s4], $0x2710, $0x38;
	[tilespmem:$0x1E980] =	vst v63  }
0x192: {  	s21 =	sadd.s32 $0x1, s21;
	s11 =	sadd.s32 s2, s11  }
0x193: {  	[tilespmem:s26], [sflag:$0x4] =	stream.linear.gather [hbm4b:s11+s4], $0x2710, $0x38;
	[tilespmem:$0x1E980] =	vst v63  }
.LBB2_10:
0x194: {  	s11 =	simm.s32 @!p0 $0x0;
	s13 =	rddreg [dreg:$0x9]  }
0x195: {  	[spmem:s13] =	stream.linear.scatter @!p0 [tilespmem:s11], [sflag:$0x7], $0xC400, $0x38;
	[tilespmem:$0x1E980] =	vst v63  }
0x196: {  	s11 =	simm.s32 @!p0 $0x7  }
0x197: {  	_ =	swait.ge @!p0 [sflag:s11], $0xC400  }
0x198: {  	[sflag:s11] =	ssyncset.done @!p0 $0x0  }
0x199: {  	[sflag:s11] =	ssyncadd.s32 @!p0 $0xFFFF3C00  }
0x19a: {  	[bflag:$0x0] =	sbarrier.arrive $0xFFFF  }
0x19b: {  	s16 =	simm.s32 $0x17B00;
	s15 =	rddreg [dreg:$0xd]  }
0x19c: {  	[tilespmem:s16], [sflag:$0x7] =	stream.linear.gather [spmem:s15], $0xC40, $0x38;
	[tilespmem:$0x1E980] =	vst v63  }
0x19d: {  	_ =	swait.ge [sflag:s0], $0xC40  }
0x19e: {  	[sflag:s0] =	ssyncset.done $0x0  }
0x19f: {  	s20 =	rddreg [dreg:$0xa];
	[sflag:s0] =	ssyncadd.s32 $0xFFFFF3C0  }
0x1a0: {  	[tilespmem:s3], [sflag:$0x6] =	stream.linear.gather [spmem:s20], $0xC40, $0x38;
	[tilespmem:$0x1E980] =	vst v63  }
0x1a1: {  	_ =	swait.ge [sflag:s5], $0xC40  }
0x1a2: {  	[sflag:s5] =	ssyncset.done $0x0  }
0x1a3: {  	s11 =	simm.s32 $0x17B70;
	s21 =	rddreg [dreg:$0xb];
	[sflag:s5] =	ssyncadd.s32 $0xFFFFF3C0  }
0x1a4: {  	[tilespmem:s6], [sflag:$0x5] =	stream.linear.gather [spmem:s21], $0xC40, $0x38;
	[tilespmem:$0x1E980] =	vst v63  }
0x1a5: {  	s20 =	simm.s32 $0x16EF0;
	v3 =	vld [tilespmem:s11+$0x60]  }
0x1a6: {  	v4 =	vld [tilespmem:s20+$0x60]  }
0x1a7: {  	v2 =	vld [tilespmem:s20+$0xFFFFFF90]  }
0x1a8: {  	v7 =	vld [tilespmem:s11+$0xFFFFFFA0]  }
0x1a9: {  	v8 =	vld [tilespmem:s20+$0xFFFFFFA0]  }
0x1aa: {  	v9 =	vld [tilespmem:s11+$0xFFFFFFB0]  }
0x1ab: {  	v10 =	vld [tilespmem:s20+$0xFFFFFFB0]  }
0x1ac: {  	v11 =	vld [tilespmem:s11+$0xFFFFFFC0]  }
0x1ad: {  	v12 =	vld [tilespmem:s20+$0xFFFFFFC0]  }
0x1ae: {  	s21 =	simm.s32 $0x0;
	v13 =	vld [tilespmem:s11+$0xFFFFFFD0]  }
0x1af: {  	s22 =	sand.u32 $0xFE0, s21;
	v14 =	vld [tilespmem:s20+$0xFFFFFFD0]  }
0x1b0: {  	v5 =	vld [tilespmem:s22+$0x17B80]  }
0x1b1: {  	v6 =	vld [tilespmem:s22+$0x16F00]  }
0x1b2: {  	v15 =	vld [tilespmem:s11+$0xFFFFFFE0]  }
0x1b3: {  	v16 =	vld [tilespmem:s20+$0xFFFFFFE0]  }
0x1b4: {  	v17 =	vld [tilespmem:s11+$0xFFFFFFF0]  }
0x1b5: {  	v3 =	vadd.f32 v4, v3;
	v4 =	vld [tilespmem:s20+$0xFFFFFFF0]  }
0x1b6: {  	v5 =	vadd.f32 v6, v5;
	v6 =	vld [tilespmem:s11+$0x0]  }
0x1b7: {  	[tilespmem:s11+$0x60] =	vst v3;
	v3 =	vadd.f32 v8, v7;
	v7 =	vld [tilespmem:s20+$0x0]  }
0x1b8: {  	v8 =	vld [tilespmem:s11+$0x20];
	[tilespmem:s22+$0x17B80] =	vst v5;
	v5 =	vadd.f32 v10, v9  }
0x1b9: {  	v9 =	vld [tilespmem:s20+$0x20];
	[tilespmem:s11+$0xFFFFFFA0] =	vst v3;
	v3 =	vadd.f32 v12, v11  }
0x1ba: {  	v63 =	vld [tilespmem:s20+$0x30];
	v11 =	vadd.f32 v16, v15;
	[tilespmem:s11+$0xFFFFFFB0] =	vst v5  }
0x1bb: {  	v10 =	vld [tilespmem:s11+$0x30];
	v5 =	vadd.f32 v14, v13;
	[tilespmem:s11+$0xFFFFFFC0] =	vst v3  }
0x1bc: {  	v4 =	vadd.f32 v4, v17;
	v3 =	vld [tilespmem:s11+$0x40];
	[tilespmem:s11+$0xFFFFFFE0] =	vst v11  }
0x1bd: {  	[tilespmem:s11+$0xFFFFFFD0] =	vst v5;
	v6 =	vadd.f32 v7, v6;
	v5 =	vld [tilespmem:s20+$0x40]  }
0x1be: {  	[tilespmem:s11+$0xFFFFFFF0] =	vst v4;
	v4 =	vld [tilespmem:s11+$0x50];
	v8 =	vadd.f32 v9, v8  }
0x1bf: {  	[tilespmem:s11+$0x0] =	vst v6;
	v6 =	vld [tilespmem:s20+$0x50]  }
0x1c0: {  	s13 =	simm.s32 $0x17C50;
	s15 =	smov.u32 s17;
	s22 =	simm.s32 $0x0;
	v7 =	vld [tilespmem:s11+$0xFFFFFF90];
	[tilespmem:s11+$0x20] =	vst v8;
	v8 =	vadd.f32 v63, v10  }
.LBB2_11:
0x1c1: {  	v9 =	vld [tilespmem:s13+$0x60];
	s20 =	sadd.s32 $0xE0, s20;
	s21 =	sadd.s32 $0xE0, s21  }
0x1c2: {  	s14 =	sand.u32 $0xFE0, s21;
	v10 =	vld [tilespmem:s20+$0x60];
	[tilespmem:s11+$0x30] =	vst v8;
	v3 =	vadd.f32 v5, v3  }
0x1c3: {  	s22 =	sadd.s32 $0xE, s22;
	v5 =	vld [tilespmem:s14+$0x17B80]  }
0x1c4: {  	p2 =	slt.u32 s22, $0xB6;
	v8 =	vld [tilespmem:s14+$0x16F00];
	[tilespmem:s11+$0x40] =	vst v3;
	v3 =	vadd.f32 v6, v4  }
0x1c5: {  	v4 =	vadd.f32 v2, v7;
	v2 =	vld [tilespmem:s20+$0xFFFFFF90]  }
0x1c6: {  	v6 =	vld [tilespmem:s13+$0xFFFFFFA0];
	[tilespmem:s11+$0x50] =	vst v3  }
0x1c7: {  	v3 =	vld [tilespmem:s20+$0xFFFFFFA0];
	[tilespmem:s11+$0xFFFFFF90] =	vst v4;
	s11 =	smov.u32 s13  }
0x1c8: {  	v7 =	vadd.f32 v10, v9;
	v4 =	vld [tilespmem:s13+$0xFFFFFFB0]  }
0x1c9: {  	v9 =	vld [tilespmem:s20+$0xFFFFFFB0];
	v5 =	vadd.f32 v8, v5  }
0x1ca: {  	v8 =	vld [tilespmem:s13+$0xFFFFFFC0];
	[tilespmem:s13+$0x60] =	vst v7  }
0x1cb: {  	v7 =	vld [tilespmem:s20+$0xFFFFFFC0];
	[tilespmem:s14+$0x17B80] =	vst v5  }
0x1cc: {  	v3 =	vadd.f32 v3, v6;
	v5 =	vld [tilespmem:s13+$0xFFFFFFD0]  }
0x1cd: {  	v6 =	vld [tilespmem:s20+$0xFFFFFFD0]  }
0x1ce: {  	[tilespmem:s13+$0xFFFFFFA0] =	vst v3;
	v3 =	vadd.f32 v9, v4;
	v4 =	vld [tilespmem:s13+$0xFFFFFFE0]  }
0x1cf: {  	v9 =	vld [tilespmem:s20+$0xFFFFFFE0]  }
0x1d0: {  	[tilespmem:s13+$0xFFFFFFB0] =	vst v3;
	v3 =	vadd.f32 v7, v8;
	v7 =	vld [tilespmem:s13+$0xFFFFFFF0]  }
0x1d1: {  	v8 =	vld [tilespmem:s20+$0xFFFFFFF0]  }
0x1d2: {  	[tilespmem:s13+$0xFFFFFFC0] =	vst v3;
	v3 =	vadd.f32 v6, v5;
	v5 =	vld [tilespmem:s13+$0x0]  }
0x1d3: {  	v6 =	vld [tilespmem:s20+$0x0]  }
0x1d4: {  	[tilespmem:s13+$0xFFFFFFD0] =	vst v3;
	v3 =	vadd.f32 v9, v4;
	v4 =	vld [tilespmem:s13+$0x20]  }
0x1d5: {  	v9 =	vld [tilespmem:s20+$0x20]  }
0x1d6: {  	[tilespmem:s13+$0xFFFFFFE0] =	vst v3;
	v3 =	vadd.f32 v8, v7;
	v8 =	vld [tilespmem:s13+$0x30]  }
0x1d7: {  	v10 =	vld [tilespmem:s20+$0x30]  }
.Ltmp5:
0x1d8: {  	[tilespmem:s13+$0xFFFFFFF0] =	vst v3;
	v6 =	vadd.f32 v6, v5;
	v3 =	vld [tilespmem:s13+$0x40];
	(pc) =	sbr.rel @p2 .LBB2_11-.Ltmp5, $4  }
0x1d9: {  	v5 =	vld [tilespmem:s20+$0x40]  }
0x1da: {  	[tilespmem:s13+$0x0] =	vst v6;
	v9 =	vadd.f32 v9, v4;
	v4 =	vld [tilespmem:s13+$0x50]  }
0x1db: {  	v6 =	vld [tilespmem:s20+$0x50]  }
0x1dc: {  	s13 =	sadd.s32 $0xE0, s13;
	v7 =	vld [tilespmem:s11+$0xFFFFFF90];
	[tilespmem:s11+$0x20] =	vst v9;
	v8 =	vadd.f32 v10, v8  }
0x1dd: {  	_ =	sdelay $0x1  }
0x1de: {  	v3 =	vadd.f32 v5, v3  }
0x1df: {  	[tilespmem:s11+$0x30] =	vst v8;
	v4 =	vadd.f32 v6, v4  }
0x1e0: {  	[tilespmem:s11+$0x40] =	vst v3;
	v2 =	vadd.f32 v2, v7  }
0x1e1: {  	[tilespmem:s11+$0x50] =	vst v4  }
0x1e2: {  	[tilespmem:s11+$0xFFFFFF90] =	vst v2  }
0x1e3: {  	_ =	swait.ge [sflag:s7], $0xC40  }
0x1e4: {  	[sflag:s7] =	ssyncset.done $0x0  }
0x1e5: {  	s11 =	simm.s32 $0x17B70;
	s22 =	rddreg [dreg:$0xc];
	[sflag:s7] =	ssyncadd.s32 $0xFFFFF3C0  }
0x1e6: {  	[tilespmem:s3], [sflag:$0x6] =	stream.linear.gather [spmem:s22], $0xC40, $0x38;
	[tilespmem:$0x1E980] =	vst v63  }
0x1e7: {  	s20 =	simm.s32 $0x16270;
	s21 =	simm.s32 $0x0;
	v3 =	vld [tilespmem:s11+$0x60]  }
0x1e8: {  	s13 =	sand.u32 $0xFE0, s21;
	v4 =	vld [tilespmem:s20+$0x60]  }
0x1e9: {  	v5 =	vld [tilespmem:s13+$0x17B80]  }
0x1ea: {  	v6 =	vld [tilespmem:s13+$0x16280]  }
0x1eb: {  	v2 =	vld [tilespmem:s20+$0xFFFFFF90]  }
0x1ec: {  	v7 =	vld [tilespmem:s11+$0xFFFFFFA0]  }
0x1ed: {  	v8 =	vld [tilespmem:s20+$0xFFFFFFA0]  }
0x1ee: {  	v9 =	vld [tilespmem:s11+$0xFFFFFFB0]  }
0x1ef: {  	v10 =	vld [tilespmem:s20+$0xFFFFFFB0]  }
0x1f0: {  	v11 =	vld [tilespmem:s11+$0xFFFFFFC0]  }
0x1f1: {  	v12 =	vld [tilespmem:s20+$0xFFFFFFC0]  }
0x1f2: {  	v13 =	vld [tilespmem:s11+$0xFFFFFFD0]  }
0x1f3: {  	v14 =	vld [tilespmem:s20+$0xFFFFFFD0]  }
0x1f4: {  	v15 =	vld [tilespmem:s11+$0xFFFFFFE0]  }
0x1f5: {  	v16 =	vld [tilespmem:s20+$0xFFFFFFE0]  }
0x1f6: {  	v17 =	vld [tilespmem:s11+$0xFFFFFFF0]  }
0x1f7: {  	v3 =	vadd.f32 v4, v3;
	v4 =	vld [tilespmem:s20+$0xFFFFFFF0]  }
0x1f8: {  	v5 =	vadd.f32 v6, v5;
	v6 =	vld [tilespmem:s11+$0x0]  }
0x1f9: {  	[tilespmem:s11+$0x60] =	vst v3;
	v3 =	vadd.f32 v8, v7;
	v7 =	vld [tilespmem:s20+$0x0]  }
0x1fa: {  	[tilespmem:s13+$0x17B80] =	vst v5;
	v5 =	vadd.f32 v10, v9;
	v8 =	vld [tilespmem:s11+$0x20]  }
0x1fb: {  	v9 =	vld [tilespmem:s20+$0x20];
	[tilespmem:s11+$0xFFFFFFA0] =	vst v3;
	v3 =	vadd.f32 v12, v11  }
0x1fc: {  	v63 =	vld [tilespmem:s20+$0x30];
	[tilespmem:s11+$0xFFFFFFB0] =	vst v5;
	v5 =	vadd.f32 v14, v13  }
0x1fd: {  	v10 =	vld [tilespmem:s11+$0x30];
	v11 =	vadd.f32 v16, v15;
	[tilespmem:s11+$0xFFFFFFC0] =	vst v3  }
0x1fe: {  	v4 =	vadd.f32 v4, v17;
	[tilespmem:s11+$0xFFFFFFD0] =	vst v5;
	v3 =	vld [tilespmem:s11+$0x40]  }
0x1ff: {  	[tilespmem:s11+$0xFFFFFFE0] =	vst v11;
	v5 =	vld [tilespmem:s20+$0x40];
	v6 =	vadd.f32 v7, v6  }
0x200: {  	[tilespmem:s11+$0xFFFFFFF0] =	vst v4;
	v8 =	vadd.f32 v9, v8;
	v4 =	vld [tilespmem:s11+$0x50]  }
0x201: {  	[tilespmem:s11+$0x0] =	vst v6;
	v6 =	vld [tilespmem:s20+$0x50]  }
0x202: {  	s16 =	smov.u32 s18;
	s22 =	simm.s32 $0x0;
	s13 =	simm.s32 $0x17C50;
	v7 =	vld [tilespmem:s11+$0xFFFFFF90];
	[tilespmem:s11+$0x20] =	vst v8;
	v8 =	vadd.f32 v63, v10  }
.LBB2_13:
0x203: {  	v9 =	vld [tilespmem:s13+$0x60];
	s20 =	sadd.s32 $0xE0, s20;
	s21 =	sadd.s32 $0xE0, s21  }
0x204: {  	s14 =	sand.u32 $0xFE0, s21;
	v10 =	vld [tilespmem:s20+$0x60];
	[tilespmem:s11+$0x30] =	vst v8;
	v3 =	vadd.f32 v5, v3  }
0x205: {  	s22 =	sadd.s32 $0xE, s22;
	v5 =	vld [tilespmem:s14+$0x17B80]  }
0x206: {  	p2 =	slt.u32 s22, $0xB6;
	v8 =	vld [tilespmem:s14+$0x16280];
	[tilespmem:s11+$0x40] =	vst v3;
	v3 =	vadd.f32 v6, v4  }
0x207: {  	v4 =	vadd.f32 v2, v7;
	v2 =	vld [tilespmem:s20+$0xFFFFFF90]  }
0x208: {  	v6 =	vld [tilespmem:s13+$0xFFFFFFA0];
	[tilespmem:s11+$0x50] =	vst v3  }
0x209: {  	v3 =	vld [tilespmem:s20+$0xFFFFFFA0];
	[tilespmem:s11+$0xFFFFFF90] =	vst v4;
	s11 =	smov.u32 s13  }
0x20a: {  	v7 =	vadd.f32 v10, v9;
	v4 =	vld [tilespmem:s13+$0xFFFFFFB0]  }
0x20b: {  	v9 =	vld [tilespmem:s20+$0xFFFFFFB0];
	v5 =	vadd.f32 v8, v5  }
0x20c: {  	v8 =	vld [tilespmem:s13+$0xFFFFFFC0];
	[tilespmem:s13+$0x60] =	vst v7  }
0x20d: {  	v7 =	vld [tilespmem:s20+$0xFFFFFFC0];
	[tilespmem:s14+$0x17B80] =	vst v5  }
0x20e: {  	v3 =	vadd.f32 v3, v6;
	v5 =	vld [tilespmem:s13+$0xFFFFFFD0]  }
0x20f: {  	v6 =	vld [tilespmem:s20+$0xFFFFFFD0]  }
0x210: {  	[tilespmem:s13+$0xFFFFFFA0] =	vst v3;
	v3 =	vadd.f32 v9, v4;
	v4 =	vld [tilespmem:s13+$0xFFFFFFE0]  }
0x211: {  	v9 =	vld [tilespmem:s20+$0xFFFFFFE0]  }
0x212: {  	[tilespmem:s13+$0xFFFFFFB0] =	vst v3;
	v3 =	vadd.f32 v7, v8;
	v7 =	vld [tilespmem:s13+$0xFFFFFFF0]  }
0x213: {  	v8 =	vld [tilespmem:s20+$0xFFFFFFF0]  }
0x214: {  	[tilespmem:s13+$0xFFFFFFC0] =	vst v3;
	v3 =	vadd.f32 v6, v5;
	v5 =	vld [tilespmem:s13+$0x0]  }
0x215: {  	v6 =	vld [tilespmem:s20+$0x0]  }
0x216: {  	[tilespmem:s13+$0xFFFFFFD0] =	vst v3;
	v3 =	vadd.f32 v9, v4;
	v4 =	vld [tilespmem:s13+$0x20]  }
0x217: {  	v9 =	vld [tilespmem:s20+$0x20]  }
0x218: {  	[tilespmem:s13+$0xFFFFFFE0] =	vst v3;
	v3 =	vadd.f32 v8, v7;
	v8 =	vld [tilespmem:s13+$0x30]  }
0x219: {  	v10 =	vld [tilespmem:s20+$0x30]  }
.Ltmp6:
0x21a: {  	[tilespmem:s13+$0xFFFFFFF0] =	vst v3;
	v6 =	vadd.f32 v6, v5;
	v3 =	vld [tilespmem:s13+$0x40];
	(pc) =	sbr.rel @p2 .LBB2_13-.Ltmp6, $4  }
0x21b: {  	v5 =	vld [tilespmem:s20+$0x40]  }
0x21c: {  	[tilespmem:s13+$0x0] =	vst v6;
	v9 =	vadd.f32 v9, v4;
	v4 =	vld [tilespmem:s13+$0x50]  }
0x21d: {  	v6 =	vld [tilespmem:s20+$0x50]  }
0x21e: {  	s13 =	sadd.s32 $0xE0, s13;
	v7 =	vld [tilespmem:s11+$0xFFFFFF90];
	[tilespmem:s11+$0x20] =	vst v9;
	v8 =	vadd.f32 v10, v8  }
0x21f: {  	_ =	sdelay $0x1  }
0x220: {  	v3 =	vadd.f32 v5, v3  }
0x221: {  	[tilespmem:s11+$0x30] =	vst v8;
	v4 =	vadd.f32 v6, v4  }
0x222: {  	[tilespmem:s11+$0x40] =	vst v3;
	v2 =	vadd.f32 v2, v7  }
0x223: {  	[tilespmem:s11+$0x50] =	vst v4  }
0x224: {  	[tilespmem:s11+$0xFFFFFF90] =	vst v2  }
0x225: {  	_ =	swait.ge [sflag:s5], $0xC40  }
0x226: {  	[sflag:s5] =	ssyncset.done $0x0  }
0x227: {  	s11 =	simm.s32 $0x17B70;
	[sflag:s5] =	ssyncadd.s32 $0xFFFFF3C0  }
0x228: {  	[tilespmem:s6], [sflag:$0x5] =	stream.linear.gather [spmem:s15], $0xC40, $0x38;
	[tilespmem:$0x1E980] =	vst v63  }
0x229: {  	s20 =	simm.s32 $0x16EF0;
	s21 =	simm.s32 $0x0;
	v3 =	vld [tilespmem:s11+$0x60]  }
0x22a: {  	s13 =	sand.u32 $0xFE0, s21;
	v4 =	vld [tilespmem:s20+$0x60]  }
0x22b: {  	v5 =	vld [tilespmem:s13+$0x17B80]  }
0x22c: {  	v6 =	vld [tilespmem:s13+$0x16F00]  }
0x22d: {  	v2 =	vld [tilespmem:s20+$0xFFFFFF90]  }
0x22e: {  	v7 =	vld [tilespmem:s11+$0xFFFFFFA0]  }
0x22f: {  	v8 =	vld [tilespmem:s20+$0xFFFFFFA0]  }
0x230: {  	v9 =	vld [tilespmem:s11+$0xFFFFFFB0]  }
0x231: {  	v10 =	vld [tilespmem:s20+$0xFFFFFFB0]  }
0x232: {  	v11 =	vld [tilespmem:s11+$0xFFFFFFC0]  }
0x233: {  	v12 =	vld [tilespmem:s20+$0xFFFFFFC0]  }
0x234: {  	v13 =	vld [tilespmem:s11+$0xFFFFFFD0]  }
0x235: {  	v14 =	vld [tilespmem:s20+$0xFFFFFFD0]  }
0x236: {  	v15 =	vld [tilespmem:s11+$0xFFFFFFE0]  }
0x237: {  	v16 =	vld [tilespmem:s20+$0xFFFFFFE0]  }
0x238: {  	v17 =	vld [tilespmem:s11+$0xFFFFFFF0]  }
0x239: {  	v3 =	vadd.f32 v4, v3;
	v4 =	vld [tilespmem:s20+$0xFFFFFFF0]  }
0x23a: {  	v5 =	vadd.f32 v6, v5;
	v6 =	vld [tilespmem:s11+$0x0]  }
0x23b: {  	[tilespmem:s11+$0x60] =	vst v3;
	v3 =	vadd.f32 v8, v7;
	v7 =	vld [tilespmem:s20+$0x0]  }
0x23c: {  	[tilespmem:s13+$0x17B80] =	vst v5;
	v5 =	vadd.f32 v10, v9;
	v8 =	vld [tilespmem:s11+$0x20]  }
0x23d: {  	v9 =	vld [tilespmem:s20+$0x20];
	[tilespmem:s11+$0xFFFFFFA0] =	vst v3;
	v3 =	vadd.f32 v12, v11  }
0x23e: {  	v63 =	vld [tilespmem:s20+$0x30];
	[tilespmem:s11+$0xFFFFFFB0] =	vst v5;
	v5 =	vadd.f32 v14, v13  }
0x23f: {  	v10 =	vld [tilespmem:s11+$0x30];
	v11 =	vadd.f32 v16, v15;
	[tilespmem:s11+$0xFFFFFFC0] =	vst v3  }
0x240: {  	v4 =	vadd.f32 v4, v17;
	[tilespmem:s11+$0xFFFFFFD0] =	vst v5;
	v3 =	vld [tilespmem:s11+$0x40]  }
0x241: {  	[tilespmem:s11+$0xFFFFFFE0] =	vst v11;
	v5 =	vld [tilespmem:s20+$0x40];
	v6 =	vadd.f32 v7, v6  }
0x242: {  	[tilespmem:s11+$0xFFFFFFF0] =	vst v4;
	v8 =	vadd.f32 v9, v8;
	v4 =	vld [tilespmem:s11+$0x50]  }
0x243: {  	[tilespmem:s11+$0x0] =	vst v6;
	v6 =	vld [tilespmem:s20+$0x50]  }
0x244: {  	s22 =	simm.s32 $0x0;
	s18 =	smov.u32 s12;
	s13 =	simm.s32 $0x17C50;
	v7 =	vld [tilespmem:s11+$0xFFFFFF90];
	[tilespmem:s11+$0x20] =	vst v8;
	v8 =	vadd.f32 v63, v10  }
.LBB2_15:
0x245: {  	v9 =	vld [tilespmem:s13+$0x60];
	s20 =	sadd.s32 $0xE0, s20;
	s21 =	sadd.s32 $0xE0, s21  }
0x246: {  	s14 =	sand.u32 $0xFE0, s21;
	v10 =	vld [tilespmem:s20+$0x60];
	[tilespmem:s11+$0x30] =	vst v8;
	v3 =	vadd.f32 v5, v3  }
0x247: {  	s22 =	sadd.s32 $0xE, s22;
	v5 =	vld [tilespmem:s14+$0x17B80]  }
0x248: {  	p2 =	slt.u32 s22, $0xB6;
	v8 =	vld [tilespmem:s14+$0x16F00];
	[tilespmem:s11+$0x40] =	vst v3;
	v3 =	vadd.f32 v6, v4  }
0x249: {  	v4 =	vadd.f32 v2, v7;
	v2 =	vld [tilespmem:s20+$0xFFFFFF90]  }
0x24a: {  	v6 =	vld [tilespmem:s13+$0xFFFFFFA0];
	[tilespmem:s11+$0x50] =	vst v3  }
0x24b: {  	v3 =	vld [tilespmem:s20+$0xFFFFFFA0];
	[tilespmem:s11+$0xFFFFFF90] =	vst v4;
	s11 =	smov.u32 s13  }
0x24c: {  	v7 =	vadd.f32 v10, v9;
	v4 =	vld [tilespmem:s13+$0xFFFFFFB0]  }
0x24d: {  	v9 =	vld [tilespmem:s20+$0xFFFFFFB0];
	v5 =	vadd.f32 v8, v5  }
0x24e: {  	v8 =	vld [tilespmem:s13+$0xFFFFFFC0];
	[tilespmem:s13+$0x60] =	vst v7  }
0x24f: {  	v7 =	vld [tilespmem:s20+$0xFFFFFFC0];
	[tilespmem:s14+$0x17B80] =	vst v5  }
0x250: {  	v3 =	vadd.f32 v3, v6;
	v5 =	vld [tilespmem:s13+$0xFFFFFFD0]  }
0x251: {  	v6 =	vld [tilespmem:s20+$0xFFFFFFD0]  }
0x252: {  	[tilespmem:s13+$0xFFFFFFA0] =	vst v3;
	v3 =	vadd.f32 v9, v4;
	v4 =	vld [tilespmem:s13+$0xFFFFFFE0]  }
0x253: {  	v9 =	vld [tilespmem:s20+$0xFFFFFFE0]  }
0x254: {  	[tilespmem:s13+$0xFFFFFFB0] =	vst v3;
	v3 =	vadd.f32 v7, v8;
	v7 =	vld [tilespmem:s13+$0xFFFFFFF0]  }
0x255: {  	v8 =	vld [tilespmem:s20+$0xFFFFFFF0]  }
0x256: {  	[tilespmem:s13+$0xFFFFFFC0] =	vst v3;
	v3 =	vadd.f32 v6, v5;
	v5 =	vld [tilespmem:s13+$0x0]  }
0x257: {  	v6 =	vld [tilespmem:s20+$0x0]  }
0x258: {  	[tilespmem:s13+$0xFFFFFFD0] =	vst v3;
	v3 =	vadd.f32 v9, v4;
	v4 =	vld [tilespmem:s13+$0x20]  }
0x259: {  	v9 =	vld [tilespmem:s20+$0x20]  }
0x25a: {  	[tilespmem:s13+$0xFFFFFFE0] =	vst v3;
	v3 =	vadd.f32 v8, v7;
	v8 =	vld [tilespmem:s13+$0x30]  }
0x25b: {  	v10 =	vld [tilespmem:s20+$0x30]  }
.Ltmp7:
0x25c: {  	[tilespmem:s13+$0xFFFFFFF0] =	vst v3;
	v6 =	vadd.f32 v6, v5;
	v3 =	vld [tilespmem:s13+$0x40];
	(pc) =	sbr.rel @p2 .LBB2_15-.Ltmp7, $4  }
0x25d: {  	v5 =	vld [tilespmem:s20+$0x40]  }
0x25e: {  	[tilespmem:s13+$0x0] =	vst v6;
	v9 =	vadd.f32 v9, v4;
	v4 =	vld [tilespmem:s13+$0x50]  }
0x25f: {  	v6 =	vld [tilespmem:s20+$0x50]  }
0x260: {  	s13 =	sadd.s32 $0xE0, s13;
	v7 =	vld [tilespmem:s11+$0xFFFFFF90];
	[tilespmem:s11+$0x20] =	vst v9;
	v8 =	vadd.f32 v10, v8  }
0x261: {  	_ =	sdelay $0x1  }
0x262: {  	v3 =	vadd.f32 v5, v3  }
0x263: {  	[tilespmem:s11+$0x30] =	vst v8;
	v4 =	vadd.f32 v6, v4  }
0x264: {  	[tilespmem:s11+$0x40] =	vst v3;
	v2 =	vadd.f32 v2, v7  }
0x265: {  	[tilespmem:s11+$0x50] =	vst v4  }
0x266: {  	[tilespmem:s11+$0xFFFFFF90] =	vst v2  }
0x267: {  	_ =	swait.ge [sflag:s7], $0xC40  }
0x268: {  	[sflag:s7] =	ssyncset.done $0x0  }
0x269: {  	s11 =	simm.s32 $0x17B70;
	[sflag:s7] =	ssyncadd.s32 $0xFFFFF3C0  }
0x26a: {  	[tilespmem:s3], [sflag:$0x6] =	stream.linear.gather [spmem:s16], $0xC40, $0x38;
	[tilespmem:$0x1E980] =	vst v63  }
0x26b: {  	s20 =	simm.s32 $0x16270;
	s21 =	simm.s32 $0x0;
	v3 =	vld [tilespmem:s11+$0x60]  }
0x26c: {  	s13 =	sand.u32 $0xFE0, s21;
	v4 =	vld [tilespmem:s20+$0x60]  }
0x26d: {  	v5 =	vld [tilespmem:s13+$0x17B80]  }
0x26e: {  	v6 =	vld [tilespmem:s13+$0x16280]  }
0x26f: {  	v2 =	vld [tilespmem:s20+$0xFFFFFF90]  }
0x270: {  	v7 =	vld [tilespmem:s11+$0xFFFFFFA0]  }
0x271: {  	v8 =	vld [tilespmem:s20+$0xFFFFFFA0]  }
0x272: {  	v9 =	vld [tilespmem:s11+$0xFFFFFFB0]  }
0x273: {  	v10 =	vld [tilespmem:s20+$0xFFFFFFB0]  }
0x274: {  	v11 =	vld [tilespmem:s11+$0xFFFFFFC0]  }
0x275: {  	v12 =	vld [tilespmem:s20+$0xFFFFFFC0]  }
0x276: {  	v13 =	vld [tilespmem:s11+$0xFFFFFFD0]  }
0x277: {  	v14 =	vld [tilespmem:s20+$0xFFFFFFD0]  }
0x278: {  	v15 =	vld [tilespmem:s11+$0xFFFFFFE0]  }
0x279: {  	v16 =	vld [tilespmem:s20+$0xFFFFFFE0]  }
0x27a: {  	v17 =	vld [tilespmem:s11+$0xFFFFFFF0]  }
0x27b: {  	v3 =	vadd.f32 v4, v3;
	v4 =	vld [tilespmem:s20+$0xFFFFFFF0]  }
0x27c: {  	v5 =	vadd.f32 v6, v5;
	v6 =	vld [tilespmem:s11+$0x0]  }
0x27d: {  	[tilespmem:s11+$0x60] =	vst v3;
	v3 =	vadd.f32 v8, v7;
	v7 =	vld [tilespmem:s20+$0x0]  }
0x27e: {  	[tilespmem:s13+$0x17B80] =	vst v5;
	v5 =	vadd.f32 v10, v9;
	v8 =	vld [tilespmem:s11+$0x20]  }
0x27f: {  	v9 =	vld [tilespmem:s20+$0x20];
	[tilespmem:s11+$0xFFFFFFA0] =	vst v3;
	v3 =	vadd.f32 v12, v11  }
0x280: {  	v63 =	vld [tilespmem:s20+$0x30];
	[tilespmem:s11+$0xFFFFFFB0] =	vst v5;
	v5 =	vadd.f32 v14, v13  }
0x281: {  	v10 =	vld [tilespmem:s11+$0x30];
	v11 =	vadd.f32 v16, v15;
	[tilespmem:s11+$0xFFFFFFC0] =	vst v3  }
0x282: {  	v4 =	vadd.f32 v4, v17;
	[tilespmem:s11+$0xFFFFFFD0] =	vst v5;
	v3 =	vld [tilespmem:s11+$0x40]  }
0x283: {  	[tilespmem:s11+$0xFFFFFFE0] =	vst v11;
	v5 =	vld [tilespmem:s20+$0x40];
	v6 =	vadd.f32 v7, v6  }
0x284: {  	[tilespmem:s11+$0xFFFFFFF0] =	vst v4;
	v8 =	vadd.f32 v9, v8;
	v4 =	vld [tilespmem:s11+$0x50]  }
0x285: {  	[tilespmem:s11+$0x0] =	vst v6;
	v6 =	vld [tilespmem:s20+$0x50]  }
0x286: {  	s22 =	simm.s32 $0x0;
	s13 =	simm.s32 $0x17C50;
	v7 =	vld [tilespmem:s11+$0xFFFFFF90];
	[tilespmem:s11+$0x20] =	vst v8;
	v8 =	vadd.f32 v63, v10  }
.LBB2_17:
0x287: {  	v9 =	vld [tilespmem:s13+$0x60];
	s20 =	sadd.s32 $0xE0, s20;
	s21 =	sadd.s32 $0xE0, s21  }
0x288: {  	s14 =	sand.u32 $0xFE0, s21;
	v10 =	vld [tilespmem:s20+$0x60];
	[tilespmem:s11+$0x30] =	vst v8;
	v3 =	vadd.f32 v5, v3  }
0x289: {  	s22 =	sadd.s32 $0xE, s22;
	v5 =	vld [tilespmem:s14+$0x17B80]  }
0x28a: {  	p2 =	slt.u32 s22, $0xB6;
	v8 =	vld [tilespmem:s14+$0x16280];
	[tilespmem:s11+$0x40] =	vst v3;
	v3 =	vadd.f32 v6, v4  }
0x28b: {  	v4 =	vadd.f32 v2, v7;
	v2 =	vld [tilespmem:s20+$0xFFFFFF90]  }
0x28c: {  	v6 =	vld [tilespmem:s13+$0xFFFFFFA0];
	[tilespmem:s11+$0x50] =	vst v3  }
0x28d: {  	v3 =	vld [tilespmem:s20+$0xFFFFFFA0];
	[tilespmem:s11+$0xFFFFFF90] =	vst v4;
	s11 =	smov.u32 s13  }
0x28e: {  	v7 =	vadd.f32 v10, v9;
	v4 =	vld [tilespmem:s13+$0xFFFFFFB0]  }
0x28f: {  	v9 =	vld [tilespmem:s20+$0xFFFFFFB0];
	v5 =	vadd.f32 v8, v5  }
0x290: {  	v8 =	vld [tilespmem:s13+$0xFFFFFFC0];
	[tilespmem:s13+$0x60] =	vst v7  }
0x291: {  	v7 =	vld [tilespmem:s20+$0xFFFFFFC0];
	[tilespmem:s14+$0x17B80] =	vst v5  }
0x292: {  	v3 =	vadd.f32 v3, v6;
	v5 =	vld [tilespmem:s13+$0xFFFFFFD0]  }
0x293: {  	v6 =	vld [tilespmem:s20+$0xFFFFFFD0]  }
0x294: {  	[tilespmem:s13+$0xFFFFFFA0] =	vst v3;
	v3 =	vadd.f32 v9, v4;
	v4 =	vld [tilespmem:s13+$0xFFFFFFE0]  }
0x295: {  	v9 =	vld [tilespmem:s20+$0xFFFFFFE0]  }
0x296: {  	[tilespmem:s13+$0xFFFFFFB0] =	vst v3;
	v3 =	vadd.f32 v7, v8;
	v7 =	vld [tilespmem:s13+$0xFFFFFFF0]  }
0x297: {  	v8 =	vld [tilespmem:s20+$0xFFFFFFF0]  }
0x298: {  	[tilespmem:s13+$0xFFFFFFC0] =	vst v3;
	v3 =	vadd.f32 v6, v5;
	v5 =	vld [tilespmem:s13+$0x0]  }
0x299: {  	v6 =	vld [tilespmem:s20+$0x0]  }
0x29a: {  	[tilespmem:s13+$0xFFFFFFD0] =	vst v3;
	v3 =	vadd.f32 v9, v4;
	v4 =	vld [tilespmem:s13+$0x20]  }
0x29b: {  	v9 =	vld [tilespmem:s20+$0x20]  }
0x29c: {  	[tilespmem:s13+$0xFFFFFFE0] =	vst v3;
	v3 =	vadd.f32 v8, v7;
	v8 =	vld [tilespmem:s13+$0x30]  }
0x29d: {  	v10 =	vld [tilespmem:s20+$0x30]  }
.Ltmp8:
0x29e: {  	[tilespmem:s13+$0xFFFFFFF0] =	vst v3;
	v6 =	vadd.f32 v6, v5;
	v3 =	vld [tilespmem:s13+$0x40];
	(pc) =	sbr.rel @p2 .LBB2_17-.Ltmp8, $4  }
0x29f: {  	v5 =	vld [tilespmem:s20+$0x40]  }
0x2a0: {  	[tilespmem:s13+$0x0] =	vst v6;
	v9 =	vadd.f32 v9, v4;
	v4 =	vld [tilespmem:s13+$0x50]  }
0x2a1: {  	v6 =	vld [tilespmem:s20+$0x50]  }
0x2a2: {  	s13 =	sadd.s32 $0xE0, s13;
	v7 =	vld [tilespmem:s11+$0xFFFFFF90];
	[tilespmem:s11+$0x20] =	vst v9;
	v8 =	vadd.f32 v10, v8  }
0x2a3: {  	_ =	sdelay $0x1  }
0x2a4: {  	v3 =	vadd.f32 v5, v3  }
0x2a5: {  	[tilespmem:s11+$0x30] =	vst v8;
	v4 =	vadd.f32 v6, v4  }
0x2a6: {  	[tilespmem:s11+$0x40] =	vst v3;
	v2 =	vadd.f32 v2, v7  }
0x2a7: {  	[tilespmem:s11+$0x50] =	vst v4  }
0x2a8: {  	[tilespmem:s11+$0xFFFFFF90] =	vst v2  }
0x2a9: {  	_ =	swait.ge [sflag:s5], $0xC40  }
0x2aa: {  	[sflag:s5] =	ssyncset.done $0x0  }
0x2ab: {  	s11 =	simm.s32 $0x17B70;
	[sflag:s5] =	ssyncadd.s32 $0xFFFFF3C0  }
0x2ac: {  	[tilespmem:s6], [sflag:$0x5] =	stream.linear.gather [spmem:s19], $0xC40, $0x38;
	[tilespmem:$0x1E980] =	vst v63  }
0x2ad: {  	s20 =	simm.s32 $0x16EF0;
	s21 =	simm.s32 $0x0;
	v3 =	vld [tilespmem:s11+$0x60]  }
0x2ae: {  	s13 =	sand.u32 $0xFE0, s21;
	v4 =	vld [tilespmem:s20+$0x60]  }
0x2af: {  	v5 =	vld [tilespmem:s13+$0x17B80]  }
0x2b0: {  	v6 =	vld [tilespmem:s13+$0x16F00]  }
0x2b1: {  	v2 =	vld [tilespmem:s20+$0xFFFFFF90]  }
0x2b2: {  	v7 =	vld [tilespmem:s11+$0xFFFFFFA0]  }
0x2b3: {  	v8 =	vld [tilespmem:s20+$0xFFFFFFA0]  }
0x2b4: {  	v9 =	vld [tilespmem:s11+$0xFFFFFFB0]  }
0x2b5: {  	v10 =	vld [tilespmem:s20+$0xFFFFFFB0]  }
0x2b6: {  	v11 =	vld [tilespmem:s11+$0xFFFFFFC0]  }
0x2b7: {  	v12 =	vld [tilespmem:s20+$0xFFFFFFC0]  }
0x2b8: {  	v13 =	vld [tilespmem:s11+$0xFFFFFFD0]  }
0x2b9: {  	v14 =	vld [tilespmem:s20+$0xFFFFFFD0]  }
0x2ba: {  	v15 =	vld [tilespmem:s11+$0xFFFFFFE0]  }
0x2bb: {  	v16 =	vld [tilespmem:s20+$0xFFFFFFE0]  }
0x2bc: {  	v17 =	vld [tilespmem:s11+$0xFFFFFFF0]  }
0x2bd: {  	v3 =	vadd.f32 v4, v3;
	v4 =	vld [tilespmem:s20+$0xFFFFFFF0]  }
0x2be: {  	v5 =	vadd.f32 v6, v5;
	v6 =	vld [tilespmem:s11+$0x0]  }
0x2bf: {  	[tilespmem:s11+$0x60] =	vst v3;
	v3 =	vadd.f32 v8, v7;
	v7 =	vld [tilespmem:s20+$0x0]  }
0x2c0: {  	[tilespmem:s13+$0x17B80] =	vst v5;
	v5 =	vadd.f32 v10, v9;
	v8 =	vld [tilespmem:s11+$0x20]  }
0x2c1: {  	v9 =	vld [tilespmem:s20+$0x20];
	[tilespmem:s11+$0xFFFFFFA0] =	vst v3;
	v3 =	vadd.f32 v12, v11  }
0x2c2: {  	v63 =	vld [tilespmem:s20+$0x30];
	[tilespmem:s11+$0xFFFFFFB0] =	vst v5;
	v5 =	vadd.f32 v14, v13  }
0x2c3: {  	v10 =	vld [tilespmem:s11+$0x30];
	v11 =	vadd.f32 v16, v15;
	[tilespmem:s11+$0xFFFFFFC0] =	vst v3  }
0x2c4: {  	v4 =	vadd.f32 v4, v17;
	[tilespmem:s11+$0xFFFFFFD0] =	vst v5;
	v3 =	vld [tilespmem:s11+$0x40]  }
0x2c5: {  	[tilespmem:s11+$0xFFFFFFE0] =	vst v11;
	v5 =	vld [tilespmem:s20+$0x40];
	v6 =	vadd.f32 v7, v6  }
0x2c6: {  	[tilespmem:s11+$0xFFFFFFF0] =	vst v4;
	v8 =	vadd.f32 v9, v8;
	v4 =	vld [tilespmem:s11+$0x50]  }
0x2c7: {  	[tilespmem:s11+$0x0] =	vst v6;
	v6 =	vld [tilespmem:s20+$0x50]  }
0x2c8: {  	s22 =	simm.s32 $0x0;
	s13 =	simm.s32 $0x17C50;
	v7 =	vld [tilespmem:s11+$0xFFFFFF90];
	[tilespmem:s11+$0x20] =	vst v8;
	v8 =	vadd.f32 v63, v10  }
.LBB2_19:
0x2c9: {  	v9 =	vld [tilespmem:s13+$0x60];
	s20 =	sadd.s32 $0xE0, s20;
	s21 =	sadd.s32 $0xE0, s21  }
0x2ca: {  	s14 =	sand.u32 $0xFE0, s21;
	v10 =	vld [tilespmem:s20+$0x60];
	[tilespmem:s11+$0x30] =	vst v8;
	v3 =	vadd.f32 v5, v3  }
0x2cb: {  	s22 =	sadd.s32 $0xE, s22;
	v5 =	vld [tilespmem:s14+$0x17B80]  }
0x2cc: {  	p2 =	slt.u32 s22, $0xB6;
	v8 =	vld [tilespmem:s14+$0x16F00];
	[tilespmem:s11+$0x40] =	vst v3;
	v3 =	vadd.f32 v6, v4  }
0x2cd: {  	v4 =	vadd.f32 v2, v7;
	v2 =	vld [tilespmem:s20+$0xFFFFFF90]  }
0x2ce: {  	v6 =	vld [tilespmem:s13+$0xFFFFFFA0];
	[tilespmem:s11+$0x50] =	vst v3  }
0x2cf: {  	v3 =	vld [tilespmem:s20+$0xFFFFFFA0];
	[tilespmem:s11+$0xFFFFFF90] =	vst v4;
	s11 =	smov.u32 s13  }
0x2d0: {  	v7 =	vadd.f32 v10, v9;
	v4 =	vld [tilespmem:s13+$0xFFFFFFB0]  }
0x2d1: {  	v9 =	vld [tilespmem:s20+$0xFFFFFFB0];
	v5 =	vadd.f32 v8, v5  }
0x2d2: {  	v8 =	vld [tilespmem:s13+$0xFFFFFFC0];
	[tilespmem:s13+$0x60] =	vst v7  }
0x2d3: {  	v7 =	vld [tilespmem:s20+$0xFFFFFFC0];
	[tilespmem:s14+$0x17B80] =	vst v5  }
0x2d4: {  	v3 =	vadd.f32 v3, v6;
	v5 =	vld [tilespmem:s13+$0xFFFFFFD0]  }
0x2d5: {  	v6 =	vld [tilespmem:s20+$0xFFFFFFD0]  }
0x2d6: {  	[tilespmem:s13+$0xFFFFFFA0] =	vst v3;
	v3 =	vadd.f32 v9, v4;
	v4 =	vld [tilespmem:s13+$0xFFFFFFE0]  }
0x2d7: {  	v9 =	vld [tilespmem:s20+$0xFFFFFFE0]  }
0x2d8: {  	[tilespmem:s13+$0xFFFFFFB0] =	vst v3;
	v3 =	vadd.f32 v7, v8;
	v7 =	vld [tilespmem:s13+$0xFFFFFFF0]  }
0x2d9: {  	v8 =	vld [tilespmem:s20+$0xFFFFFFF0]  }
0x2da: {  	[tilespmem:s13+$0xFFFFFFC0] =	vst v3;
	v3 =	vadd.f32 v6, v5;
	v5 =	vld [tilespmem:s13+$0x0]  }
0x2db: {  	v6 =	vld [tilespmem:s20+$0x0]  }
0x2dc: {  	[tilespmem:s13+$0xFFFFFFD0] =	vst v3;
	v3 =	vadd.f32 v9, v4;
	v4 =	vld [tilespmem:s13+$0x20]  }
0x2dd: {  	v9 =	vld [tilespmem:s20+$0x20]  }
0x2de: {  	[tilespmem:s13+$0xFFFFFFE0] =	vst v3;
	v3 =	vadd.f32 v8, v7;
	v8 =	vld [tilespmem:s13+$0x30]  }
0x2df: {  	v10 =	vld [tilespmem:s20+$0x30]  }
.Ltmp9:
0x2e0: {  	[tilespmem:s13+$0xFFFFFFF0] =	vst v3;
	v6 =	vadd.f32 v6, v5;
	v3 =	vld [tilespmem:s13+$0x40];
	(pc) =	sbr.rel @p2 .LBB2_19-.Ltmp9, $4  }
0x2e1: {  	v5 =	vld [tilespmem:s20+$0x40]  }
0x2e2: {  	[tilespmem:s13+$0x0] =	vst v6;
	v9 =	vadd.f32 v9, v4;
	v4 =	vld [tilespmem:s13+$0x50]  }
0x2e3: {  	v6 =	vld [tilespmem:s20+$0x50]  }
0x2e4: {  	s13 =	sadd.s32 $0xE0, s13;
	v7 =	vld [tilespmem:s11+$0xFFFFFF90];
	[tilespmem:s11+$0x20] =	vst v9;
	v8 =	vadd.f32 v10, v8  }
0x2e5: {  	_ =	sdelay $0x1  }
0x2e6: {  	v3 =	vadd.f32 v5, v3  }
0x2e7: {  	[tilespmem:s11+$0x30] =	vst v8;
	v4 =	vadd.f32 v6, v4  }
0x2e8: {  	[tilespmem:s11+$0x40] =	vst v3;
	v2 =	vadd.f32 v2, v7  }
0x2e9: {  	[tilespmem:s11+$0x50] =	vst v4  }
0x2ea: {  	[tilespmem:s11+$0xFFFFFF90] =	vst v2  }
0x2eb: {  	_ =	swait.ge [sflag:s7], $0xC40  }
0x2ec: {  	[sflag:s7] =	ssyncset.done $0x0  }
0x2ed: {  	s11 =	simm.s32 $0x17B70;
	[sflag:s7] =	ssyncadd.s32 $0xFFFFF3C0  }
0x2ee: {  	[tilespmem:s3], [sflag:$0x6] =	stream.linear.gather [spmem:s18], $0xC40, $0x38;
	[tilespmem:$0x1E980] =	vst v63  }
0x2ef: {  	s20 =	simm.s32 $0x16270;
	s21 =	simm.s32 $0x0;
	v3 =	vld [tilespmem:s11+$0x60]  }
0x2f0: {  	s13 =	sand.u32 $0xFE0, s21;
	v4 =	vld [tilespmem:s20+$0x60]  }
0x2f1: {  	v5 =	vld [tilespmem:s13+$0x17B80]  }
0x2f2: {  	v6 =	vld [tilespmem:s13+$0x16280]  }
0x2f3: {  	v2 =	vld [tilespmem:s20+$0xFFFFFF90]  }
0x2f4: {  	v7 =	vld [tilespmem:s11+$0xFFFFFFA0]  }
0x2f5: {  	v8 =	vld [tilespmem:s20+$0xFFFFFFA0]  }
0x2f6: {  	v9 =	vld [tilespmem:s11+$0xFFFFFFB0]  }
0x2f7: {  	v10 =	vld [tilespmem:s20+$0xFFFFFFB0]  }
0x2f8: {  	v11 =	vld [tilespmem:s11+$0xFFFFFFC0]  }
0x2f9: {  	v12 =	vld [tilespmem:s20+$0xFFFFFFC0]  }
0x2fa: {  	v13 =	vld [tilespmem:s11+$0xFFFFFFD0]  }
0x2fb: {  	v14 =	vld [tilespmem:s20+$0xFFFFFFD0]  }
0x2fc: {  	v15 =	vld [tilespmem:s11+$0xFFFFFFE0]  }
0x2fd: {  	v16 =	vld [tilespmem:s20+$0xFFFFFFE0]  }
0x2fe: {  	v17 =	vld [tilespmem:s11+$0xFFFFFFF0]  }
0x2ff: {  	v3 =	vadd.f32 v4, v3;
	v4 =	vld [tilespmem:s20+$0xFFFFFFF0]  }
0x300: {  	v5 =	vadd.f32 v6, v5;
	v6 =	vld [tilespmem:s11+$0x0]  }
0x301: {  	[tilespmem:s11+$0x60] =	vst v3;
	v3 =	vadd.f32 v8, v7;
	v7 =	vld [tilespmem:s20+$0x0]  }
0x302: {  	[tilespmem:s13+$0x17B80] =	vst v5;
	v5 =	vadd.f32 v10, v9;
	v8 =	vld [tilespmem:s11+$0x20]  }
0x303: {  	v9 =	vld [tilespmem:s20+$0x20];
	[tilespmem:s11+$0xFFFFFFA0] =	vst v3;
	v3 =	vadd.f32 v12, v11  }
0x304: {  	v63 =	vld [tilespmem:s20+$0x30];
	[tilespmem:s11+$0xFFFFFFB0] =	vst v5;
	v5 =	vadd.f32 v14, v13  }
0x305: {  	v10 =	vld [tilespmem:s11+$0x30];
	v11 =	vadd.f32 v16, v15;
	[tilespmem:s11+$0xFFFFFFC0] =	vst v3  }
0x306: {  	v4 =	vadd.f32 v4, v17;
	[tilespmem:s11+$0xFFFFFFD0] =	vst v5;
	v3 =	vld [tilespmem:s11+$0x40]  }
0x307: {  	[tilespmem:s11+$0xFFFFFFE0] =	vst v11;
	v5 =	vld [tilespmem:s20+$0x40];
	v6 =	vadd.f32 v7, v6  }
0x308: {  	[tilespmem:s11+$0xFFFFFFF0] =	vst v4;
	v8 =	vadd.f32 v9, v8;
	v4 =	vld [tilespmem:s11+$0x50]  }
0x309: {  	[tilespmem:s11+$0x0] =	vst v6;
	v6 =	vld [tilespmem:s20+$0x50]  }
0x30a: {  	s22 =	simm.s32 $0x0;
	s13 =	simm.s32 $0x17C50;
	v7 =	vld [tilespmem:s11+$0xFFFFFF90];
	[tilespmem:s11+$0x20] =	vst v8;
	v8 =	vadd.f32 v63, v10  }
.LBB2_21:
0x30b: {  	v9 =	vld [tilespmem:s13+$0x60];
	s20 =	sadd.s32 $0xE0, s20;
	s21 =	sadd.s32 $0xE0, s21  }
0x30c: {  	s14 =	sand.u32 $0xFE0, s21;
	v10 =	vld [tilespmem:s20+$0x60];
	[tilespmem:s11+$0x30] =	vst v8;
	v3 =	vadd.f32 v5, v3  }
0x30d: {  	s22 =	sadd.s32 $0xE, s22;
	v5 =	vld [tilespmem:s14+$0x17B80]  }
0x30e: {  	p2 =	slt.u32 s22, $0xB6;
	v8 =	vld [tilespmem:s14+$0x16280];
	[tilespmem:s11+$0x40] =	vst v3;
	v3 =	vadd.f32 v6, v4  }
0x30f: {  	v4 =	vadd.f32 v2, v7;
	v2 =	vld [tilespmem:s20+$0xFFFFFF90]  }
0x310: {  	v6 =	vld [tilespmem:s13+$0xFFFFFFA0];
	[tilespmem:s11+$0x50] =	vst v3  }
0x311: {  	v3 =	vld [tilespmem:s20+$0xFFFFFFA0];
	[tilespmem:s11+$0xFFFFFF90] =	vst v4;
	s11 =	smov.u32 s13  }
0x312: {  	v7 =	vadd.f32 v10, v9;
	v4 =	vld [tilespmem:s13+$0xFFFFFFB0]  }
0x313: {  	v9 =	vld [tilespmem:s20+$0xFFFFFFB0];
	v5 =	vadd.f32 v8, v5  }
0x314: {  	v8 =	vld [tilespmem:s13+$0xFFFFFFC0];
	[tilespmem:s13+$0x60] =	vst v7  }
0x315: {  	v7 =	vld [tilespmem:s20+$0xFFFFFFC0];
	[tilespmem:s14+$0x17B80] =	vst v5  }
0x316: {  	v3 =	vadd.f32 v3, v6;
	v5 =	vld [tilespmem:s13+$0xFFFFFFD0]  }
0x317: {  	v6 =	vld [tilespmem:s20+$0xFFFFFFD0]  }
0x318: {  	[tilespmem:s13+$0xFFFFFFA0] =	vst v3;
	v3 =	vadd.f32 v9, v4;
	v4 =	vld [tilespmem:s13+$0xFFFFFFE0]  }
0x319: {  	v9 =	vld [tilespmem:s20+$0xFFFFFFE0]  }
0x31a: {  	[tilespmem:s13+$0xFFFFFFB0] =	vst v3;
	v3 =	vadd.f32 v7, v8;
	v7 =	vld [tilespmem:s13+$0xFFFFFFF0]  }
0x31b: {  	v8 =	vld [tilespmem:s20+$0xFFFFFFF0]  }
0x31c: {  	[tilespmem:s13+$0xFFFFFFC0] =	vst v3;
	v3 =	vadd.f32 v6, v5;
	v5 =	vld [tilespmem:s13+$0x0]  }
0x31d: {  	v6 =	vld [tilespmem:s20+$0x0]  }
0x31e: {  	[tilespmem:s13+$0xFFFFFFD0] =	vst v3;
	v3 =	vadd.f32 v9, v4;
	v4 =	vld [tilespmem:s13+$0x20]  }
0x31f: {  	v9 =	vld [tilespmem:s20+$0x20]  }
0x320: {  	[tilespmem:s13+$0xFFFFFFE0] =	vst v3;
	v3 =	vadd.f32 v8, v7;
	v8 =	vld [tilespmem:s13+$0x30]  }
0x321: {  	v10 =	vld [tilespmem:s20+$0x30]  }
.Ltmp10:
0x322: {  	[tilespmem:s13+$0xFFFFFFF0] =	vst v3;
	v6 =	vadd.f32 v6, v5;
	v3 =	vld [tilespmem:s13+$0x40];
	(pc) =	sbr.rel @p2 .LBB2_21-.Ltmp10, $4  }
0x323: {  	v5 =	vld [tilespmem:s20+$0x40]  }
0x324: {  	[tilespmem:s13+$0x0] =	vst v6;
	v9 =	vadd.f32 v9, v4;
	v4 =	vld [tilespmem:s13+$0x50]  }
0x325: {  	v6 =	vld [tilespmem:s20+$0x50]  }
0x326: {  	s13 =	sadd.s32 $0xE0, s13;
	v7 =	vld [tilespmem:s11+$0xFFFFFF90];
	[tilespmem:s11+$0x20] =	vst v9;
	v8 =	vadd.f32 v10, v8  }
0x327: {  	_ =	sdelay $0x1  }
0x328: {  	v3 =	vadd.f32 v5, v3  }
0x329: {  	[tilespmem:s11+$0x30] =	vst v8;
	v4 =	vadd.f32 v6, v4  }
0x32a: {  	[tilespmem:s11+$0x40] =	vst v3;
	v2 =	vadd.f32 v2, v7  }
0x32b: {  	[tilespmem:s11+$0x50] =	vst v4  }
0x32c: {  	[tilespmem:s11+$0xFFFFFF90] =	vst v2  }
0x32d: {  	_ =	swait.ge [sflag:s5], $0xC40  }
0x32e: {  	[sflag:s5] =	ssyncset.done $0x0  }
0x32f: {  	s11 =	simm.s32 $0x17B70;
	[sflag:s5] =	ssyncadd.s32 $0xFFFFF3C0  }
0x330: {  	s20 =	simm.s32 $0x16EF0;
	s21 =	simm.s32 $0x0;
	v3 =	vld [tilespmem:s11+$0x60]  }
0x331: {  	s13 =	sand.u32 $0xFE0, s21;
	v4 =	vld [tilespmem:s20+$0x60]  }
0x332: {  	v5 =	vld [tilespmem:s13+$0x17B80]  }
0x333: {  	v6 =	vld [tilespmem:s13+$0x16F00]  }
0x334: {  	v2 =	vld [tilespmem:s20+$0xFFFFFF90]  }
0x335: {  	v7 =	vld [tilespmem:s11+$0xFFFFFFA0]  }
0x336: {  	v8 =	vld [tilespmem:s20+$0xFFFFFFA0]  }
0x337: {  	v9 =	vld [tilespmem:s11+$0xFFFFFFB0]  }
0x338: {  	v10 =	vld [tilespmem:s20+$0xFFFFFFB0]  }
0x339: {  	v11 =	vld [tilespmem:s11+$0xFFFFFFC0]  }
0x33a: {  	v12 =	vld [tilespmem:s20+$0xFFFFFFC0]  }
0x33b: {  	v13 =	vld [tilespmem:s11+$0xFFFFFFD0]  }
0x33c: {  	v14 =	vld [tilespmem:s20+$0xFFFFFFD0]  }
0x33d: {  	v15 =	vld [tilespmem:s11+$0xFFFFFFE0]  }
0x33e: {  	v16 =	vld [tilespmem:s20+$0xFFFFFFE0]  }
0x33f: {  	v17 =	vld [tilespmem:s11+$0xFFFFFFF0]  }
0x340: {  	v3 =	vadd.f32 v4, v3;
	v4 =	vld [tilespmem:s20+$0xFFFFFFF0]  }
0x341: {  	v5 =	vadd.f32 v6, v5;
	v6 =	vld [tilespmem:s11+$0x0]  }
0x342: {  	[tilespmem:s11+$0x60] =	vst v3;
	v3 =	vadd.f32 v8, v7;
	v7 =	vld [tilespmem:s20+$0x0]  }
0x343: {  	[tilespmem:s13+$0x17B80] =	vst v5;
	v5 =	vadd.f32 v10, v9;
	v8 =	vld [tilespmem:s11+$0x20]  }
0x344: {  	v9 =	vld [tilespmem:s20+$0x20];
	[tilespmem:s11+$0xFFFFFFA0] =	vst v3;
	v3 =	vadd.f32 v12, v11  }
0x345: {  	v63 =	vld [tilespmem:s20+$0x30];
	[tilespmem:s11+$0xFFFFFFB0] =	vst v5;
	v5 =	vadd.f32 v14, v13  }
0x346: {  	v10 =	vld [tilespmem:s11+$0x30];
	v11 =	vadd.f32 v16, v15;
	[tilespmem:s11+$0xFFFFFFC0] =	vst v3  }
0x347: {  	v4 =	vadd.f32 v4, v17;
	[tilespmem:s11+$0xFFFFFFD0] =	vst v5;
	v3 =	vld [tilespmem:s11+$0x40]  }
0x348: {  	[tilespmem:s11+$0xFFFFFFE0] =	vst v11;
	v5 =	vld [tilespmem:s20+$0x40];
	v6 =	vadd.f32 v7, v6  }
0x349: {  	[tilespmem:s11+$0xFFFFFFF0] =	vst v4;
	v8 =	vadd.f32 v9, v8;
	v4 =	vld [tilespmem:s11+$0x50]  }
0x34a: {  	[tilespmem:s11+$0x0] =	vst v6;
	v6 =	vld [tilespmem:s20+$0x50]  }
0x34b: {  	s22 =	simm.s32 $0x0;
	s13 =	simm.s32 $0x17C50;
	v7 =	vld [tilespmem:s11+$0xFFFFFF90];
	[tilespmem:s11+$0x20] =	vst v8;
	v8 =	vadd.f32 v63, v10  }
.LBB2_23:
0x34c: {  	v9 =	vld [tilespmem:s13+$0x60];
	s20 =	sadd.s32 $0xE0, s20;
	s21 =	sadd.s32 $0xE0, s21  }
0x34d: {  	s14 =	sand.u32 $0xFE0, s21;
	v10 =	vld [tilespmem:s20+$0x60];
	[tilespmem:s11+$0x30] =	vst v8;
	v3 =	vadd.f32 v5, v3  }
0x34e: {  	s22 =	sadd.s32 $0xE, s22;
	v5 =	vld [tilespmem:s14+$0x17B80]  }
0x34f: {  	p2 =	slt.u32 s22, $0xB6;
	v8 =	vld [tilespmem:s14+$0x16F00];
	[tilespmem:s11+$0x40] =	vst v3;
	v3 =	vadd.f32 v6, v4  }
0x350: {  	v4 =	vadd.f32 v2, v7;
	v2 =	vld [tilespmem:s20+$0xFFFFFF90]  }
0x351: {  	v6 =	vld [tilespmem:s13+$0xFFFFFFA0];
	[tilespmem:s11+$0x50] =	vst v3  }
0x352: {  	v3 =	vld [tilespmem:s20+$0xFFFFFFA0];
	[tilespmem:s11+$0xFFFFFF90] =	vst v4;
	s11 =	smov.u32 s13  }
0x353: {  	v7 =	vadd.f32 v10, v9;
	v4 =	vld [tilespmem:s13+$0xFFFFFFB0]  }
0x354: {  	v9 =	vld [tilespmem:s20+$0xFFFFFFB0];
	v5 =	vadd.f32 v8, v5  }
0x355: {  	v8 =	vld [tilespmem:s13+$0xFFFFFFC0];
	[tilespmem:s13+$0x60] =	vst v7  }
0x356: {  	v7 =	vld [tilespmem:s20+$0xFFFFFFC0];
	[tilespmem:s14+$0x17B80] =	vst v5  }
0x357: {  	v3 =	vadd.f32 v3, v6;
	v5 =	vld [tilespmem:s13+$0xFFFFFFD0]  }
0x358: {  	v6 =	vld [tilespmem:s20+$0xFFFFFFD0]  }
0x359: {  	[tilespmem:s13+$0xFFFFFFA0] =	vst v3;
	v3 =	vadd.f32 v9, v4;
	v4 =	vld [tilespmem:s13+$0xFFFFFFE0]  }
0x35a: {  	v9 =	vld [tilespmem:s20+$0xFFFFFFE0]  }
0x35b: {  	[tilespmem:s13+$0xFFFFFFB0] =	vst v3;
	v3 =	vadd.f32 v7, v8;
	v7 =	vld [tilespmem:s13+$0xFFFFFFF0]  }
0x35c: {  	v8 =	vld [tilespmem:s20+$0xFFFFFFF0]  }
0x35d: {  	[tilespmem:s13+$0xFFFFFFC0] =	vst v3;
	v3 =	vadd.f32 v6, v5;
	v5 =	vld [tilespmem:s13+$0x0]  }
0x35e: {  	v6 =	vld [tilespmem:s20+$0x0]  }
0x35f: {  	[tilespmem:s13+$0xFFFFFFD0] =	vst v3;
	v3 =	vadd.f32 v9, v4;
	v4 =	vld [tilespmem:s13+$0x20]  }
0x360: {  	v9 =	vld [tilespmem:s20+$0x20]  }
0x361: {  	[tilespmem:s13+$0xFFFFFFE0] =	vst v3;
	v3 =	vadd.f32 v8, v7;
	v8 =	vld [tilespmem:s13+$0x30]  }
0x362: {  	v10 =	vld [tilespmem:s20+$0x30]  }
.Ltmp11:
0x363: {  	[tilespmem:s13+$0xFFFFFFF0] =	vst v3;
	v6 =	vadd.f32 v6, v5;
	v3 =	vld [tilespmem:s13+$0x40];
	(pc) =	sbr.rel @p2 .LBB2_23-.Ltmp11, $4  }
0x364: {  	v5 =	vld [tilespmem:s20+$0x40]  }
0x365: {  	[tilespmem:s13+$0x0] =	vst v6;
	v9 =	vadd.f32 v9, v4;
	v4 =	vld [tilespmem:s13+$0x50]  }
0x366: {  	v6 =	vld [tilespmem:s20+$0x50]  }
0x367: {  	s13 =	sadd.s32 $0xE0, s13;
	v7 =	vld [tilespmem:s11+$0xFFFFFF90];
	[tilespmem:s11+$0x20] =	vst v9;
	v8 =	vadd.f32 v10, v8  }
0x368: {  	_ =	sdelay $0x1  }
0x369: {  	v3 =	vadd.f32 v5, v3  }
0x36a: {  	[tilespmem:s11+$0x30] =	vst v8;
	v4 =	vadd.f32 v6, v4  }
0x36b: {  	[tilespmem:s11+$0x40] =	vst v3;
	v2 =	vadd.f32 v2, v7  }
0x36c: {  	[tilespmem:s11+$0x50] =	vst v4  }
0x36d: {  	[tilespmem:s11+$0xFFFFFF90] =	vst v2  }
0x36e: {  	[bflag:$0x0] =	sbarrier.arrive $0xFFFF  }
0x36f: {  	s11 =	simm.s32 @!p1 $0x0;
	s12 =	rddreg [dreg:$0xe]  }
0x370: {  	[spmem:s12] =	stream.linear.scatter @!p1 [tilespmem:s11], [sflag:$0x7], $0xC400, $0x38;
	[tilespmem:$0x1E980] =	vst v63  }
0x371: {  	s11 =	simm.s32 @!p1 $0x7  }
0x372: {  	_ =	swait.ge @!p1 [sflag:s11], $0xC400  }
0x373: {  	[sflag:s11] =	ssyncset.done @!p1 $0x0  }
0x374: {  	[sflag:s11] =	ssyncadd.s32 @!p1 $0xFFFF3C00  }
0x375: {  	[bflag:$0x0] =	sbarrier.arrive $0xFFFF  }
0x376: {  	s21 =	rddreg [dreg:$0xd]  }
0x377: {  	[tilespmem:s6], [sflag:$0x5] =	stream.linear.gather [spmem:s21], $0xC40, $0x38;
	[tilespmem:$0x1E980] =	vst v63  }
0x378: {  	_ =	swait.ge [sflag:s7], $0xC40  }
0x379: {  	[sflag:s7] =	ssyncset.done $0x0  }
0x37a: {  	s11 =	simm.s32 $0x17B70;
	s22 =	rddreg [dreg:$0xa];
	[sflag:s7] =	ssyncadd.s32 $0xFFFFF3C0  }
0x37b: {  	[tilespmem:s3], [sflag:$0x6] =	stream.linear.gather [spmem:s22], $0xC40, $0x38;
	[tilespmem:$0x1E980] =	vst v63  }
0x37c: {  	s20 =	simm.s32 $0x16270;
	s21 =	simm.s32 $0x0;
	v3 =	vld [tilespmem:s11+$0x60]  }
0x37d: {  	s13 =	sand.u32 $0xFE0, s21;
	v4 =	vld [tilespmem:s20+$0x60]  }
0x37e: {  	v5 =	vld [tilespmem:s13+$0x17B80]  }
0x37f: {  	v6 =	vld [tilespmem:s13+$0x16280]  }
0x380: {  	v2 =	vld [tilespmem:s20+$0xFFFFFF90]  }
0x381: {  	v7 =	vld [tilespmem:s11+$0xFFFFFFA0]  }
0x382: {  	v8 =	vld [tilespmem:s20+$0xFFFFFFA0]  }
0x383: {  	v9 =	vld [tilespmem:s11+$0xFFFFFFB0]  }
0x384: {  	v10 =	vld [tilespmem:s20+$0xFFFFFFB0]  }
0x385: {  	v11 =	vld [tilespmem:s11+$0xFFFFFFC0]  }
0x386: {  	v12 =	vld [tilespmem:s20+$0xFFFFFFC0]  }
0x387: {  	v13 =	vld [tilespmem:s11+$0xFFFFFFD0]  }
0x388: {  	v14 =	vld [tilespmem:s20+$0xFFFFFFD0]  }
0x389: {  	v15 =	vld [tilespmem:s11+$0xFFFFFFE0]  }
0x38a: {  	v16 =	vld [tilespmem:s20+$0xFFFFFFE0]  }
0x38b: {  	v17 =	vld [tilespmem:s11+$0xFFFFFFF0]  }
0x38c: {  	v3 =	vadd.f32 v4, v3;
	v4 =	vld [tilespmem:s20+$0xFFFFFFF0]  }
0x38d: {  	v5 =	vadd.f32 v6, v5;
	v6 =	vld [tilespmem:s11+$0x0]  }
0x38e: {  	[tilespmem:s11+$0x60] =	vst v3;
	v3 =	vadd.f32 v8, v7;
	v7 =	vld [tilespmem:s20+$0x0]  }
0x38f: {  	[tilespmem:s13+$0x17B80] =	vst v5;
	v5 =	vadd.f32 v10, v9;
	v8 =	vld [tilespmem:s11+$0x20]  }
0x390: {  	v9 =	vld [tilespmem:s20+$0x20];
	[tilespmem:s11+$0xFFFFFFA0] =	vst v3;
	v3 =	vadd.f32 v12, v11  }
0x391: {  	v63 =	vld [tilespmem:s20+$0x30];
	[tilespmem:s11+$0xFFFFFFB0] =	vst v5;
	v5 =	vadd.f32 v14, v13  }
0x392: {  	v10 =	vld [tilespmem:s11+$0x30];
	v11 =	vadd.f32 v16, v15;
	[tilespmem:s11+$0xFFFFFFC0] =	vst v3  }
0x393: {  	v4 =	vadd.f32 v4, v17;
	[tilespmem:s11+$0xFFFFFFD0] =	vst v5;
	v3 =	vld [tilespmem:s11+$0x40]  }
0x394: {  	[tilespmem:s11+$0xFFFFFFE0] =	vst v11;
	v5 =	vld [tilespmem:s20+$0x40];
	v6 =	vadd.f32 v7, v6  }
0x395: {  	[tilespmem:s11+$0xFFFFFFF0] =	vst v4;
	v8 =	vadd.f32 v9, v8;
	v4 =	vld [tilespmem:s11+$0x50]  }
0x396: {  	[tilespmem:s11+$0x0] =	vst v6;
	v6 =	vld [tilespmem:s20+$0x50]  }
0x397: {  	s22 =	simm.s32 $0x0;
	s13 =	simm.s32 $0x17C50;
	v7 =	vld [tilespmem:s11+$0xFFFFFF90];
	[tilespmem:s11+$0x20] =	vst v8;
	v8 =	vadd.f32 v63, v10  }
.LBB2_25:
0x398: {  	v9 =	vld [tilespmem:s13+$0x60];
	s20 =	sadd.s32 $0xE0, s20;
	s21 =	sadd.s32 $0xE0, s21  }
0x399: {  	s14 =	sand.u32 $0xFE0, s21;
	v10 =	vld [tilespmem:s20+$0x60];
	[tilespmem:s11+$0x30] =	vst v8;
	v3 =	vadd.f32 v5, v3  }
0x39a: {  	s22 =	sadd.s32 $0xE, s22;
	v5 =	vld [tilespmem:s14+$0x17B80]  }
0x39b: {  	p2 =	slt.u32 s22, $0xB6;
	v8 =	vld [tilespmem:s14+$0x16280];
	[tilespmem:s11+$0x40] =	vst v3;
	v3 =	vadd.f32 v6, v4  }
0x39c: {  	v4 =	vadd.f32 v2, v7;
	v2 =	vld [tilespmem:s20+$0xFFFFFF90]  }
0x39d: {  	v6 =	vld [tilespmem:s13+$0xFFFFFFA0];
	[tilespmem:s11+$0x50] =	vst v3  }
0x39e: {  	v3 =	vld [tilespmem:s20+$0xFFFFFFA0];
	[tilespmem:s11+$0xFFFFFF90] =	vst v4;
	s11 =	smov.u32 s13  }
0x39f: {  	v7 =	vadd.f32 v10, v9;
	v4 =	vld [tilespmem:s13+$0xFFFFFFB0]  }
0x3a0: {  	v9 =	vld [tilespmem:s20+$0xFFFFFFB0];
	v5 =	vadd.f32 v8, v5  }
0x3a1: {  	v8 =	vld [tilespmem:s13+$0xFFFFFFC0];
	[tilespmem:s13+$0x60] =	vst v7  }
0x3a2: {  	v7 =	vld [tilespmem:s20+$0xFFFFFFC0];
	[tilespmem:s14+$0x17B80] =	vst v5  }
0x3a3: {  	v3 =	vadd.f32 v3, v6;
	v5 =	vld [tilespmem:s13+$0xFFFFFFD0]  }
0x3a4: {  	v6 =	vld [tilespmem:s20+$0xFFFFFFD0]  }
0x3a5: {  	[tilespmem:s13+$0xFFFFFFA0] =	vst v3;
	v3 =	vadd.f32 v9, v4;
	v4 =	vld [tilespmem:s13+$0xFFFFFFE0]  }
0x3a6: {  	v9 =	vld [tilespmem:s20+$0xFFFFFFE0]  }
0x3a7: {  	[tilespmem:s13+$0xFFFFFFB0] =	vst v3;
	v3 =	vadd.f32 v7, v8;
	v7 =	vld [tilespmem:s13+$0xFFFFFFF0]  }
0x3a8: {  	v8 =	vld [tilespmem:s20+$0xFFFFFFF0]  }
0x3a9: {  	[tilespmem:s13+$0xFFFFFFC0] =	vst v3;
	v3 =	vadd.f32 v6, v5;
	v5 =	vld [tilespmem:s13+$0x0]  }
0x3aa: {  	v6 =	vld [tilespmem:s20+$0x0]  }
0x3ab: {  	[tilespmem:s13+$0xFFFFFFD0] =	vst v3;
	v3 =	vadd.f32 v9, v4;
	v4 =	vld [tilespmem:s13+$0x20]  }
0x3ac: {  	v9 =	vld [tilespmem:s20+$0x20]  }
0x3ad: {  	[tilespmem:s13+$0xFFFFFFE0] =	vst v3;
	v3 =	vadd.f32 v8, v7;
	v8 =	vld [tilespmem:s13+$0x30]  }
0x3ae: {  	v10 =	vld [tilespmem:s20+$0x30]  }
.Ltmp12:
0x3af: {  	[tilespmem:s13+$0xFFFFFFF0] =	vst v3;
	v6 =	vadd.f32 v6, v5;
	v3 =	vld [tilespmem:s13+$0x40];
	(pc) =	sbr.rel @p2 .LBB2_25-.Ltmp12, $4  }
0x3b0: {  	v5 =	vld [tilespmem:s20+$0x40]  }
0x3b1: {  	[tilespmem:s13+$0x0] =	vst v6;
	v9 =	vadd.f32 v9, v4;
	v4 =	vld [tilespmem:s13+$0x50]  }
0x3b2: {  	v6 =	vld [tilespmem:s20+$0x50]  }
0x3b3: {  	s13 =	sadd.s32 $0xE0, s13;
	v7 =	vld [tilespmem:s11+$0xFFFFFF90];
	[tilespmem:s11+$0x20] =	vst v9;
	v8 =	vadd.f32 v10, v8  }
0x3b4: {  	_ =	sdelay $0x1  }
0x3b5: {  	v3 =	vadd.f32 v5, v3  }
0x3b6: {  	[tilespmem:s11+$0x30] =	vst v8;
	v4 =	vadd.f32 v6, v4  }
0x3b7: {  	[tilespmem:s11+$0x40] =	vst v3;
	v2 =	vadd.f32 v2, v7  }
0x3b8: {  	[tilespmem:s11+$0x50] =	vst v4  }
0x3b9: {  	[tilespmem:s11+$0xFFFFFF90] =	vst v2  }
0x3ba: {  	_ =	swait.ge [sflag:s5], $0xC40  }
0x3bb: {  	[sflag:s5] =	ssyncset.done $0x0  }
0x3bc: {  	s11 =	simm.s32 $0x17B70;
	s22 =	rddreg [dreg:$0xb];
	[sflag:s5] =	ssyncadd.s32 $0xFFFFF3C0  }
0x3bd: {  	[tilespmem:s6], [sflag:$0x5] =	stream.linear.gather [spmem:s22], $0xC40, $0x38;
	[tilespmem:$0x1E980] =	vst v63  }
0x3be: {  	s20 =	simm.s32 $0x16EF0;
	s21 =	simm.s32 $0x0;
	v3 =	vld [tilespmem:s11+$0x60]  }
0x3bf: {  	s13 =	sand.u32 $0xFE0, s21;
	v4 =	vld [tilespmem:s20+$0x60]  }
0x3c0: {  	v5 =	vld [tilespmem:s13+$0x17B80]  }
0x3c1: {  	v6 =	vld [tilespmem:s13+$0x16F00]  }
0x3c2: {  	v2 =	vld [tilespmem:s20+$0xFFFFFF90]  }
0x3c3: {  	v7 =	vld [tilespmem:s11+$0xFFFFFFA0]  }
0x3c4: {  	v8 =	vld [tilespmem:s20+$0xFFFFFFA0]  }
0x3c5: {  	v9 =	vld [tilespmem:s11+$0xFFFFFFB0]  }
0x3c6: {  	v10 =	vld [tilespmem:s20+$0xFFFFFFB0]  }
0x3c7: {  	v11 =	vld [tilespmem:s11+$0xFFFFFFC0]  }
0x3c8: {  	v12 =	vld [tilespmem:s20+$0xFFFFFFC0]  }
0x3c9: {  	v13 =	vld [tilespmem:s11+$0xFFFFFFD0]  }
0x3ca: {  	v14 =	vld [tilespmem:s20+$0xFFFFFFD0]  }
0x3cb: {  	v15 =	vld [tilespmem:s11+$0xFFFFFFE0]  }
0x3cc: {  	v16 =	vld [tilespmem:s20+$0xFFFFFFE0]  }
0x3cd: {  	v17 =	vld [tilespmem:s11+$0xFFFFFFF0]  }
0x3ce: {  	v3 =	vadd.f32 v4, v3;
	v4 =	vld [tilespmem:s20+$0xFFFFFFF0]  }
0x3cf: {  	v5 =	vadd.f32 v6, v5;
	v6 =	vld [tilespmem:s11+$0x0]  }
0x3d0: {  	[tilespmem:s11+$0x60] =	vst v3;
	v3 =	vadd.f32 v8, v7;
	v7 =	vld [tilespmem:s20+$0x0]  }
0x3d1: {  	[tilespmem:s13+$0x17B80] =	vst v5;
	v5 =	vadd.f32 v10, v9;
	v8 =	vld [tilespmem:s11+$0x20]  }
0x3d2: {  	v9 =	vld [tilespmem:s20+$0x20];
	[tilespmem:s11+$0xFFFFFFA0] =	vst v3;
	v3 =	vadd.f32 v12, v11  }
0x3d3: {  	v63 =	vld [tilespmem:s20+$0x30];
	[tilespmem:s11+$0xFFFFFFB0] =	vst v5;
	v5 =	vadd.f32 v14, v13  }
0x3d4: {  	v10 =	vld [tilespmem:s11+$0x30];
	v11 =	vadd.f32 v16, v15;
	[tilespmem:s11+$0xFFFFFFC0] =	vst v3  }
0x3d5: {  	v4 =	vadd.f32 v4, v17;
	[tilespmem:s11+$0xFFFFFFD0] =	vst v5;
	v3 =	vld [tilespmem:s11+$0x40]  }
0x3d6: {  	[tilespmem:s11+$0xFFFFFFE0] =	vst v11;
	v5 =	vld [tilespmem:s20+$0x40];
	v6 =	vadd.f32 v7, v6  }
0x3d7: {  	[tilespmem:s11+$0xFFFFFFF0] =	vst v4;
	v8 =	vadd.f32 v9, v8;
	v4 =	vld [tilespmem:s11+$0x50]  }
0x3d8: {  	[tilespmem:s11+$0x0] =	vst v6;
	v6 =	vld [tilespmem:s20+$0x50]  }
0x3d9: {  	s22 =	simm.s32 $0x0;
	s13 =	simm.s32 $0x17C50;
	v7 =	vld [tilespmem:s11+$0xFFFFFF90];
	[tilespmem:s11+$0x20] =	vst v8;
	v8 =	vadd.f32 v63, v10  }
.LBB2_27:
0x3da: {  	v9 =	vld [tilespmem:s13+$0x60];
	s20 =	sadd.s32 $0xE0, s20;
	s21 =	sadd.s32 $0xE0, s21  }
0x3db: {  	s14 =	sand.u32 $0xFE0, s21;
	v10 =	vld [tilespmem:s20+$0x60];
	[tilespmem:s11+$0x30] =	vst v8;
	v3 =	vadd.f32 v5, v3  }
0x3dc: {  	s22 =	sadd.s32 $0xE, s22;
	v5 =	vld [tilespmem:s14+$0x17B80]  }
0x3dd: {  	p2 =	slt.u32 s22, $0xB6;
	v8 =	vld [tilespmem:s14+$0x16F00];
	[tilespmem:s11+$0x40] =	vst v3;
	v3 =	vadd.f32 v6, v4  }
0x3de: {  	v4 =	vadd.f32 v2, v7;
	v2 =	vld [tilespmem:s20+$0xFFFFFF90]  }
0x3df: {  	v6 =	vld [tilespmem:s13+$0xFFFFFFA0];
	[tilespmem:s11+$0x50] =	vst v3  }
0x3e0: {  	v3 =	vld [tilespmem:s20+$0xFFFFFFA0];
	[tilespmem:s11+$0xFFFFFF90] =	vst v4;
	s11 =	smov.u32 s13  }
0x3e1: {  	v7 =	vadd.f32 v10, v9;
	v4 =	vld [tilespmem:s13+$0xFFFFFFB0]  }
0x3e2: {  	v9 =	vld [tilespmem:s20+$0xFFFFFFB0];
	v5 =	vadd.f32 v8, v5  }
0x3e3: {  	v8 =	vld [tilespmem:s13+$0xFFFFFFC0];
	[tilespmem:s13+$0x60] =	vst v7  }
0x3e4: {  	v7 =	vld [tilespmem:s20+$0xFFFFFFC0];
	[tilespmem:s14+$0x17B80] =	vst v5  }
0x3e5: {  	v3 =	vadd.f32 v3, v6;
	v5 =	vld [tilespmem:s13+$0xFFFFFFD0]  }
0x3e6: {  	v6 =	vld [tilespmem:s20+$0xFFFFFFD0]  }
0x3e7: {  	[tilespmem:s13+$0xFFFFFFA0] =	vst v3;
	v3 =	vadd.f32 v9, v4;
	v4 =	vld [tilespmem:s13+$0xFFFFFFE0]  }
0x3e8: {  	v9 =	vld [tilespmem:s20+$0xFFFFFFE0]  }
0x3e9: {  	[tilespmem:s13+$0xFFFFFFB0] =	vst v3;
	v3 =	vadd.f32 v7, v8;
	v7 =	vld [tilespmem:s13+$0xFFFFFFF0]  }
0x3ea: {  	v8 =	vld [tilespmem:s20+$0xFFFFFFF0]  }
0x3eb: {  	[tilespmem:s13+$0xFFFFFFC0] =	vst v3;
	v3 =	vadd.f32 v6, v5;
	v5 =	vld [tilespmem:s13+$0x0]  }
0x3ec: {  	v6 =	vld [tilespmem:s20+$0x0]  }
0x3ed: {  	[tilespmem:s13+$0xFFFFFFD0] =	vst v3;
	v3 =	vadd.f32 v9, v4;
	v4 =	vld [tilespmem:s13+$0x20]  }
0x3ee: {  	v9 =	vld [tilespmem:s20+$0x20]  }
0x3ef: {  	[tilespmem:s13+$0xFFFFFFE0] =	vst v3;
	v3 =	vadd.f32 v8, v7;
	v8 =	vld [tilespmem:s13+$0x30]  }
0x3f0: {  	v10 =	vld [tilespmem:s20+$0x30]  }
.Ltmp13:
0x3f1: {  	[tilespmem:s13+$0xFFFFFFF0] =	vst v3;
	v6 =	vadd.f32 v6, v5;
	v3 =	vld [tilespmem:s13+$0x40];
	(pc) =	sbr.rel @p2 .LBB2_27-.Ltmp13, $4  }
0x3f2: {  	v5 =	vld [tilespmem:s20+$0x40]  }
0x3f3: {  	[tilespmem:s13+$0x0] =	vst v6;
	v9 =	vadd.f32 v9, v4;
	v4 =	vld [tilespmem:s13+$0x50]  }
0x3f4: {  	v6 =	vld [tilespmem:s20+$0x50]  }
0x3f5: {  	s13 =	sadd.s32 $0xE0, s13;
	v7 =	vld [tilespmem:s11+$0xFFFFFF90];
	[tilespmem:s11+$0x20] =	vst v9;
	v8 =	vadd.f32 v10, v8  }
0x3f6: {  	_ =	sdelay $0x1  }
0x3f7: {  	v3 =	vadd.f32 v5, v3  }
0x3f8: {  	[tilespmem:s11+$0x30] =	vst v8;
	v4 =	vadd.f32 v6, v4  }
0x3f9: {  	[tilespmem:s11+$0x40] =	vst v3;
	v2 =	vadd.f32 v2, v7  }
0x3fa: {  	[tilespmem:s11+$0x50] =	vst v4  }
0x3fb: {  	[tilespmem:s11+$0xFFFFFF90] =	vst v2  }
0x3fc: {  	_ =	swait.ge [sflag:s7], $0xC40  }
0x3fd: {  	[sflag:s7] =	ssyncset.done $0x0  }
0x3fe: {  	s11 =	simm.s32 $0x17B70;
	s22 =	rddreg [dreg:$0xc];
	[sflag:s7] =	ssyncadd.s32 $0xFFFFF3C0  }
0x3ff: {  	[tilespmem:s3], [sflag:$0x6] =	stream.linear.gather [spmem:s22], $0xC40, $0x38;
	[tilespmem:$0x1E980] =	vst v63  }
0x400: {  	s20 =	simm.s32 $0x16270;
	s21 =	simm.s32 $0x0;
	v3 =	vld [tilespmem:s11+$0x60]  }
0x401: {  	s13 =	sand.u32 $0xFE0, s21;
	v4 =	vld [tilespmem:s20+$0x60]  }
0x402: {  	v5 =	vld [tilespmem:s13+$0x17B80]  }
0x403: {  	v6 =	vld [tilespmem:s13+$0x16280]  }
0x404: {  	v2 =	vld [tilespmem:s20+$0xFFFFFF90]  }
0x405: {  	v7 =	vld [tilespmem:s11+$0xFFFFFFA0]  }
0x406: {  	v8 =	vld [tilespmem:s20+$0xFFFFFFA0]  }
0x407: {  	v9 =	vld [tilespmem:s11+$0xFFFFFFB0]  }
0x408: {  	v10 =	vld [tilespmem:s20+$0xFFFFFFB0]  }
0x409: {  	v11 =	vld [tilespmem:s11+$0xFFFFFFC0]  }
0x40a: {  	v12 =	vld [tilespmem:s20+$0xFFFFFFC0]  }
0x40b: {  	v13 =	vld [tilespmem:s11+$0xFFFFFFD0]  }
0x40c: {  	v14 =	vld [tilespmem:s20+$0xFFFFFFD0]  }
0x40d: {  	v15 =	vld [tilespmem:s11+$0xFFFFFFE0]  }
0x40e: {  	v16 =	vld [tilespmem:s20+$0xFFFFFFE0]  }
0x40f: {  	v17 =	vld [tilespmem:s11+$0xFFFFFFF0]  }
0x410: {  	v3 =	vadd.f32 v4, v3;
	v4 =	vld [tilespmem:s20+$0xFFFFFFF0]  }
0x411: {  	v5 =	vadd.f32 v6, v5;
	v6 =	vld [tilespmem:s11+$0x0]  }
0x412: {  	[tilespmem:s11+$0x60] =	vst v3;
	v3 =	vadd.f32 v8, v7;
	v7 =	vld [tilespmem:s20+$0x0]  }
0x413: {  	[tilespmem:s13+$0x17B80] =	vst v5;
	v5 =	vadd.f32 v10, v9;
	v8 =	vld [tilespmem:s11+$0x20]  }
0x414: {  	v9 =	vld [tilespmem:s20+$0x20];
	[tilespmem:s11+$0xFFFFFFA0] =	vst v3;
	v3 =	vadd.f32 v12, v11  }
0x415: {  	v63 =	vld [tilespmem:s20+$0x30];
	[tilespmem:s11+$0xFFFFFFB0] =	vst v5;
	v5 =	vadd.f32 v14, v13  }
0x416: {  	v10 =	vld [tilespmem:s11+$0x30];
	v11 =	vadd.f32 v16, v15;
	[tilespmem:s11+$0xFFFFFFC0] =	vst v3  }
0x417: {  	v4 =	vadd.f32 v4, v17;
	[tilespmem:s11+$0xFFFFFFD0] =	vst v5;
	v3 =	vld [tilespmem:s11+$0x40]  }
0x418: {  	[tilespmem:s11+$0xFFFFFFE0] =	vst v11;
	v5 =	vld [tilespmem:s20+$0x40];
	v6 =	vadd.f32 v7, v6  }
0x419: {  	[tilespmem:s11+$0xFFFFFFF0] =	vst v4;
	v8 =	vadd.f32 v9, v8;
	v4 =	vld [tilespmem:s11+$0x50]  }
0x41a: {  	[tilespmem:s11+$0x0] =	vst v6;
	v6 =	vld [tilespmem:s20+$0x50]  }
0x41b: {  	s22 =	simm.s32 $0x0;
	s13 =	simm.s32 $0x17C50;
	v7 =	vld [tilespmem:s11+$0xFFFFFF90];
	[tilespmem:s11+$0x20] =	vst v8;
	v8 =	vadd.f32 v63, v10  }
.LBB2_29:
0x41c: {  	v9 =	vld [tilespmem:s13+$0x60];
	s20 =	sadd.s32 $0xE0, s20;
	s21 =	sadd.s32 $0xE0, s21  }
0x41d: {  	s14 =	sand.u32 $0xFE0, s21;
	v10 =	vld [tilespmem:s20+$0x60];
	[tilespmem:s11+$0x30] =	vst v8;
	v3 =	vadd.f32 v5, v3  }
0x41e: {  	s22 =	sadd.s32 $0xE, s22;
	v5 =	vld [tilespmem:s14+$0x17B80]  }
0x41f: {  	p2 =	slt.u32 s22, $0xB6;
	v8 =	vld [tilespmem:s14+$0x16280];
	[tilespmem:s11+$0x40] =	vst v3;
	v3 =	vadd.f32 v6, v4  }
0x420: {  	v4 =	vadd.f32 v2, v7;
	v2 =	vld [tilespmem:s20+$0xFFFFFF90]  }
0x421: {  	v6 =	vld [tilespmem:s13+$0xFFFFFFA0];
	[tilespmem:s11+$0x50] =	vst v3  }
0x422: {  	v3 =	vld [tilespmem:s20+$0xFFFFFFA0];
	[tilespmem:s11+$0xFFFFFF90] =	vst v4;
	s11 =	smov.u32 s13  }
0x423: {  	v7 =	vadd.f32 v10, v9;
	v4 =	vld [tilespmem:s13+$0xFFFFFFB0]  }
0x424: {  	v9 =	vld [tilespmem:s20+$0xFFFFFFB0];
	v5 =	vadd.f32 v8, v5  }
0x425: {  	v8 =	vld [tilespmem:s13+$0xFFFFFFC0];
	[tilespmem:s13+$0x60] =	vst v7  }
0x426: {  	v7 =	vld [tilespmem:s20+$0xFFFFFFC0];
	[tilespmem:s14+$0x17B80] =	vst v5  }
0x427: {  	v3 =	vadd.f32 v3, v6;
	v5 =	vld [tilespmem:s13+$0xFFFFFFD0]  }
0x428: {  	v6 =	vld [tilespmem:s20+$0xFFFFFFD0]  }
0x429: {  	[tilespmem:s13+$0xFFFFFFA0] =	vst v3;
	v3 =	vadd.f32 v9, v4;
	v4 =	vld [tilespmem:s13+$0xFFFFFFE0]  }
0x42a: {  	v9 =	vld [tilespmem:s20+$0xFFFFFFE0]  }
0x42b: {  	[tilespmem:s13+$0xFFFFFFB0] =	vst v3;
	v3 =	vadd.f32 v7, v8;
	v7 =	vld [tilespmem:s13+$0xFFFFFFF0]  }
0x42c: {  	v8 =	vld [tilespmem:s20+$0xFFFFFFF0]  }
0x42d: {  	[tilespmem:s13+$0xFFFFFFC0] =	vst v3;
	v3 =	vadd.f32 v6, v5;
	v5 =	vld [tilespmem:s13+$0x0]  }
0x42e: {  	v6 =	vld [tilespmem:s20+$0x0]  }
0x42f: {  	[tilespmem:s13+$0xFFFFFFD0] =	vst v3;
	v3 =	vadd.f32 v9, v4;
	v4 =	vld [tilespmem:s13+$0x20]  }
0x430: {  	v9 =	vld [tilespmem:s20+$0x20]  }
0x431: {  	[tilespmem:s13+$0xFFFFFFE0] =	vst v3;
	v3 =	vadd.f32 v8, v7;
	v8 =	vld [tilespmem:s13+$0x30]  }
0x432: {  	v10 =	vld [tilespmem:s20+$0x30]  }
.Ltmp14:
0x433: {  	[tilespmem:s13+$0xFFFFFFF0] =	vst v3;
	v6 =	vadd.f32 v6, v5;
	v3 =	vld [tilespmem:s13+$0x40];
	(pc) =	sbr.rel @p2 .LBB2_29-.Ltmp14, $4  }
0x434: {  	v5 =	vld [tilespmem:s20+$0x40]  }
0x435: {  	[tilespmem:s13+$0x0] =	vst v6;
	v9 =	vadd.f32 v9, v4;
	v4 =	vld [tilespmem:s13+$0x50]  }
0x436: {  	v6 =	vld [tilespmem:s20+$0x50]  }
0x437: {  	s13 =	sadd.s32 $0xE0, s13;
	v7 =	vld [tilespmem:s11+$0xFFFFFF90];
	[tilespmem:s11+$0x20] =	vst v9;
	v8 =	vadd.f32 v10, v8  }
0x438: {  	_ =	sdelay $0x1  }
0x439: {  	v3 =	vadd.f32 v5, v3  }
0x43a: {  	[tilespmem:s11+$0x30] =	vst v8;
	v4 =	vadd.f32 v6, v4  }
0x43b: {  	[tilespmem:s11+$0x40] =	vst v3;
	v2 =	vadd.f32 v2, v7  }
0x43c: {  	[tilespmem:s11+$0x50] =	vst v4  }
0x43d: {  	[tilespmem:s11+$0xFFFFFF90] =	vst v2  }
0x43e: {  	_ =	swait.ge [sflag:s5], $0xC40  }
0x43f: {  	[sflag:s5] =	ssyncset.done $0x0  }
0x440: {  	s11 =	simm.s32 $0x17B70;
	[sflag:s5] =	ssyncadd.s32 $0xFFFFF3C0  }
0x441: {  	[tilespmem:s6], [sflag:$0x5] =	stream.linear.gather [spmem:s15], $0xC40, $0x38;
	[tilespmem:$0x1E980] =	vst v63  }
0x442: {  	s20 =	simm.s32 $0x16EF0;
	s21 =	simm.s32 $0x0;
	v3 =	vld [tilespmem:s11+$0x60]  }
0x443: {  	s13 =	sand.u32 $0xFE0, s21;
	v4 =	vld [tilespmem:s20+$0x60]  }
0x444: {  	v5 =	vld [tilespmem:s13+$0x17B80]  }
0x445: {  	v6 =	vld [tilespmem:s13+$0x16F00]  }
0x446: {  	v2 =	vld [tilespmem:s20+$0xFFFFFF90]  }
0x447: {  	v7 =	vld [tilespmem:s11+$0xFFFFFFA0]  }
0x448: {  	v8 =	vld [tilespmem:s20+$0xFFFFFFA0]  }
0x449: {  	v9 =	vld [tilespmem:s11+$0xFFFFFFB0]  }
0x44a: {  	v10 =	vld [tilespmem:s20+$0xFFFFFFB0]  }
0x44b: {  	v11 =	vld [tilespmem:s11+$0xFFFFFFC0]  }
0x44c: {  	v12 =	vld [tilespmem:s20+$0xFFFFFFC0]  }
0x44d: {  	v13 =	vld [tilespmem:s11+$0xFFFFFFD0]  }
0x44e: {  	v14 =	vld [tilespmem:s20+$0xFFFFFFD0]  }
0x44f: {  	v15 =	vld [tilespmem:s11+$0xFFFFFFE0]  }
0x450: {  	v16 =	vld [tilespmem:s20+$0xFFFFFFE0]  }
0x451: {  	v17 =	vld [tilespmem:s11+$0xFFFFFFF0]  }
0x452: {  	v3 =	vadd.f32 v4, v3;
	v4 =	vld [tilespmem:s20+$0xFFFFFFF0]  }
0x453: {  	v5 =	vadd.f32 v6, v5;
	v6 =	vld [tilespmem:s11+$0x0]  }
0x454: {  	[tilespmem:s11+$0x60] =	vst v3;
	v3 =	vadd.f32 v8, v7;
	v7 =	vld [tilespmem:s20+$0x0]  }
0x455: {  	[tilespmem:s13+$0x17B80] =	vst v5;
	v5 =	vadd.f32 v10, v9;
	v8 =	vld [tilespmem:s11+$0x20]  }
0x456: {  	v9 =	vld [tilespmem:s20+$0x20];
	[tilespmem:s11+$0xFFFFFFA0] =	vst v3;
	v3 =	vadd.f32 v12, v11  }
0x457: {  	v63 =	vld [tilespmem:s20+$0x30];
	[tilespmem:s11+$0xFFFFFFB0] =	vst v5;
	v5 =	vadd.f32 v14, v13  }
0x458: {  	v10 =	vld [tilespmem:s11+$0x30];
	v11 =	vadd.f32 v16, v15;
	[tilespmem:s11+$0xFFFFFFC0] =	vst v3  }
0x459: {  	v4 =	vadd.f32 v4, v17;
	[tilespmem:s11+$0xFFFFFFD0] =	vst v5;
	v3 =	vld [tilespmem:s11+$0x40]  }
0x45a: {  	[tilespmem:s11+$0xFFFFFFE0] =	vst v11;
	v5 =	vld [tilespmem:s20+$0x40];
	v6 =	vadd.f32 v7, v6  }
0x45b: {  	[tilespmem:s11+$0xFFFFFFF0] =	vst v4;
	v8 =	vadd.f32 v9, v8;
	v4 =	vld [tilespmem:s11+$0x50]  }
0x45c: {  	[tilespmem:s11+$0x0] =	vst v6;
	v6 =	vld [tilespmem:s20+$0x50]  }
0x45d: {  	s22 =	simm.s32 $0x0;
	s13 =	simm.s32 $0x17C50;
	v7 =	vld [tilespmem:s11+$0xFFFFFF90];
	[tilespmem:s11+$0x20] =	vst v8;
	v8 =	vadd.f32 v63, v10  }
.LBB2_31:
0x45e: {  	v9 =	vld [tilespmem:s13+$0x60];
	s20 =	sadd.s32 $0xE0, s20;
	s21 =	sadd.s32 $0xE0, s21  }
0x45f: {  	s14 =	sand.u32 $0xFE0, s21;
	v10 =	vld [tilespmem:s20+$0x60];
	[tilespmem:s11+$0x30] =	vst v8;
	v3 =	vadd.f32 v5, v3  }
0x460: {  	s22 =	sadd.s32 $0xE, s22;
	v5 =	vld [tilespmem:s14+$0x17B80]  }
0x461: {  	p2 =	slt.u32 s22, $0xB6;
	v8 =	vld [tilespmem:s14+$0x16F00];
	[tilespmem:s11+$0x40] =	vst v3;
	v3 =	vadd.f32 v6, v4  }
0x462: {  	v4 =	vadd.f32 v2, v7;
	v2 =	vld [tilespmem:s20+$0xFFFFFF90]  }
0x463: {  	v6 =	vld [tilespmem:s13+$0xFFFFFFA0];
	[tilespmem:s11+$0x50] =	vst v3  }
0x464: {  	v3 =	vld [tilespmem:s20+$0xFFFFFFA0];
	[tilespmem:s11+$0xFFFFFF90] =	vst v4;
	s11 =	smov.u32 s13  }
0x465: {  	v7 =	vadd.f32 v10, v9;
	v4 =	vld [tilespmem:s13+$0xFFFFFFB0]  }
0x466: {  	v9 =	vld [tilespmem:s20+$0xFFFFFFB0];
	v5 =	vadd.f32 v8, v5  }
0x467: {  	v8 =	vld [tilespmem:s13+$0xFFFFFFC0];
	[tilespmem:s13+$0x60] =	vst v7  }
0x468: {  	v7 =	vld [tilespmem:s20+$0xFFFFFFC0];
	[tilespmem:s14+$0x17B80] =	vst v5  }
0x469: {  	v3 =	vadd.f32 v3, v6;
	v5 =	vld [tilespmem:s13+$0xFFFFFFD0]  }
0x46a: {  	v6 =	vld [tilespmem:s20+$0xFFFFFFD0]  }
0x46b: {  	[tilespmem:s13+$0xFFFFFFA0] =	vst v3;
	v3 =	vadd.f32 v9, v4;
	v4 =	vld [tilespmem:s13+$0xFFFFFFE0]  }
0x46c: {  	v9 =	vld [tilespmem:s20+$0xFFFFFFE0]  }
0x46d: {  	[tilespmem:s13+$0xFFFFFFB0] =	vst v3;
	v3 =	vadd.f32 v7, v8;
	v7 =	vld [tilespmem:s13+$0xFFFFFFF0]  }
0x46e: {  	v8 =	vld [tilespmem:s20+$0xFFFFFFF0]  }
0x46f: {  	[tilespmem:s13+$0xFFFFFFC0] =	vst v3;
	v3 =	vadd.f32 v6, v5;
	v5 =	vld [tilespmem:s13+$0x0]  }
0x470: {  	v6 =	vld [tilespmem:s20+$0x0]  }
0x471: {  	[tilespmem:s13+$0xFFFFFFD0] =	vst v3;
	v3 =	vadd.f32 v9, v4;
	v4 =	vld [tilespmem:s13+$0x20]  }
0x472: {  	v9 =	vld [tilespmem:s20+$0x20]  }
0x473: {  	[tilespmem:s13+$0xFFFFFFE0] =	vst v3;
	v3 =	vadd.f32 v8, v7;
	v8 =	vld [tilespmem:s13+$0x30]  }
0x474: {  	v10 =	vld [tilespmem:s20+$0x30]  }
.Ltmp15:
0x475: {  	[tilespmem:s13+$0xFFFFFFF0] =	vst v3;
	v6 =	vadd.f32 v6, v5;
	v3 =	vld [tilespmem:s13+$0x40];
	(pc) =	sbr.rel @p2 .LBB2_31-.Ltmp15, $4  }
0x476: {  	v5 =	vld [tilespmem:s20+$0x40]  }
0x477: {  	[tilespmem:s13+$0x0] =	vst v6;
	v9 =	vadd.f32 v9, v4;
	v4 =	vld [tilespmem:s13+$0x50]  }
0x478: {  	v6 =	vld [tilespmem:s20+$0x50]  }
0x479: {  	s13 =	sadd.s32 $0xE0, s13;
	v7 =	vld [tilespmem:s11+$0xFFFFFF90];
	[tilespmem:s11+$0x20] =	vst v9;
	v8 =	vadd.f32 v10, v8  }
0x47a: {  	_ =	sdelay $0x1  }
0x47b: {  	v3 =	vadd.f32 v5, v3  }
0x47c: {  	[tilespmem:s11+$0x30] =	vst v8;
	v4 =	vadd.f32 v6, v4  }
0x47d: {  	[tilespmem:s11+$0x40] =	vst v3;
	v2 =	vadd.f32 v2, v7  }
0x47e: {  	[tilespmem:s11+$0x50] =	vst v4  }
0x47f: {  	[tilespmem:s11+$0xFFFFFF90] =	vst v2  }
0x480: {  	_ =	swait.ge [sflag:s7], $0xC40  }
0x481: {  	[sflag:s7] =	ssyncset.done $0x0  }
0x482: {  	s11 =	simm.s32 $0x17B70;
	[sflag:s7] =	ssyncadd.s32 $0xFFFFF3C0  }
0x483: {  	[tilespmem:s3], [sflag:$0x6] =	stream.linear.gather [spmem:s16], $0xC40, $0x38;
	[tilespmem:$0x1E980] =	vst v63  }
0x484: {  	s20 =	simm.s32 $0x16270;
	s21 =	simm.s32 $0x0;
	v3 =	vld [tilespmem:s11+$0x60]  }
0x485: {  	s13 =	sand.u32 $0xFE0, s21;
	v4 =	vld [tilespmem:s20+$0x60]  }
0x486: {  	v5 =	vld [tilespmem:s13+$0x17B80]  }
0x487: {  	v6 =	vld [tilespmem:s13+$0x16280]  }
0x488: {  	v2 =	vld [tilespmem:s20+$0xFFFFFF90]  }
0x489: {  	v7 =	vld [tilespmem:s11+$0xFFFFFFA0]  }
0x48a: {  	v8 =	vld [tilespmem:s20+$0xFFFFFFA0]  }
0x48b: {  	v9 =	vld [tilespmem:s11+$0xFFFFFFB0]  }
0x48c: {  	v10 =	vld [tilespmem:s20+$0xFFFFFFB0]  }
0x48d: {  	v11 =	vld [tilespmem:s11+$0xFFFFFFC0]  }
0x48e: {  	v12 =	vld [tilespmem:s20+$0xFFFFFFC0]  }
0x48f: {  	v13 =	vld [tilespmem:s11+$0xFFFFFFD0]  }
0x490: {  	v14 =	vld [tilespmem:s20+$0xFFFFFFD0]  }
0x491: {  	v15 =	vld [tilespmem:s11+$0xFFFFFFE0]  }
0x492: {  	v16 =	vld [tilespmem:s20+$0xFFFFFFE0]  }
0x493: {  	v17 =	vld [tilespmem:s11+$0xFFFFFFF0]  }
0x494: {  	v3 =	vadd.f32 v4, v3;
	v4 =	vld [tilespmem:s20+$0xFFFFFFF0]  }
0x495: {  	v5 =	vadd.f32 v6, v5;
	v6 =	vld [tilespmem:s11+$0x0]  }
0x496: {  	[tilespmem:s11+$0x60] =	vst v3;
	v3 =	vadd.f32 v8, v7;
	v7 =	vld [tilespmem:s20+$0x0]  }
0x497: {  	[tilespmem:s13+$0x17B80] =	vst v5;
	v5 =	vadd.f32 v10, v9;
	v8 =	vld [tilespmem:s11+$0x20]  }
0x498: {  	v9 =	vld [tilespmem:s20+$0x20];
	[tilespmem:s11+$0xFFFFFFA0] =	vst v3;
	v3 =	vadd.f32 v12, v11  }
0x499: {  	v63 =	vld [tilespmem:s20+$0x30];
	[tilespmem:s11+$0xFFFFFFB0] =	vst v5;
	v5 =	vadd.f32 v14, v13  }
0x49a: {  	v10 =	vld [tilespmem:s11+$0x30];
	v11 =	vadd.f32 v16, v15;
	[tilespmem:s11+$0xFFFFFFC0] =	vst v3  }
0x49b: {  	v4 =	vadd.f32 v4, v17;
	[tilespmem:s11+$0xFFFFFFD0] =	vst v5;
	v3 =	vld [tilespmem:s11+$0x40]  }
0x49c: {  	[tilespmem:s11+$0xFFFFFFE0] =	vst v11;
	v5 =	vld [tilespmem:s20+$0x40];
	v6 =	vadd.f32 v7, v6  }
0x49d: {  	[tilespmem:s11+$0xFFFFFFF0] =	vst v4;
	v8 =	vadd.f32 v9, v8;
	v4 =	vld [tilespmem:s11+$0x50]  }
0x49e: {  	[tilespmem:s11+$0x0] =	vst v6;
	v6 =	vld [tilespmem:s20+$0x50]  }
0x49f: {  	s22 =	simm.s32 $0x0;
	s13 =	simm.s32 $0x17C50;
	v7 =	vld [tilespmem:s11+$0xFFFFFF90];
	[tilespmem:s11+$0x20] =	vst v8;
	v8 =	vadd.f32 v63, v10  }
.LBB2_33:
0x4a0: {  	v9 =	vld [tilespmem:s13+$0x60];
	s20 =	sadd.s32 $0xE0, s20;
	s21 =	sadd.s32 $0xE0, s21  }
0x4a1: {  	s14 =	sand.u32 $0xFE0, s21;
	v10 =	vld [tilespmem:s20+$0x60];
	[tilespmem:s11+$0x30] =	vst v8;
	v3 =	vadd.f32 v5, v3  }
0x4a2: {  	s22 =	sadd.s32 $0xE, s22;
	v5 =	vld [tilespmem:s14+$0x17B80]  }
0x4a3: {  	p2 =	slt.u32 s22, $0xB6;
	v8 =	vld [tilespmem:s14+$0x16280];
	[tilespmem:s11+$0x40] =	vst v3;
	v3 =	vadd.f32 v6, v4  }
0x4a4: {  	v4 =	vadd.f32 v2, v7;
	v2 =	vld [tilespmem:s20+$0xFFFFFF90]  }
0x4a5: {  	v6 =	vld [tilespmem:s13+$0xFFFFFFA0];
	[tilespmem:s11+$0x50] =	vst v3  }
0x4a6: {  	v3 =	vld [tilespmem:s20+$0xFFFFFFA0];
	[tilespmem:s11+$0xFFFFFF90] =	vst v4;
	s11 =	smov.u32 s13  }
0x4a7: {  	v7 =	vadd.f32 v10, v9;
	v4 =	vld [tilespmem:s13+$0xFFFFFFB0]  }
0x4a8: {  	v9 =	vld [tilespmem:s20+$0xFFFFFFB0];
	v5 =	vadd.f32 v8, v5  }
0x4a9: {  	v8 =	vld [tilespmem:s13+$0xFFFFFFC0];
	[tilespmem:s13+$0x60] =	vst v7  }
0x4aa: {  	v7 =	vld [tilespmem:s20+$0xFFFFFFC0];
	[tilespmem:s14+$0x17B80] =	vst v5  }
0x4ab: {  	v3 =	vadd.f32 v3, v6;
	v5 =	vld [tilespmem:s13+$0xFFFFFFD0]  }
0x4ac: {  	v6 =	vld [tilespmem:s20+$0xFFFFFFD0]  }
0x4ad: {  	[tilespmem:s13+$0xFFFFFFA0] =	vst v3;
	v3 =	vadd.f32 v9, v4;
	v4 =	vld [tilespmem:s13+$0xFFFFFFE0]  }
0x4ae: {  	v9 =	vld [tilespmem:s20+$0xFFFFFFE0]  }
0x4af: {  	[tilespmem:s13+$0xFFFFFFB0] =	vst v3;
	v3 =	vadd.f32 v7, v8;
	v7 =	vld [tilespmem:s13+$0xFFFFFFF0]  }
0x4b0: {  	v8 =	vld [tilespmem:s20+$0xFFFFFFF0]  }
0x4b1: {  	[tilespmem:s13+$0xFFFFFFC0] =	vst v3;
	v3 =	vadd.f32 v6, v5;
	v5 =	vld [tilespmem:s13+$0x0]  }
0x4b2: {  	v6 =	vld [tilespmem:s20+$0x0]  }
0x4b3: {  	[tilespmem:s13+$0xFFFFFFD0] =	vst v3;
	v3 =	vadd.f32 v9, v4;
	v4 =	vld [tilespmem:s13+$0x20]  }
0x4b4: {  	v9 =	vld [tilespmem:s20+$0x20]  }
0x4b5: {  	[tilespmem:s13+$0xFFFFFFE0] =	vst v3;
	v3 =	vadd.f32 v8, v7;
	v8 =	vld [tilespmem:s13+$0x30]  }
0x4b6: {  	v10 =	vld [tilespmem:s20+$0x30]  }
.Ltmp16:
0x4b7: {  	[tilespmem:s13+$0xFFFFFFF0] =	vst v3;
	v6 =	vadd.f32 v6, v5;
	v3 =	vld [tilespmem:s13+$0x40];
	(pc) =	sbr.rel @p2 .LBB2_33-.Ltmp16, $4  }
0x4b8: {  	v5 =	vld [tilespmem:s20+$0x40]  }
0x4b9: {  	[tilespmem:s13+$0x0] =	vst v6;
	v9 =	vadd.f32 v9, v4;
	v4 =	vld [tilespmem:s13+$0x50]  }
0x4ba: {  	v6 =	vld [tilespmem:s20+$0x50]  }
0x4bb: {  	s13 =	sadd.s32 $0xE0, s13;
	v7 =	vld [tilespmem:s11+$0xFFFFFF90];
	[tilespmem:s11+$0x20] =	vst v9;
	v8 =	vadd.f32 v10, v8  }
0x4bc: {  	_ =	sdelay $0x1  }
0x4bd: {  	v3 =	vadd.f32 v5, v3  }
0x4be: {  	[tilespmem:s11+$0x30] =	vst v8;
	v4 =	vadd.f32 v6, v4  }
0x4bf: {  	[tilespmem:s11+$0x40] =	vst v3;
	v2 =	vadd.f32 v2, v7  }
0x4c0: {  	[tilespmem:s11+$0x50] =	vst v4  }
0x4c1: {  	[tilespmem:s11+$0xFFFFFF90] =	vst v2  }
0x4c2: {  	_ =	swait.ge [sflag:s5], $0xC40  }
0x4c3: {  	[sflag:s5] =	ssyncset.done $0x0  }
0x4c4: {  	s11 =	simm.s32 $0x17B70;
	[sflag:s5] =	ssyncadd.s32 $0xFFFFF3C0  }
0x4c5: {  	[tilespmem:s6], [sflag:$0x5] =	stream.linear.gather [spmem:s19], $0xC40, $0x38;
	[tilespmem:$0x1E980] =	vst v63  }
0x4c6: {  	s20 =	simm.s32 $0x16EF0;
	s21 =	simm.s32 $0x0;
	v3 =	vld [tilespmem:s11+$0x60]  }
0x4c7: {  	s13 =	sand.u32 $0xFE0, s21;
	v4 =	vld [tilespmem:s20+$0x60]  }
0x4c8: {  	v5 =	vld [tilespmem:s13+$0x17B80]  }
0x4c9: {  	v6 =	vld [tilespmem:s13+$0x16F00]  }
0x4ca: {  	v2 =	vld [tilespmem:s20+$0xFFFFFF90]  }
0x4cb: {  	v7 =	vld [tilespmem:s11+$0xFFFFFFA0]  }
0x4cc: {  	v8 =	vld [tilespmem:s20+$0xFFFFFFA0]  }
0x4cd: {  	v9 =	vld [tilespmem:s11+$0xFFFFFFB0]  }
0x4ce: {  	v10 =	vld [tilespmem:s20+$0xFFFFFFB0]  }
0x4cf: {  	v11 =	vld [tilespmem:s11+$0xFFFFFFC0]  }
0x4d0: {  	v12 =	vld [tilespmem:s20+$0xFFFFFFC0]  }
0x4d1: {  	v13 =	vld [tilespmem:s11+$0xFFFFFFD0]  }
0x4d2: {  	v14 =	vld [tilespmem:s20+$0xFFFFFFD0]  }
0x4d3: {  	v15 =	vld [tilespmem:s11+$0xFFFFFFE0]  }
0x4d4: {  	v16 =	vld [tilespmem:s20+$0xFFFFFFE0]  }
0x4d5: {  	v17 =	vld [tilespmem:s11+$0xFFFFFFF0]  }
0x4d6: {  	v3 =	vadd.f32 v4, v3;
	v4 =	vld [tilespmem:s20+$0xFFFFFFF0]  }
0x4d7: {  	v5 =	vadd.f32 v6, v5;
	v6 =	vld [tilespmem:s11+$0x0]  }
0x4d8: {  	[tilespmem:s11+$0x60] =	vst v3;
	v3 =	vadd.f32 v8, v7;
	v7 =	vld [tilespmem:s20+$0x0]  }
0x4d9: {  	[tilespmem:s13+$0x17B80] =	vst v5;
	v5 =	vadd.f32 v10, v9;
	v8 =	vld [tilespmem:s11+$0x20]  }
0x4da: {  	v9 =	vld [tilespmem:s20+$0x20];
	[tilespmem:s11+$0xFFFFFFA0] =	vst v3;
	v3 =	vadd.f32 v12, v11  }
0x4db: {  	v63 =	vld [tilespmem:s20+$0x30];
	[tilespmem:s11+$0xFFFFFFB0] =	vst v5;
	v5 =	vadd.f32 v14, v13  }
0x4dc: {  	v10 =	vld [tilespmem:s11+$0x30];
	v11 =	vadd.f32 v16, v15;
	[tilespmem:s11+$0xFFFFFFC0] =	vst v3  }
0x4dd: {  	v4 =	vadd.f32 v4, v17;
	[tilespmem:s11+$0xFFFFFFD0] =	vst v5;
	v3 =	vld [tilespmem:s11+$0x40]  }
0x4de: {  	[tilespmem:s11+$0xFFFFFFE0] =	vst v11;
	v5 =	vld [tilespmem:s20+$0x40];
	v6 =	vadd.f32 v7, v6  }
0x4df: {  	[tilespmem:s11+$0xFFFFFFF0] =	vst v4;
	v8 =	vadd.f32 v9, v8;
	v4 =	vld [tilespmem:s11+$0x50]  }
0x4e0: {  	[tilespmem:s11+$0x0] =	vst v6;
	v6 =	vld [tilespmem:s20+$0x50]  }
0x4e1: {  	s22 =	simm.s32 $0x0;
	s13 =	simm.s32 $0x17C50;
	v7 =	vld [tilespmem:s11+$0xFFFFFF90];
	[tilespmem:s11+$0x20] =	vst v8;
	v8 =	vadd.f32 v63, v10  }
.LBB2_35:
0x4e2: {  	v9 =	vld [tilespmem:s13+$0x60];
	s20 =	sadd.s32 $0xE0, s20;
	s21 =	sadd.s32 $0xE0, s21  }
0x4e3: {  	s14 =	sand.u32 $0xFE0, s21;
	v10 =	vld [tilespmem:s20+$0x60];
	[tilespmem:s11+$0x30] =	vst v8;
	v3 =	vadd.f32 v5, v3  }
0x4e4: {  	s22 =	sadd.s32 $0xE, s22;
	v5 =	vld [tilespmem:s14+$0x17B80]  }
0x4e5: {  	p2 =	slt.u32 s22, $0xB6;
	v8 =	vld [tilespmem:s14+$0x16F00];
	[tilespmem:s11+$0x40] =	vst v3;
	v3 =	vadd.f32 v6, v4  }
0x4e6: {  	v4 =	vadd.f32 v2, v7;
	v2 =	vld [tilespmem:s20+$0xFFFFFF90]  }
0x4e7: {  	v6 =	vld [tilespmem:s13+$0xFFFFFFA0];
	[tilespmem:s11+$0x50] =	vst v3  }
0x4e8: {  	v3 =	vld [tilespmem:s20+$0xFFFFFFA0];
	[tilespmem:s11+$0xFFFFFF90] =	vst v4;
	s11 =	smov.u32 s13  }
0x4e9: {  	v7 =	vadd.f32 v10, v9;
	v4 =	vld [tilespmem:s13+$0xFFFFFFB0]  }
0x4ea: {  	v9 =	vld [tilespmem:s20+$0xFFFFFFB0];
	v5 =	vadd.f32 v8, v5  }
0x4eb: {  	v8 =	vld [tilespmem:s13+$0xFFFFFFC0];
	[tilespmem:s13+$0x60] =	vst v7  }
0x4ec: {  	v7 =	vld [tilespmem:s20+$0xFFFFFFC0];
	[tilespmem:s14+$0x17B80] =	vst v5  }
0x4ed: {  	v3 =	vadd.f32 v3, v6;
	v5 =	vld [tilespmem:s13+$0xFFFFFFD0]  }
0x4ee: {  	v6 =	vld [tilespmem:s20+$0xFFFFFFD0]  }
0x4ef: {  	[tilespmem:s13+$0xFFFFFFA0] =	vst v3;
	v3 =	vadd.f32 v9, v4;
	v4 =	vld [tilespmem:s13+$0xFFFFFFE0]  }
0x4f0: {  	v9 =	vld [tilespmem:s20+$0xFFFFFFE0]  }
0x4f1: {  	[tilespmem:s13+$0xFFFFFFB0] =	vst v3;
	v3 =	vadd.f32 v7, v8;
	v7 =	vld [tilespmem:s13+$0xFFFFFFF0]  }
0x4f2: {  	v8 =	vld [tilespmem:s20+$0xFFFFFFF0]  }
0x4f3: {  	[tilespmem:s13+$0xFFFFFFC0] =	vst v3;
	v3 =	vadd.f32 v6, v5;
	v5 =	vld [tilespmem:s13+$0x0]  }
0x4f4: {  	v6 =	vld [tilespmem:s20+$0x0]  }
0x4f5: {  	[tilespmem:s13+$0xFFFFFFD0] =	vst v3;
	v3 =	vadd.f32 v9, v4;
	v4 =	vld [tilespmem:s13+$0x20]  }
0x4f6: {  	v9 =	vld [tilespmem:s20+$0x20]  }
0x4f7: {  	[tilespmem:s13+$0xFFFFFFE0] =	vst v3;
	v3 =	vadd.f32 v8, v7;
	v8 =	vld [tilespmem:s13+$0x30]  }
0x4f8: {  	v10 =	vld [tilespmem:s20+$0x30]  }
.Ltmp17:
0x4f9: {  	[tilespmem:s13+$0xFFFFFFF0] =	vst v3;
	v6 =	vadd.f32 v6, v5;
	v3 =	vld [tilespmem:s13+$0x40];
	(pc) =	sbr.rel @p2 .LBB2_35-.Ltmp17, $4  }
0x4fa: {  	v5 =	vld [tilespmem:s20+$0x40]  }
0x4fb: {  	[tilespmem:s13+$0x0] =	vst v6;
	v9 =	vadd.f32 v9, v4;
	v4 =	vld [tilespmem:s13+$0x50]  }
0x4fc: {  	v6 =	vld [tilespmem:s20+$0x50]  }
0x4fd: {  	s13 =	sadd.s32 $0xE0, s13;
	v7 =	vld [tilespmem:s11+$0xFFFFFF90];
	[tilespmem:s11+$0x20] =	vst v9;
	v8 =	vadd.f32 v10, v8  }
0x4fe: {  	_ =	sdelay $0x1  }
0x4ff: {  	v3 =	vadd.f32 v5, v3  }
0x500: {  	[tilespmem:s11+$0x30] =	vst v8;
	v4 =	vadd.f32 v6, v4  }
0x501: {  	[tilespmem:s11+$0x40] =	vst v3;
	v2 =	vadd.f32 v2, v7  }
0x502: {  	[tilespmem:s11+$0x50] =	vst v4  }
0x503: {  	[tilespmem:s11+$0xFFFFFF90] =	vst v2  }
0x504: {  	_ =	swait.ge [sflag:s7], $0xC40  }
0x505: {  	[sflag:s7] =	ssyncset.done $0x0  }
0x506: {  	s11 =	simm.s32 $0x17B70;
	[sflag:s7] =	ssyncadd.s32 $0xFFFFF3C0  }
0x507: {  	[tilespmem:s3], [sflag:$0x6] =	stream.linear.gather [spmem:s18], $0xC40, $0x38;
	[tilespmem:$0x1E980] =	vst v63  }
0x508: {  	s20 =	simm.s32 $0x16270;
	s21 =	simm.s32 $0x0;
	v3 =	vld [tilespmem:s11+$0x60]  }
0x509: {  	s13 =	sand.u32 $0xFE0, s21;
	v4 =	vld [tilespmem:s20+$0x60]  }
0x50a: {  	v5 =	vld [tilespmem:s13+$0x17B80]  }
0x50b: {  	v6 =	vld [tilespmem:s13+$0x16280]  }
0x50c: {  	v2 =	vld [tilespmem:s20+$0xFFFFFF90]  }
0x50d: {  	v7 =	vld [tilespmem:s11+$0xFFFFFFA0]  }
0x50e: {  	v8 =	vld [tilespmem:s20+$0xFFFFFFA0]  }
0x50f: {  	v9 =	vld [tilespmem:s11+$0xFFFFFFB0]  }
0x510: {  	v10 =	vld [tilespmem:s20+$0xFFFFFFB0]  }
0x511: {  	v11 =	vld [tilespmem:s11+$0xFFFFFFC0]  }
0x512: {  	v12 =	vld [tilespmem:s20+$0xFFFFFFC0]  }
0x513: {  	v13 =	vld [tilespmem:s11+$0xFFFFFFD0]  }
0x514: {  	v14 =	vld [tilespmem:s20+$0xFFFFFFD0]  }
0x515: {  	v15 =	vld [tilespmem:s11+$0xFFFFFFE0]  }
0x516: {  	v16 =	vld [tilespmem:s20+$0xFFFFFFE0]  }
0x517: {  	v17 =	vld [tilespmem:s11+$0xFFFFFFF0]  }
0x518: {  	v3 =	vadd.f32 v4, v3;
	v4 =	vld [tilespmem:s20+$0xFFFFFFF0]  }
0x519: {  	v5 =	vadd.f32 v6, v5;
	v6 =	vld [tilespmem:s11+$0x0]  }
0x51a: {  	[tilespmem:s11+$0x60] =	vst v3;
	v3 =	vadd.f32 v8, v7;
	v7 =	vld [tilespmem:s20+$0x0]  }
0x51b: {  	[tilespmem:s13+$0x17B80] =	vst v5;
	v5 =	vadd.f32 v10, v9;
	v8 =	vld [tilespmem:s11+$0x20]  }
0x51c: {  	v9 =	vld [tilespmem:s20+$0x20];
	[tilespmem:s11+$0xFFFFFFA0] =	vst v3;
	v3 =	vadd.f32 v12, v11  }
0x51d: {  	v63 =	vld [tilespmem:s20+$0x30];
	[tilespmem:s11+$0xFFFFFFB0] =	vst v5;
	v5 =	vadd.f32 v14, v13  }
0x51e: {  	v10 =	vld [tilespmem:s11+$0x30];
	v11 =	vadd.f32 v16, v15;
	[tilespmem:s11+$0xFFFFFFC0] =	vst v3  }
0x51f: {  	v4 =	vadd.f32 v4, v17;
	[tilespmem:s11+$0xFFFFFFD0] =	vst v5;
	v3 =	vld [tilespmem:s11+$0x40]  }
0x520: {  	[tilespmem:s11+$0xFFFFFFE0] =	vst v11;
	v5 =	vld [tilespmem:s20+$0x40];
	v6 =	vadd.f32 v7, v6  }
0x521: {  	[tilespmem:s11+$0xFFFFFFF0] =	vst v4;
	v8 =	vadd.f32 v9, v8;
	v4 =	vld [tilespmem:s11+$0x50]  }
0x522: {  	[tilespmem:s11+$0x0] =	vst v6;
	v6 =	vld [tilespmem:s20+$0x50]  }
0x523: {  	s22 =	simm.s32 $0x0;
	s13 =	simm.s32 $0x17C50;
	v7 =	vld [tilespmem:s11+$0xFFFFFF90];
	[tilespmem:s11+$0x20] =	vst v8;
	v8 =	vadd.f32 v63, v10  }
.LBB2_37:
0x524: {  	v9 =	vld [tilespmem:s13+$0x60];
	s20 =	sadd.s32 $0xE0, s20;
	s21 =	sadd.s32 $0xE0, s21  }
0x525: {  	s14 =	sand.u32 $0xFE0, s21;
	v10 =	vld [tilespmem:s20+$0x60];
	[tilespmem:s11+$0x30] =	vst v8;
	v3 =	vadd.f32 v5, v3  }
0x526: {  	s22 =	sadd.s32 $0xE, s22;
	v5 =	vld [tilespmem:s14+$0x17B80]  }
0x527: {  	p2 =	slt.u32 s22, $0xB6;
	v8 =	vld [tilespmem:s14+$0x16280];
	[tilespmem:s11+$0x40] =	vst v3;
	v3 =	vadd.f32 v6, v4  }
0x528: {  	v4 =	vadd.f32 v2, v7;
	v2 =	vld [tilespmem:s20+$0xFFFFFF90]  }
0x529: {  	v6 =	vld [tilespmem:s13+$0xFFFFFFA0];
	[tilespmem:s11+$0x50] =	vst v3  }
0x52a: {  	v3 =	vld [tilespmem:s20+$0xFFFFFFA0];
	[tilespmem:s11+$0xFFFFFF90] =	vst v4;
	s11 =	smov.u32 s13  }
0x52b: {  	v7 =	vadd.f32 v10, v9;
	v4 =	vld [tilespmem:s13+$0xFFFFFFB0]  }
0x52c: {  	v9 =	vld [tilespmem:s20+$0xFFFFFFB0];
	v5 =	vadd.f32 v8, v5  }
0x52d: {  	v8 =	vld [tilespmem:s13+$0xFFFFFFC0];
	[tilespmem:s13+$0x60] =	vst v7  }
0x52e: {  	v7 =	vld [tilespmem:s20+$0xFFFFFFC0];
	[tilespmem:s14+$0x17B80] =	vst v5  }
0x52f: {  	v3 =	vadd.f32 v3, v6;
	v5 =	vld [tilespmem:s13+$0xFFFFFFD0]  }
0x530: {  	v6 =	vld [tilespmem:s20+$0xFFFFFFD0]  }
0x531: {  	[tilespmem:s13+$0xFFFFFFA0] =	vst v3;
	v3 =	vadd.f32 v9, v4;
	v4 =	vld [tilespmem:s13+$0xFFFFFFE0]  }
0x532: {  	v9 =	vld [tilespmem:s20+$0xFFFFFFE0]  }
0x533: {  	[tilespmem:s13+$0xFFFFFFB0] =	vst v3;
	v3 =	vadd.f32 v7, v8;
	v7 =	vld [tilespmem:s13+$0xFFFFFFF0]  }
0x534: {  	v8 =	vld [tilespmem:s20+$0xFFFFFFF0]  }
0x535: {  	[tilespmem:s13+$0xFFFFFFC0] =	vst v3;
	v3 =	vadd.f32 v6, v5;
	v5 =	vld [tilespmem:s13+$0x0]  }
0x536: {  	v6 =	vld [tilespmem:s20+$0x0]  }
0x537: {  	[tilespmem:s13+$0xFFFFFFD0] =	vst v3;
	v3 =	vadd.f32 v9, v4;
	v4 =	vld [tilespmem:s13+$0x20]  }
0x538: {  	v9 =	vld [tilespmem:s20+$0x20]  }
0x539: {  	[tilespmem:s13+$0xFFFFFFE0] =	vst v3;
	v3 =	vadd.f32 v8, v7;
	v8 =	vld [tilespmem:s13+$0x30]  }
0x53a: {  	v10 =	vld [tilespmem:s20+$0x30]  }
.Ltmp18:
0x53b: {  	[tilespmem:s13+$0xFFFFFFF0] =	vst v3;
	v6 =	vadd.f32 v6, v5;
	v3 =	vld [tilespmem:s13+$0x40];
	(pc) =	sbr.rel @p2 .LBB2_37-.Ltmp18, $4  }
0x53c: {  	v5 =	vld [tilespmem:s20+$0x40]  }
0x53d: {  	[tilespmem:s13+$0x0] =	vst v6;
	v9 =	vadd.f32 v9, v4;
	v4 =	vld [tilespmem:s13+$0x50]  }
0x53e: {  	v6 =	vld [tilespmem:s20+$0x50]  }
0x53f: {  	s13 =	sadd.s32 $0xE0, s13;
	v7 =	vld [tilespmem:s11+$0xFFFFFF90];
	[tilespmem:s11+$0x20] =	vst v9;
	v8 =	vadd.f32 v10, v8  }
0x540: {  	_ =	sdelay $0x1  }
0x541: {  	v3 =	vadd.f32 v5, v3  }
0x542: {  	[tilespmem:s11+$0x30] =	vst v8;
	v4 =	vadd.f32 v6, v4  }
0x543: {  	[tilespmem:s11+$0x40] =	vst v3;
	v2 =	vadd.f32 v2, v7  }
0x544: {  	[tilespmem:s11+$0x50] =	vst v4  }
0x545: {  	[tilespmem:s11+$0xFFFFFF90] =	vst v2  }
0x546: {  	_ =	swait.ge [sflag:s5], $0xC40  }
0x547: {  	[sflag:s5] =	ssyncset.done $0x0  }
0x548: {  	s11 =	simm.s32 $0x17B70;
	[sflag:s5] =	ssyncadd.s32 $0xFFFFF3C0  }
0x549: {  	s20 =	simm.s32 $0x16EF0;
	s21 =	simm.s32 $0x0;
	v3 =	vld [tilespmem:s11+$0x60]  }
0x54a: {  	s13 =	sand.u32 $0xFE0, s21;
	v4 =	vld [tilespmem:s20+$0x60]  }
0x54b: {  	v5 =	vld [tilespmem:s13+$0x17B80]  }
0x54c: {  	v6 =	vld [tilespmem:s13+$0x16F00]  }
0x54d: {  	v2 =	vld [tilespmem:s20+$0xFFFFFF90]  }
0x54e: {  	v7 =	vld [tilespmem:s11+$0xFFFFFFA0]  }
0x54f: {  	v8 =	vld [tilespmem:s20+$0xFFFFFFA0]  }
0x550: {  	v9 =	vld [tilespmem:s11+$0xFFFFFFB0]  }
0x551: {  	v10 =	vld [tilespmem:s20+$0xFFFFFFB0]  }
0x552: {  	v11 =	vld [tilespmem:s11+$0xFFFFFFC0]  }
0x553: {  	v12 =	vld [tilespmem:s20+$0xFFFFFFC0]  }
0x554: {  	v13 =	vld [tilespmem:s11+$0xFFFFFFD0]  }
0x555: {  	v14 =	vld [tilespmem:s20+$0xFFFFFFD0]  }
0x556: {  	v15 =	vld [tilespmem:s11+$0xFFFFFFE0]  }
0x557: {  	v16 =	vld [tilespmem:s20+$0xFFFFFFE0]  }
0x558: {  	v17 =	vld [tilespmem:s11+$0xFFFFFFF0]  }
0x559: {  	v3 =	vadd.f32 v4, v3;
	v4 =	vld [tilespmem:s20+$0xFFFFFFF0]  }
0x55a: {  	v5 =	vadd.f32 v6, v5;
	v6 =	vld [tilespmem:s11+$0x0]  }
0x55b: {  	[tilespmem:s11+$0x60] =	vst v3;
	v3 =	vadd.f32 v8, v7;
	v7 =	vld [tilespmem:s20+$0x0]  }
0x55c: {  	[tilespmem:s13+$0x17B80] =	vst v5;
	v5 =	vadd.f32 v10, v9;
	v8 =	vld [tilespmem:s11+$0x20]  }
0x55d: {  	v9 =	vld [tilespmem:s20+$0x20];
	[tilespmem:s11+$0xFFFFFFA0] =	vst v3;
	v3 =	vadd.f32 v12, v11  }
0x55e: {  	v63 =	vld [tilespmem:s20+$0x30];
	[tilespmem:s11+$0xFFFFFFB0] =	vst v5;
	v5 =	vadd.f32 v14, v13  }
0x55f: {  	v10 =	vld [tilespmem:s11+$0x30];
	v11 =	vadd.f32 v16, v15;
	[tilespmem:s11+$0xFFFFFFC0] =	vst v3  }
0x560: {  	v4 =	vadd.f32 v4, v17;
	[tilespmem:s11+$0xFFFFFFD0] =	vst v5;
	v3 =	vld [tilespmem:s11+$0x40]  }
0x561: {  	[tilespmem:s11+$0xFFFFFFE0] =	vst v11;
	v5 =	vld [tilespmem:s20+$0x40];
	v6 =	vadd.f32 v7, v6  }
0x562: {  	[tilespmem:s11+$0xFFFFFFF0] =	vst v4;
	v8 =	vadd.f32 v9, v8;
	v4 =	vld [tilespmem:s11+$0x50]  }
0x563: {  	[tilespmem:s11+$0x0] =	vst v6;
	v6 =	vld [tilespmem:s20+$0x50]  }
0x564: {  	s22 =	simm.s32 $0x0;
	s13 =	simm.s32 $0x17C50;
	v7 =	vld [tilespmem:s11+$0xFFFFFF90];
	[tilespmem:s11+$0x20] =	vst v8;
	v8 =	vadd.f32 v63, v10  }
.LBB2_39:
0x565: {  	v9 =	vld [tilespmem:s13+$0x60];
	s20 =	sadd.s32 $0xE0, s20;
	s21 =	sadd.s32 $0xE0, s21  }
0x566: {  	s14 =	sand.u32 $0xFE0, s21;
	v10 =	vld [tilespmem:s20+$0x60];
	[tilespmem:s11+$0x30] =	vst v8;
	v3 =	vadd.f32 v5, v3  }
0x567: {  	s22 =	sadd.s32 $0xE, s22;
	v5 =	vld [tilespmem:s14+$0x17B80]  }
0x568: {  	p2 =	slt.u32 s22, $0xB6;
	v8 =	vld [tilespmem:s14+$0x16F00];
	[tilespmem:s11+$0x40] =	vst v3;
	v3 =	vadd.f32 v6, v4  }
0x569: {  	v4 =	vadd.f32 v2, v7;
	v2 =	vld [tilespmem:s20+$0xFFFFFF90]  }
0x56a: {  	v6 =	vld [tilespmem:s13+$0xFFFFFFA0];
	[tilespmem:s11+$0x50] =	vst v3  }
0x56b: {  	v3 =	vld [tilespmem:s20+$0xFFFFFFA0];
	[tilespmem:s11+$0xFFFFFF90] =	vst v4;
	s11 =	smov.u32 s13  }
0x56c: {  	v7 =	vadd.f32 v10, v9;
	v4 =	vld [tilespmem:s13+$0xFFFFFFB0]  }
0x56d: {  	v9 =	vld [tilespmem:s20+$0xFFFFFFB0];
	v5 =	vadd.f32 v8, v5  }
0x56e: {  	v8 =	vld [tilespmem:s13+$0xFFFFFFC0];
	[tilespmem:s13+$0x60] =	vst v7  }
0x56f: {  	v7 =	vld [tilespmem:s20+$0xFFFFFFC0];
	[tilespmem:s14+$0x17B80] =	vst v5  }
0x570: {  	v3 =	vadd.f32 v3, v6;
	v5 =	vld [tilespmem:s13+$0xFFFFFFD0]  }
0x571: {  	v6 =	vld [tilespmem:s20+$0xFFFFFFD0]  }
0x572: {  	[tilespmem:s13+$0xFFFFFFA0] =	vst v3;
	v3 =	vadd.f32 v9, v4;
	v4 =	vld [tilespmem:s13+$0xFFFFFFE0]  }
0x573: {  	v9 =	vld [tilespmem:s20+$0xFFFFFFE0]  }
0x574: {  	[tilespmem:s13+$0xFFFFFFB0] =	vst v3;
	v3 =	vadd.f32 v7, v8;
	v7 =	vld [tilespmem:s13+$0xFFFFFFF0]  }
0x575: {  	v8 =	vld [tilespmem:s20+$0xFFFFFFF0]  }
0x576: {  	[tilespmem:s13+$0xFFFFFFC0] =	vst v3;
	v3 =	vadd.f32 v6, v5;
	v5 =	vld [tilespmem:s13+$0x0]  }
0x577: {  	v6 =	vld [tilespmem:s20+$0x0]  }
0x578: {  	[tilespmem:s13+$0xFFFFFFD0] =	vst v3;
	v3 =	vadd.f32 v9, v4;
	v4 =	vld [tilespmem:s13+$0x20]  }
0x579: {  	v9 =	vld [tilespmem:s20+$0x20]  }
0x57a: {  	[tilespmem:s13+$0xFFFFFFE0] =	vst v3;
	v3 =	vadd.f32 v8, v7;
	v8 =	vld [tilespmem:s13+$0x30]  }
0x57b: {  	v10 =	vld [tilespmem:s20+$0x30]  }
.Ltmp19:
0x57c: {  	[tilespmem:s13+$0xFFFFFFF0] =	vst v3;
	v6 =	vadd.f32 v6, v5;
	v3 =	vld [tilespmem:s13+$0x40];
	(pc) =	sbr.rel @p2 .LBB2_39-.Ltmp19, $4  }
0x57d: {  	v5 =	vld [tilespmem:s20+$0x40]  }
0x57e: {  	[tilespmem:s13+$0x0] =	vst v6;
	v9 =	vadd.f32 v9, v4;
	v4 =	vld [tilespmem:s13+$0x50]  }
0x57f: {  	v6 =	vld [tilespmem:s20+$0x50]  }
0x580: {  	s13 =	sadd.s32 $0xE0, s13;
	v7 =	vld [tilespmem:s11+$0xFFFFFF90];
	[tilespmem:s11+$0x20] =	vst v9;
	v8 =	vadd.f32 v10, v8  }
0x581: {  	_ =	sdelay $0x1  }
0x582: {  	v3 =	vadd.f32 v5, v3  }
0x583: {  	[tilespmem:s11+$0x30] =	vst v8;
	v4 =	vadd.f32 v6, v4  }
0x584: {  	[tilespmem:s11+$0x40] =	vst v3;
	v2 =	vadd.f32 v2, v7  }
0x585: {  	[tilespmem:s11+$0x50] =	vst v4  }
0x586: {  	[tilespmem:s11+$0xFFFFFF90] =	vst v2  }
0x587: {  	s12 =	simm.s32 $0x17B00;
	s11 =	rddreg [dreg:$0xf]  }
0x588: {  	[hbm4b:s11+s4] =	stream.linear.scatter [tilespmem:s12], [sflag:$0x7], $0xC40, $0x38;
	[tilespmem:$0x1E980] =	vst v63  }
0x589: {  	_ =	swait.ge [sflag:s0], $0xC40  }
0x58a: {  	s8 =	sadd.s32 $0x1, s8;
	s22 =	rddreg [dreg:$0x10]  }
0x58b: {  	p2 =	sne.s32 s8, s22  }
.Ltmp20:
0x58c: {  	_ = 	snop;
	(pc) =	sbr.rel @p2 .LBB2_1-.Ltmp20, $3  }
0x58d: {  	_ =	sdelay $0x1  }
0x58e: {  	[sflag:s0] =	ssyncset.done $0x0  }
0x58f: {  	[sflag:s0] =	ssyncadd.s32 $0xFFFFF3C0  }
0x590: {  	_ =	sfence.sel $0x180000  }
0x591: {  	[bflag:$0x0] =	sbarrier.arrive $0xFFFF  }
0x592: {  	_ =	strace $0x90000047  }
0x593: {  	s0 =	stileid.u32;
	[bflag:$0x2] =	sbarrier.arrive $0xFFFF  }
0x594: {  	p0 =	sne.s32 s0, $0x0;
	s0 =	rddreg [dreg:$0x4]  }
0x595: {  	s0 =	sadd.s32 @!p0 $0x100000, s0  }
0x596: {  	[sflag:s0] =	ssyncadd.tile.s32 @!p0 $0x1;
	_ =	shalt  }
.Lfunc_end2:
_tile_overlayer_lowered:
.L_overlay_start_2:
0x597: {  	(tag) =	ssettag $0x2  }
0x598: {  	s0 =	rddreg [dreg:$0x0];
	s2 =	stileid.u32  }
0x599: {  	s1 =	rddreg [dreg:$0x1];
	p0 =	sne.s32 s2, $0x0  }
0x59a: {  	s3 =	rddreg [dreg:$0x2];
	[bflag:$0x3] =	sbarrier.arrive $0xFFFF;
	s2 =	simm.s32 @!p0 $0x1C07  }
0x59b: {  	[timem:s3], [sflag:s2] =	dma.local @!p0 [hbm:s0], s1  }
0x59c: {  	s0 =	simm.s32 @!p0 $0x7  }
0x59d: {  	_ =	swait.ge @!p0 [sflag:s0], s1  }
0x59e: {  	s1 =	ssub.s32 @!p0 $0x0, s1;
	[sflag:s0] =	ssyncset.done @!p0 $0x0  }
0x59f: {  	[sflag:s0] =	ssyncadd.s32 @!p0 s1  }
0x5a0: {  	[bflag:$0x3] =	sbarrier.arrive $0xFFFF  }
0x5a1: {  	_ =	shalt  }

</sc_bundles>
